<compile_context>
chip_gen: v7x
topology: tpu7x:2x2x1
jax: 0.10.2.dev20260603
libtpu: 0.0.44.dev20260713+nightly
codegen_flags: <defaults>
</compile_context>

<pallas_src>
import jax
import jax.numpy as jnp
from jax import lax
from jax.experimental import pallas as pl
from jax.experimental.pallas import tpu as pltpu
from jax.experimental.pallas import tpu_sc as plsc

NC = 2
NS = 16
NW = NC * NS
LANES = 16
LAGS = 8
F = 32
CHUNK = 128
SUP = 8


def _ceil_to(a, b):
    return (a + b - 1) // b * b


def _deg_sc(src2d, w2d, *, n_pad, rows_per_tile, nsup):
    npt = n_pad // NS

    def body(src_ref, w_ref, degp_ref, idx_v, w_v, zbuf, acc, sem):
        c = lax.axis_index("c")
        s = lax.axis_index("s")
        tid = c * NS + s

        def z16(i, _):
            zbuf[pl.ds(i * LANES, LANES)] = jnp.zeros((LANES,), jnp.float32)
            return 0
        lax.fori_loop(0, npt // LANES, z16, 0)
        pltpu.sync_copy(zbuf, acc.at[pl.ds(s * npt, npt)])
        plsc.subcore_barrier()

        def sup(k, _):
            rowbase = tid * rows_per_tile + k * SUP
            pltpu.sync_copy(src_ref.at[pl.ds(rowbase, SUP), :], idx_v)
            pltpu.sync_copy(w_ref.at[pl.ds(rowbase, SUP), :], w_v)
            descs = [
                pltpu.async_copy(w_v.at[j], acc.at[idx_v.at[j]], sem, add=True)
                for j in range(SUP)
            ]
            for d in descs:
                d.wait()
            return 0
        lax.fori_loop(0, nsup, sup, 0)
        plsc.subcore_barrier()
        pltpu.sync_copy(acc.at[pl.ds(s * npt, npt)],
                        degp_ref.at[c, pl.ds(s * npt, npt)])

    return pl.kernel(
        body,
        out_type=jax.ShapeDtypeStruct((NC, n_pad), jnp.float32),
        mesh=plsc.VectorSubcoreMesh(core_axis_name="c", subcore_axis_name="s"),
        scratch_types=[
            pltpu.VMEM((SUP, CHUNK), jnp.int32),
            pltpu.VMEM((SUP, CHUNK), jnp.float32),
            pltpu.VMEM((npt,), jnp.float32),
            pltpu.VMEM_SHARED((n_pad,), jnp.float32),
            pltpu.SemaphoreType.DMA,
        ],
        name="deg_scatter_sc",
    )(src2d, w2d)


def _msg_sc(src2d, dst2d, w2d, yT, *, n_pad, rows_per_tile, nsup):
    npt = n_pad // NS

    def body(src_ref, dst_ref, w_ref, y_ref, accp_ref,
             sidx, didx, wv, rbuf, zbuf, y0, y1, y2, y3, y4, y5, y6, y7,
             a0, a1, a2, a3, a4, a5, a6, a7, gsem, ssem):
        c = lax.axis_index("c")
        s = lax.axis_index("s")
        tid = c * NS + s
        ys = [y0, y1, y2, y3, y4, y5, y6, y7]
        accs = [a0, a1, a2, a3, a4, a5, a6, a7]
        sl = pl.ds(s * npt, npt)

        def z16(i, _):
            zbuf[pl.ds(i * LANES, LANES)] = jnp.zeros((LANES,), jnp.float32)
            return 0
        lax.fori_loop(0, npt // LANES, z16, 0)
        for f in range(LAGS):
            pltpu.sync_copy(y_ref.at[f, sl], ys[f].at[sl])
            pltpu.sync_copy(zbuf, accs[f].at[sl])
        plsc.subcore_barrier()

        def sup(k, _):
            rowbase = tid * rows_per_tile + k * SUP
            pltpu.sync_copy(src_ref.at[pl.ds(rowbase, SUP), :], sidx)
            pltpu.sync_copy(dst_ref.at[pl.ds(rowbase, SUP), :], didx)
            pltpu.sync_copy(w_ref.at[pl.ds(rowbase, SUP), :], wv)

            def chunk(j, _):
                gds = [
                    pltpu.async_copy(ys[f].at[sidx.at[j]], rbuf.at[f], gsem)
                    for f in range(LAGS)
                ]
                for d in gds:
                    d.wait()
                for q in range(CHUNK // LANES):
                    qs = pl.ds(q * LANES, LANES)
                    wq = wv[j, qs]
                    for f in range(LAGS):
                        rbuf[f, qs] = rbuf[f, qs] * wq
                sds = [
                    pltpu.async_copy(rbuf.at[f], accs[f].at[didx.at[j]],
                                     ssem, add=True)
                    for f in range(LAGS)
                ]
                for d in sds:
                    d.wait()
                return 0
            lax.fori_loop(0, SUP, chunk, 0)
            return 0
        lax.fori_loop(0, nsup, sup, 0)
        plsc.subcore_barrier()

        for f in range(LAGS):
            pltpu.sync_copy(accs[f].at[sl], accp_ref.at[c, f, sl])

    return pl.kernel(
        body,
        out_type=jax.ShapeDtypeStruct((NC, LAGS, n_pad), jnp.float32),
        mesh=plsc.VectorSubcoreMesh(core_axis_name="c", subcore_axis_name="s"),
        scratch_types=(
            [
                pltpu.VMEM((SUP, CHUNK), jnp.int32),
                pltpu.VMEM((SUP, CHUNK), jnp.int32),
                pltpu.VMEM((SUP, CHUNK), jnp.float32),
                pltpu.VMEM((LAGS, CHUNK), jnp.float32),
                pltpu.VMEM((npt,), jnp.float32),
            ]
            + [pltpu.VMEM_SHARED((n_pad,), jnp.float32)] * (2 * LAGS)
            + [pltpu.SemaphoreType.DMA, pltpu.SemaphoreType.DMA]
        ),
        name="msg_scatter_sc",
    )(src2d, dst2d, w2d, yT)


def _prep_tc(degp, xT, *, n_pad, blk):
    grid = n_pad // blk

    def body(degp_ref, xT_ref, dinvr_ref, yT_ref):
        deg = degp_ref[0:1, :] + degp_ref[1:2, :]
        safe = jnp.where(deg > 0, deg, 1.0)
        dinv = jnp.where(deg > 0, lax.rsqrt(safe), 0.0)
        dinvr_ref[...] = dinv
        yT_ref[...] = -dinv * xT_ref[...]

    return pl.pallas_call(
        body,
        grid=(grid,),
        in_specs=[
            pl.BlockSpec((NC, blk), lambda i: (0, i)),
            pl.BlockSpec((LAGS, blk), lambda i: (0, i)),
        ],
        out_specs=[
            pl.BlockSpec((1, blk), lambda i: (0, i)),
            pl.BlockSpec((LAGS, blk), lambda i: (0, i)),
        ],
        out_shape=[
            jax.ShapeDtypeStruct((1, n_pad), jnp.float32),
            jax.ShapeDtypeStruct((LAGS, n_pad), jnp.float32),
        ],
        name="prep_dinv_tc",
    )(degp, xT)


def _dense_tc(xT, dinvr, accp, wcatT, bcatT, wlinT, blin, *, n_pad, blk):
    grid = n_pad // blk

    def body(xT_ref, dinvr_ref, accp_ref, wcatT_ref, bcatT_ref, wlinT_ref,
             blin_ref, out_ref):
        stot = accp_ref[0] + accp_ref[1]
        tx1 = dinvr_ref[...] * stot
        a = jnp.concatenate([xT_ref[...], tx1], axis=0)
        g = jnp.dot(wcatT_ref[...], a,
                    preferred_element_type=jnp.float32) + bcatT_ref[...]
        z = jax.nn.sigmoid(g[:F, :])
        ht = jnp.tanh(g[F:, :])
        h = jax.nn.relu((1.0 - z) * ht)
        out_ref[...] = jnp.dot(wlinT_ref[...], h,
                               preferred_element_type=jnp.float32) + blin_ref[...]

    return pl.pallas_call(
        body,
        grid=(grid,),
        in_specs=[
            pl.BlockSpec((LAGS, blk), lambda i: (0, i)),
            pl.BlockSpec((1, blk), lambda i: (0, i)),
            pl.BlockSpec((NC, LAGS, blk), lambda i: (0, 0, i)),
            pl.BlockSpec((2 * F, 2 * LAGS), lambda i: (0, 0)),
            pl.BlockSpec((2 * F, 1), lambda i: (0, 0)),
            pl.BlockSpec((1, F), lambda i: (0, 0)),
            pl.BlockSpec((1, 1), lambda i: (0, 0)),
        ],
        out_specs=pl.BlockSpec((1, blk), lambda i: (0, i)),
        out_shape=jax.ShapeDtypeStruct((1, n_pad), jnp.float32),
        name="gates_dense_tc",
    )(xT, dinvr, accp, wcatT, bcatT, wlinT, blin)


def kernel(x, edge_index, edge_weight, W0_xz, W1_xz, b_xz, W0_hz, W1_hz, b_hz,
           W0_xr, W1_xr, b_xr, W0_hr, W1_hr, b_hr, W0_xh, W1_xh, b_xh,
           W0_hh, W1_hh, b_hh, W_lin, b_lin):
    n = x.shape[0]
    e = edge_weight.shape[0]
    n_pad = _ceil_to(n, NS * 8 * LANES)
    e_pad = _ceil_to(e, NW * SUP * CHUNK)
    rows_per_tile = e_pad // (NW * CHUNK)
    nsup = rows_per_tile // SUP

    padz = e_pad - e
    src = jnp.concatenate([edge_index[0], jnp.zeros((padz,), jnp.int32)])
    dst = jnp.concatenate([edge_index[1], jnp.zeros((padz,), jnp.int32)])
    w = jnp.concatenate([edge_weight, jnp.zeros((padz,), jnp.float32)])
    src2d = src.reshape(e_pad // CHUNK, CHUNK)
    dst2d = dst.reshape(e_pad // CHUNK, CHUNK)
    w2d = w.reshape(e_pad // CHUNK, CHUNK)
    xT = jnp.concatenate(
        [x, jnp.zeros((n_pad - n, LAGS), jnp.float32)]).T

    degp = _deg_sc(src2d, w2d, n_pad=n_pad, rows_per_tile=rows_per_tile,
                   nsup=nsup)

    dinvr, yT = _prep_tc(degp, xT, n_pad=n_pad, blk=2048)

    accp = _msg_sc(src2d, dst2d, w2d, yT, n_pad=n_pad,
                   rows_per_tile=rows_per_tile, nsup=nsup)

    wcatT = jnp.concatenate([
        jnp.concatenate([W0_xz, W0_xh], axis=1),
        jnp.concatenate([W1_xz, W1_xh], axis=1),
    ], axis=0).T
    bcatT = jnp.concatenate([b_xz + b_hz, b_xh + b_hh]).reshape(2 * F, 1)
    out2d = _dense_tc(xT, dinvr, accp, wcatT, bcatT, W_lin.T,
                      b_lin.reshape(1, 1), n_pad=n_pad, blk=2048)
    return out2d[0, :n].reshape(n, 1)

# --- scband reference (transcript-rebuilt; emitter-appended) ---
"""Pipeline reference for scband-gconv-gru-recurrent-gcn-16192026706531 (READ-ONLY COPY).

The authoritative reference and input builder live on the scoring server;
editing this copy changes nothing except your own understanding.
"""

import jax, jax.numpy as jnp
import numpy as np

N = 100000
E = 1600000
LAGS = 8
FILTERS = 32


def _glorot(key, shape):
    lim = np.sqrt(6.0 / (shape[0] + shape[1]))
    return jax.random.uniform(key, shape, dtype=jnp.float32, minval=-lim, maxval=lim)


def setup_inputs(seed: int = 0) -> dict:
    key = jax.random.key(seed)
    ks = jax.random.split(key, 24)
    inp = {}
    inp["x"] = jax.random.normal(ks[0], (N, LAGS), dtype=jnp.float32)
    inp["edge_index"] = jax.random.randint(ks[1], (2, E), 0, N, dtype=jnp.int32)
    inp["edge_weight"] = jax.random.uniform(ks[2], (E,), dtype=jnp.float32)
    i = 3
    for n in ["xz", "hz", "xr", "hr", "xh", "hh"]:
        cin = LAGS if n[0] == "x" else FILTERS
        inp["W0_" + n] = _glorot(ks[i], (cin, FILTERS)); i += 1
        inp["W1_" + n] = _glorot(ks[i], (cin, FILTERS)); i += 1
        inp["b_" + n] = jnp.zeros((FILTERS,), dtype=jnp.float32)
    inp["W_lin"] = _glorot(ks[i], (FILTERS, 1))
    inp["b_lin"] = jnp.zeros((1,), dtype=jnp.float32)
    return inp


def _cheb_conv(x, edge_index, edge_weight, W0, W1, b):
    # PyG ChebConv, K=2, normalization='sym', lambda_max=2.0 (default).
    # get_laplacian('sym'): L = I - D^{-1/2} A D^{-1/2}; scaled Lhat = 2L/lambda_max - I.
    # With lambda_max=2 the diagonal of Lhat is exactly 0, off-diagonal = -dinv[src]*w*dinv[dst].
    src = edge_index[0]
    dst = edge_index[1]
    n = x.shape[0]
    deg = jnp.zeros((n,), dtype=x.dtype).at[src].add(edge_weight)
    deg_safe = jnp.where(deg > 0, deg, 1.0)
    dinv = jnp.where(deg > 0, deg_safe ** -0.5, 0.0)
    norm = -dinv[src] * edge_weight * dinv[dst]
    diag = (2.0 / 2.0) * 1.0 - 1.0  # = 0.0 (kept for faithfulness)
    Tx0 = x
    msg = norm[:, None] * x[src]
    Tx1 = jnp.zeros((n, x.shape[1]), dtype=x.dtype).at[dst].add(msg)
    Tx1 = Tx1 + diag * x
    return Tx0 @ W0 + Tx1 @ W1 + b


def reference(x, edge_index, edge_weight, W0_xz, W1_xz, b_xz, W0_hz, W1_hz, b_hz, W0_xr, W1_xr, b_xr, W0_hr, W1_hr, b_hr, W0_xh, W1_xh, b_xh, W0_hh, W1_hh, b_hh, W_lin, b_lin):
    # GConvGRU step with H initialized to zeros (torch_geometric_temporal behavior when H is None)
    H = jnp.zeros((x.shape[0], FILTERS), dtype=x.dtype)
    Z = jax.nn.sigmoid(_cheb_conv(x, edge_index, edge_weight, W0_xz, W1_xz, b_xz) + _cheb_conv(H, edge_index, edge_weight, W0_hz, W1_hz, b_hz))
    R = jax.nn.sigmoid(_cheb_conv(x, edge_index, edge_weight, W0_xr, W1_xr, b_xr) + _cheb_conv(H, edge_index, edge_weight, W0_hr, W1_hr, b_hr))
    H_tilde = jnp.tanh(_cheb_conv(x, edge_index, edge_weight, W0_xh, W1_xh, b_xh) + _cheb_conv(H * R, edge_index, edge_weight, W0_hh, W1_hh, b_hh))
    H = Z * H + (1.0 - Z) * H_tilde
    h = jax.nn.relu(H)
    out = h @ W_lin + b_lin
    return out

if __name__ == "__main__":
    import jax
    _d = setup_inputs()
    print(jax.jit(kernel)(*tuple(_d.values())))

</pallas_src>

<mosaic_0001>
#map = affine_map<(d0, d1) -> (0, 0)>
#map1 = affine_map<(d0, d1) -> (0, 0, 0)>
module attributes {stable_mosaic.version = 14 : i64} {
  func.func @msg_scatter_sc(%arg0: i32, %arg1: i32, %arg2: memref<12544x128xi32, #tpu.memory_space<hbm>>, %arg3: memref<12544x128xi32, #tpu.memory_space<hbm>>, %arg4: memref<12544x128xf32, #tpu.memory_space<hbm>>, %arg5: memref<8x100352xf32, #tpu.memory_space<hbm>>, %arg6: memref<2x8x100352xf32, #tpu.memory_space<hbm>>, %arg7: memref<8x128xi32, #tpu.memory_space<vmem>>, %arg8: memref<8x128xi32, #tpu.memory_space<vmem>>, %arg9: memref<8x128xf32, #tpu.memory_space<vmem>>, %arg10: memref<8x128xf32, #tpu.memory_space<vmem>>, %arg11: memref<6272xf32, #tpu.memory_space<vmem>>, %arg12: memref<100352xf32, #tpu.memory_space<vmem_shared>>, %arg13: memref<100352xf32, #tpu.memory_space<vmem_shared>>, %arg14: memref<100352xf32, #tpu.memory_space<vmem_shared>>, %arg15: memref<100352xf32, #tpu.memory_space<vmem_shared>>, %arg16: memref<100352xf32, #tpu.memory_space<vmem_shared>>, %arg17: memref<100352xf32, #tpu.memory_space<vmem_shared>>, %arg18: memref<100352xf32, #tpu.memory_space<vmem_shared>>, %arg19: memref<100352xf32, #tpu.memory_space<vmem_shared>>, %arg20: memref<100352xf32, #tpu.memory_space<vmem_shared>>, %arg21: memref<100352xf32, #tpu.memory_space<vmem_shared>>, %arg22: memref<100352xf32, #tpu.memory_space<vmem_shared>>, %arg23: memref<100352xf32, #tpu.memory_space<vmem_shared>>, %arg24: memref<100352xf32, #tpu.memory_space<vmem_shared>>, %arg25: memref<100352xf32, #tpu.memory_space<vmem_shared>>, %arg26: memref<100352xf32, #tpu.memory_space<vmem_shared>>, %arg27: memref<100352xf32, #tpu.memory_space<vmem_shared>>, %arg28: memref<!tpu.dma_semaphore, #tpu.memory_space<semaphore_mem>>, %arg29: memref<!tpu.dma_semaphore, #tpu.memory_space<semaphore_mem>>) attributes {dimension_semantics = [#tpu.dimension_semantics<core_parallel>, #tpu.dimension_semantics<subcore_parallel>], iteration_bounds = array<i64: 2, 16>, scalar_prefetch = 0 : i64, scratch_operands = 23 : i64, tpu.core_type = #tpu.core_type<sc_vector_subcore>, window_params = [{transform_indices = #map}, {transform_indices = #map}, {transform_indices = #map}, {transform_indices = #map}, {transform_indices = #map1}]} {
    %mul3A = arith.constant 16 : i32
    %mul3A_0 = arith.muli %arg0, %mul3A : i32
    %add3A = arith.addi %mul3A_0, %arg1 : i32
    %mul3A_1 = arith.constant 6272 : i32
    %mul3A_2 = arith.muli %arg1, %mul3A_1 : i32
    %scan3A = arith.constant 0 : i32
    %scan3A_3 = arith.constant 0 : i32
    %scan3A_4 = arith.constant 392 : i32
    %scan3A_5 = arith.addi %scan3A_3, %scan3A_4 : i32
    %scan3A_6 = arith.constant 1 : i32
    %scan3A_7 = scf.for %scan3A_32 = %scan3A_3 to %scan3A_5 step %scan3A_6 iter_args(%scan3A_33 = %scan3A) -> (i32)  : i32 {
      %broadcast_in_dim3A = arith.constant 0.000000e+00 : f32
      %broadcast_in_dim3A_34 = vector.broadcast %broadcast_in_dim3A : f32 to vector<16xf32>
      %mul3A_35 = arith.constant 16 : i32
      %mul3A_36 = arith.muli %scan3A_32, %mul3A_35 : i32
      %swap3A = arith.index_cast %mul3A_36 : i32 to index
      %swap3A_37 = tpu.vector_load %arg11[%swap3A] {strides = array<i32>} : memref<6272xf32, #tpu.memory_space<vmem>>, vector<16xf32>,
      %swap3A_38 = vector.shape_cast %swap3A_37 : vector<16xf32> to vector<16xf32>
      %swap3A_39 = vector.shape_cast %broadcast_in_dim3A_34 : vector<16xf32> to vector<16xf32>
      tpu.vector_store %arg11[%swap3A], %swap3A_39 {strides = array<i32>} : memref<6272xf32, #tpu.memory_space<vmem>>, vector<16xf32>,
      %scan3A_40 = arith.constant 0 : i32
      scf.yield %scan3A_40 : i32
    }
    %scan3A_8 = arith.constant 392 : i32
    %run_scoped3A = arith.constant 0 : i32
    "tpu.region"() ({
      %run_scoped3A_32 = tpu.sem_alloc : memref<!tpu.dma_semaphore, #tpu.memory_space<semaphore_mem>>
      %dma_start3A = tpu.memref_slice %arg12[%mul3A_2] : memref<100352xf32, #tpu.memory_space<vmem_shared>> -> memref<6272xf32, #tpu.memory_space<vmem_shared>>
      %dma_start3A_33 = tpu.memref_slice %arg5[%run_scoped3A, %mul3A_2] : memref<8x100352xf32, #tpu.memory_space<hbm>> -> memref<1x6272xf32, #tpu.memory_space<hbm>>
      %dma_start3A_34 = tpu.memref_squeeze %dma_start3A_33 : memref<1x6272xf32, #tpu.memory_space<hbm>> -> memref<6272xf32, #tpu.memory_space<hbm>>
      tpu.enqueue_dma source(%dma_start3A_34 : memref<6272xf32, #tpu.memory_space<hbm>>) target(%dma_start3A : memref<6272xf32, #tpu.memory_space<vmem_shared>>) target_semaphore(%run_scoped3A_32 : memref<!tpu.dma_semaphore, #tpu.memory_space<semaphore_mem>>)
      %dma_wait3A = tpu.memref_slice %arg12[%mul3A_2] : memref<100352xf32, #tpu.memory_space<vmem_shared>> -> memref<6272xf32, #tpu.memory_space<vmem_shared>>
      %dma_wait3A_35 = tpu.memref_slice %arg5[%run_scoped3A, %mul3A_2] : memref<8x100352xf32, #tpu.memory_space<hbm>> -> memref<1x6272xf32, #tpu.memory_space<hbm>>
      %dma_wait3A_36 = tpu.memref_squeeze %dma_wait3A_35 : memref<1x6272xf32, #tpu.memory_space<hbm>> -> memref<6272xf32, #tpu.memory_space<hbm>>
      tpu.wait_dma2 semaphore(%run_scoped3A_32 : memref<!tpu.dma_semaphore, #tpu.memory_space<semaphore_mem>>) src(%dma_wait3A_36 : memref<6272xf32, #tpu.memory_space<hbm>>) dst(%dma_wait3A : memref<6272xf32, #tpu.memory_space<vmem_shared>>)
      tpu.yield
    }) : () -> ()
    "tpu.region"() ({
      %run_scoped3A_32 = tpu.sem_alloc : memref<!tpu.dma_semaphore, #tpu.memory_space<semaphore_mem>>
      %dma_start3A = tpu.memref_slice %arg20[%mul3A_2] : memref<100352xf32, #tpu.memory_space<vmem_shared>> -> memref<6272xf32, #tpu.memory_space<vmem_shared>>
      %dma_start3A_33 = tpu.memref_slice %arg20[%mul3A_2] : memref<100352xf32, #tpu.memory_space<vmem_shared>> -> memref<6272xf32, #tpu.memory_space<vmem_shared>>
      tpu.enqueue_dma source(%arg11 : memref<6272xf32, #tpu.memory_space<vmem>>) target(%dma_start3A_33 : memref<6272xf32, #tpu.memory_space<vmem_shared>>) target_semaphore(%run_scoped3A_32 : memref<!tpu.dma_semaphore, #tpu.memory_space<semaphore_mem>>)
      %dma_wait3A = tpu.memref_slice %arg20[%mul3A_2] : memref<100352xf32, #tpu.memory_space<vmem_shared>> -> memref<6272xf32, #tpu.memory_space<vmem_shared>>
      %dma_wait3A_34 = tpu.memref_slice %arg20[%mul3A_2] : memref<100352xf32, #tpu.memory_space<vmem_shared>> -> memref<6272xf32, #tpu.memory_space<vmem_shared>>
      tpu.wait_dma2 semaphore(%run_scoped3A_32 : memref<!tpu.dma_semaphore, #tpu.memory_space<semaphore_mem>>) src(%arg11 : memref<6272xf32, #tpu.memory_space<vmem>>) dst(%dma_wait3A_34 : memref<6272xf32, #tpu.memory_space<vmem_shared>>)
      tpu.yield
    }) : () -> ()
    %run_scoped3A_9 = arith.constant 1 : i32
    "tpu.region"() ({
      %run_scoped3A_32 = tpu.sem_alloc : memref<!tpu.dma_semaphore, #tpu.memory_space<semaphore_mem>>
      %dma_start3A = tpu.memref_slice %arg13[%mul3A_2] : memref<100352xf32, #tpu.memory_space<vmem_shared>> -> memref<6272xf32, #tpu.memory_space<vmem_shared>>
      %dma_start3A_33 = tpu.memref_slice %arg5[%run_scoped3A_9, %mul3A_2] : memref<8x100352xf32, #tpu.memory_space<hbm>> -> memref<1x6272xf32, #tpu.memory_space<hbm>>
      %dma_start3A_34 = tpu.memref_squeeze %dma_start3A_33 : memref<1x6272xf32, #tpu.memory_space<hbm>> -> memref<6272xf32, #tpu.memory_space<hbm>>
      tpu.enqueue_dma source(%dma_start3A_34 : memref<6272xf32, #tpu.memory_space<hbm>>) target(%dma_start3A : memref<6272xf32, #tpu.memory_space<vmem_shared>>) target_semaphore(%run_scoped3A_32 : memref<!tpu.dma_semaphore, #tpu.memory_space<semaphore_mem>>)
      %dma_wait3A = tpu.memref_slice %arg13[%mul3A_2] : memref<100352xf32, #tpu.memory_space<vmem_shared>> -> memref<6272xf32, #tpu.memory_space<vmem_shared>>
      %dma_wait3A_35 = tpu.memref_slice %arg5[%run_scoped3A_9, %mul3A_2] : memref<8x100352xf32, #tpu.memory_space<hbm>> -> memref<1x6272xf32, #tpu.memory_space<hbm>>
      %dma_wait3A_36 = tpu.memref_squeeze %dma_wait3A_35 : memref<1x6272xf32, #tpu.memory_space<hbm>> -> memref<6272xf32, #tpu.memory_space<hbm>>
      tpu.wait_dma2 semaphore(%run_scoped3A_32 : memref<!tpu.dma_semaphore, #tpu.memory_space<semaphore_mem>>) src(%dma_wait3A_36 : memref<6272xf32, #tpu.memory_space<hbm>>) dst(%dma_wait3A : memref<6272xf32, #tpu.memory_space<vmem_shared>>)
      tpu.yield
    }) : () -> ()
    "tpu.region"() ({
      %run_scoped3A_32 = tpu.sem_alloc : memref<!tpu.dma_semaphore, #tpu.memory_space<semaphore_mem>>
      %dma_start3A = tpu.memref_slice %arg21[%mul3A_2] : memref<100352xf32, #tpu.memory_space<vmem_shared>> -> memref<6272xf32, #tpu.memory_space<vmem_shared>>
      %dma_start3A_33 = tpu.memref_slice %arg21[%mul3A_2] : memref<100352xf32, #tpu.memory_space<vmem_shared>> -> memref<6272xf32, #tpu.memory_space<vmem_shared>>
      tpu.enqueue_dma source(%arg11 : memref<6272xf32, #tpu.memory_space<vmem>>) target(%dma_start3A_33 : memref<6272xf32, #tpu.memory_space<vmem_shared>>) target_semaphore(%run_scoped3A_32 : memref<!tpu.dma_semaphore, #tpu.memory_space<semaphore_mem>>)
      %dma_wait3A = tpu.memref_slice %arg21[%mul3A_2] : memref<100352xf32, #tpu.memory_space<vmem_shared>> -> memref<6272xf32, #tpu.memory_space<vmem_shared>>
      %dma_wait3A_34 = tpu.memref_slice %arg21[%mul3A_2] : memref<100352xf32, #tpu.memory_space<vmem_shared>> -> memref<6272xf32, #tpu.memory_space<vmem_shared>>
      tpu.wait_dma2 semaphore(%run_scoped3A_32 : memref<!tpu.dma_semaphore, #tpu.memory_space<semaphore_mem>>) src(%arg11 : memref<6272xf32, #tpu.memory_space<vmem>>) dst(%dma_wait3A_34 : memref<6272xf32, #tpu.memory_space<vmem_shared>>)
      tpu.yield
    }) : () -> ()
    %run_scoped3A_10 = arith.constant 2 : i32
    "tpu.region"() ({
      %run_scoped3A_32 = tpu.sem_alloc : memref<!tpu.dma_semaphore, #tpu.memory_space<semaphore_mem>>
      %dma_start3A = tpu.memref_slice %arg14[%mul3A_2] : memref<100352xf32, #tpu.memory_space<vmem_shared>> -> memref<6272xf32, #tpu.memory_space<vmem_shared>>
      %dma_start3A_33 = tpu.memref_slice %arg5[%run_scoped3A_10, %mul3A_2] : memref<8x100352xf32, #tpu.memory_space<hbm>> -> memref<1x6272xf32, #tpu.memory_space<hbm>>
      %dma_start3A_34 = tpu.memref_squeeze %dma_start3A_33 : memref<1x6272xf32, #tpu.memory_space<hbm>> -> memref<6272xf32, #tpu.memory_space<hbm>>
      tpu.enqueue_dma source(%dma_start3A_34 : memref<6272xf32, #tpu.memory_space<hbm>>) target(%dma_start3A : memref<6272xf32, #tpu.memory_space<vmem_shared>>) target_semaphore(%run_scoped3A_32 : memref<!tpu.dma_semaphore, #tpu.memory_space<semaphore_mem>>)
      %dma_wait3A = tpu.memref_slice %arg14[%mul3A_2] : memref<100352xf32, #tpu.memory_space<vmem_shared>> -> memref<6272xf32, #tpu.memory_space<vmem_shared>>
      %dma_wait3A_35 = tpu.memref_slice %arg5[%run_scoped3A_10, %mul3A_2] : memref<8x100352xf32, #tpu.memory_space<hbm>> -> memref<1x6272xf32, #tpu.memory_space<hbm>>
      %dma_wait3A_36 = tpu.memref_squeeze %dma_wait3A_35 : memref<1x6272xf32, #tpu.memory_space<hbm>> -> memref<6272xf32, #tpu.memory_space<hbm>>
      tpu.wait_dma2 semaphore(%run_scoped3A_32 : memref<!tpu.dma_semaphore, #tpu.memory_space<semaphore_mem>>) src(%dma_wait3A_36 : memref<6272xf32, #tpu.memory_space<hbm>>) dst(%dma_wait3A : memref<6272xf32, #tpu.memory_space<vmem_shared>>)
      tpu.yield
    }) : () -> ()
    "tpu.region"() ({
      %run_scoped3A_32 = tpu.sem_alloc : memref<!tpu.dma_semaphore, #tpu.memory_space<semaphore_mem>>
      %dma_start3A = tpu.memref_slice %arg22[%mul3A_2] : memref<100352xf32, #tpu.memory_space<vmem_shared>> -> memref<6272xf32, #tpu.memory_space<vmem_shared>>
      %dma_start3A_33 = tpu.memref_slice %arg22[%mul3A_2] : memref<100352xf32, #tpu.memory_space<vmem_shared>> -> memref<6272xf32, #tpu.memory_space<vmem_shared>>
      tpu.enqueue_dma source(%arg11 : memref<6272xf32, #tpu.memory_space<vmem>>) target(%dma_start3A_33 : memref<6272xf32, #tpu.memory_space<vmem_shared>>) target_semaphore(%run_scoped3A_32 : memref<!tpu.dma_semaphore, #tpu.memory_space<semaphore_mem>>)
      %dma_wait3A = tpu.memref_slice %arg22[%mul3A_2] : memref<100352xf32, #tpu.memory_space<vmem_shared>> -> memref<6272xf32, #tpu.memory_space<vmem_shared>>
      %dma_wait3A_34 = tpu.memref_slice %arg22[%mul3A_2] : memref<100352xf32, #tpu.memory_space<vmem_shared>> -> memref<6272xf32, #tpu.memory_space<vmem_shared>>
      tpu.wait_dma2 semaphore(%run_scoped3A_32 : memref<!tpu.dma_semaphore, #tpu.memory_space<semaphore_mem>>) src(%arg11 : memref<6272xf32, #tpu.memory_space<vmem>>) dst(%dma_wait3A_34 : memref<6272xf32, #tpu.memory_space<vmem_shared>>)
      tpu.yield
    }) : () -> ()
    %run_scoped3A_11 = arith.constant 3 : i32
    "tpu.region"() ({
      %run_scoped3A_32 = tpu.sem_alloc : memref<!tpu.dma_semaphore, #tpu.memory_space<semaphore_mem>>
      %dma_start3A = tpu.memref_slice %arg15[%mul3A_2] : memref<100352xf32, #tpu.memory_space<vmem_shared>> -> memref<6272xf32, #tpu.memory_space<vmem_shared>>
      %dma_start3A_33 = tpu.memref_slice %arg5[%run_scoped3A_11, %mul3A_2] : memref<8x100352xf32, #tpu.memory_space<hbm>> -> memref<1x6272xf32, #tpu.memory_space<hbm>>
      %dma_start3A_34 = tpu.memref_squeeze %dma_start3A_33 : memref<1x6272xf32, #tpu.memory_space<hbm>> -> memref<6272xf32, #tpu.memory_space<hbm>>
      tpu.enqueue_dma source(%dma_start3A_34 : memref<6272xf32, #tpu.memory_space<hbm>>) target(%dma_start3A : memref<6272xf32, #tpu.memory_space<vmem_shared>>) target_semaphore(%run_scoped3A_32 : memref<!tpu.dma_semaphore, #tpu.memory_space<semaphore_mem>>)
      %dma_wait3A = tpu.memref_slice %arg15[%mul3A_2] : memref<100352xf32, #tpu.memory_space<vmem_shared>> -> memref<6272xf32, #tpu.memory_space<vmem_shared>>
      %dma_wait3A_35 = tpu.memref_slice %arg5[%run_scoped3A_11, %mul3A_2] : memref<8x100352xf32, #tpu.memory_space<hbm>> -> memref<1x6272xf32, #tpu.memory_space<hbm>>
      %dma_wait3A_36 = tpu.memref_squeeze %dma_wait3A_35 : memref<1x6272xf32, #tpu.memory_space<hbm>> -> memref<6272xf32, #tpu.memory_space<hbm>>
      tpu.wait_dma2 semaphore(%run_scoped3A_32 : memref<!tpu.dma_semaphore, #tpu.memory_space<semaphore_mem>>) src(%dma_wait3A_36 : memref<6272xf32, #tpu.memory_space<hbm>>) dst(%dma_wait3A : memref<6272xf32, #tpu.memory_space<vmem_shared>>)
      tpu.yield
    }) : () -> ()
    "tpu.region"() ({
      %run_scoped3A_32 = tpu.sem_alloc : memref<!tpu.dma_semaphore, #tpu.memory_space<semaphore_mem>>
      %dma_start3A = tpu.memref_slice %arg23[%mul3A_2] : memref<100352xf32, #tpu.memory_space<vmem_shared>> -> memref<6272xf32, #tpu.memory_space<vmem_shared>>
      %dma_start3A_33 = tpu.memref_slice %arg23[%mul3A_2] : memref<100352xf32, #tpu.memory_space<vmem_shared>> -> memref<6272xf32, #tpu.memory_space<vmem_shared>>
      tpu.enqueue_dma source(%arg11 : memref<6272xf32, #tpu.memory_space<vmem>>) target(%dma_start3A_33 : memref<6272xf32, #tpu.memory_space<vmem_shared>>) target_semaphore(%run_scoped3A_32 : memref<!tpu.dma_semaphore, #tpu.memory_space<semaphore_mem>>)
      %dma_wait3A = tpu.memref_slice %arg23[%mul3A_2] : memref<100352xf32, #tpu.memory_space<vmem_shared>> -> memref<6272xf32, #tpu.memory_space<vmem_shared>>
      %dma_wait3A_34 = tpu.memref_slice %arg23[%mul3A_2] : memref<100352xf32, #tpu.memory_space<vmem_shared>> -> memref<6272xf32, #tpu.memory_space<vmem_shared>>
      tpu.wait_dma2 semaphore(%run_scoped3A_32 : memref<!tpu.dma_semaphore, #tpu.memory_space<semaphore_mem>>) src(%arg11 : memref<6272xf32, #tpu.memory_space<vmem>>) dst(%dma_wait3A_34 : memref<6272xf32, #tpu.memory_space<vmem_shared>>)
      tpu.yield
    }) : () -> ()
    %run_scoped3A_12 = arith.constant 4 : i32
    "tpu.region"() ({
      %run_scoped3A_32 = tpu.sem_alloc : memref<!tpu.dma_semaphore, #tpu.memory_space<semaphore_mem>>
      %dma_start3A = tpu.memref_slice %arg16[%mul3A_2] : memref<100352xf32, #tpu.memory_space<vmem_shared>> -> memref<6272xf32, #tpu.memory_space<vmem_shared>>
      %dma_start3A_33 = tpu.memref_slice %arg5[%run_scoped3A_12, %mul3A_2] : memref<8x100352xf32, #tpu.memory_space<hbm>> -> memref<1x6272xf32, #tpu.memory_space<hbm>>
      %dma_start3A_34 = tpu.memref_squeeze %dma_start3A_33 : memref<1x6272xf32, #tpu.memory_space<hbm>> -> memref<6272xf32, #tpu.memory_space<hbm>>
      tpu.enqueue_dma source(%dma_start3A_34 : memref<6272xf32, #tpu.memory_space<hbm>>) target(%dma_start3A : memref<6272xf32, #tpu.memory_space<vmem_shared>>) target_semaphore(%run_scoped3A_32 : memref<!tpu.dma_semaphore, #tpu.memory_space<semaphore_mem>>)
      %dma_wait3A = tpu.memref_slice %arg16[%mul3A_2] : memref<100352xf32, #tpu.memory_space<vmem_shared>> -> memref<6272xf32, #tpu.memory_space<vmem_shared>>
      %dma_wait3A_35 = tpu.memref_slice %arg5[%run_scoped3A_12, %mul3A_2] : memref<8x100352xf32, #tpu.memory_space<hbm>> -> memref<1x6272xf32, #tpu.memory_space<hbm>>
      %dma_wait3A_36 = tpu.memref_squeeze %dma_wait3A_35 : memref<1x6272xf32, #tpu.memory_space<hbm>> -> memref<6272xf32, #tpu.memory_space<hbm>>
      tpu.wait_dma2 semaphore(%run_scoped3A_32 : memref<!tpu.dma_semaphore, #tpu.memory_space<semaphore_mem>>) src(%dma_wait3A_36 : memref<6272xf32, #tpu.memory_space<hbm>>) dst(%dma_wait3A : memref<6272xf32, #tpu.memory_space<vmem_shared>>)
      tpu.yield
    }) : () -> ()
    "tpu.region"() ({
      %run_scoped3A_32 = tpu.sem_alloc : memref<!tpu.dma_semaphore, #tpu.memory_space<semaphore_mem>>
      %dma_start3A = tpu.memref_slice %arg24[%mul3A_2] : memref<100352xf32, #tpu.memory_space<vmem_shared>> -> memref<6272xf32, #tpu.memory_space<vmem_shared>>
      %dma_start3A_33 = tpu.memref_slice %arg24[%mul3A_2] : memref<100352xf32, #tpu.memory_space<vmem_shared>> -> memref<6272xf32, #tpu.memory_space<vmem_shared>>
      tpu.enqueue_dma source(%arg11 : memref<6272xf32, #tpu.memory_space<vmem>>) target(%dma_start3A_33 : memref<6272xf32, #tpu.memory_space<vmem_shared>>) target_semaphore(%run_scoped3A_32 : memref<!tpu.dma_semaphore, #tpu.memory_space<semaphore_mem>>)
      %dma_wait3A = tpu.memref_slice %arg24[%mul3A_2] : memref<100352xf32, #tpu.memory_space<vmem_shared>> -> memref<6272xf32, #tpu.memory_space<vmem_shared>>
      %dma_wait3A_34 = tpu.memref_slice %arg24[%mul3A_2] : memref<100352xf32, #tpu.memory_space<vmem_shared>> -> memref<6272xf32, #tpu.memory_space<vmem_shared>>
      tpu.wait_dma2 semaphore(%run_scoped3A_32 : memref<!tpu.dma_semaphore, #tpu.memory_space<semaphore_mem>>) src(%arg11 : memref<6272xf32, #tpu.memory_space<vmem>>) dst(%dma_wait3A_34 : memref<6272xf32, #tpu.memory_space<vmem_shared>>)
      tpu.yield
    }) : () -> ()
    %run_scoped3A_13 = arith.constant 5 : i32
    "tpu.region"() ({
      %run_scoped3A_32 = tpu.sem_alloc : memref<!tpu.dma_semaphore, #tpu.memory_space<semaphore_mem>>
      %dma_start3A = tpu.memref_slice %arg17[%mul3A_2] : memref<100352xf32, #tpu.memory_space<vmem_shared>> -> memref<6272xf32, #tpu.memory_space<vmem_shared>>
      %dma_start3A_33 = tpu.memref_slice %arg5[%run_scoped3A_13, %mul3A_2] : memref<8x100352xf32, #tpu.memory_space<hbm>> -> memref<1x6272xf32, #tpu.memory_space<hbm>>
      %dma_start3A_34 = tpu.memref_squeeze %dma_start3A_33 : memref<1x6272xf32, #tpu.memory_space<hbm>> -> memref<6272xf32, #tpu.memory_space<hbm>>
      tpu.enqueue_dma source(%dma_start3A_34 : memref<6272xf32, #tpu.memory_space<hbm>>) target(%dma_start3A : memref<6272xf32, #tpu.memory_space<vmem_shared>>) target_semaphore(%run_scoped3A_32 : memref<!tpu.dma_semaphore, #tpu.memory_space<semaphore_mem>>)
      %dma_wait3A = tpu.memref_slice %arg17[%mul3A_2] : memref<100352xf32, #tpu.memory_space<vmem_shared>> -> memref<6272xf32, #tpu.memory_space<vmem_shared>>
      %dma_wait3A_35 = tpu.memref_slice %arg5[%run_scoped3A_13, %mul3A_2] : memref<8x100352xf32, #tpu.memory_space<hbm>> -> memref<1x6272xf32, #tpu.memory_space<hbm>>
      %dma_wait3A_36 = tpu.memref_squeeze %dma_wait3A_35 : memref<1x6272xf32, #tpu.memory_space<hbm>> -> memref<6272xf32, #tpu.memory_space<hbm>>
      tpu.wait_dma2 semaphore(%run_scoped3A_32 : memref<!tpu.dma_semaphore, #tpu.memory_space<semaphore_mem>>) src(%dma_wait3A_36 : memref<6272xf32, #tpu.memory_space<hbm>>) dst(%dma_wait3A : memref<6272xf32, #tpu.memory_space<vmem_shared>>)
      tpu.yield
    }) : () -> ()
    "tpu.region"() ({
      %run_scoped3A_32 = tpu.sem_alloc : memref<!tpu.dma_semaphore, #tpu.memory_space<semaphore_mem>>
      %dma_start3A = tpu.memref_slice %arg25[%mul3A_2] : memref<100352xf32, #tpu.memory_space<vmem_shared>> -> memref<6272xf32, #tpu.memory_space<vmem_shared>>
      %dma_start3A_33 = tpu.memref_slice %arg25[%mul3A_2] : memref<100352xf32, #tpu.memory_space<vmem_shared>> -> memref<6272xf32, #tpu.memory_space<vmem_shared>>
      tpu.enqueue_dma source(%arg11 : memref<6272xf32, #tpu.memory_space<vmem>>) target(%dma_start3A_33 : memref<6272xf32, #tpu.memory_space<vmem_shared>>) target_semaphore(%run_scoped3A_32 : memref<!tpu.dma_semaphore, #tpu.memory_space<semaphore_mem>>)
      %dma_wait3A = tpu.memref_slice %arg25[%mul3A_2] : memref<100352xf32, #tpu.memory_space<vmem_shared>> -> memref<6272xf32, #tpu.memory_space<vmem_shared>>
      %dma_wait3A_34 = tpu.memref_slice %arg25[%mul3A_2] : memref<100352xf32, #tpu.memory_space<vmem_shared>> -> memref<6272xf32, #tpu.memory_space<vmem_shared>>
      tpu.wait_dma2 semaphore(%run_scoped3A_32 : memref<!tpu.dma_semaphore, #tpu.memory_space<semaphore_mem>>) src(%arg11 : memref<6272xf32, #tpu.memory_space<vmem>>) dst(%dma_wait3A_34 : memref<6272xf32, #tpu.memory_space<vmem_shared>>)
      tpu.yield
    }) : () -> ()
    %run_scoped3A_14 = arith.constant 6 : i32
    "tpu.region"() ({
      %run_scoped3A_32 = tpu.sem_alloc : memref<!tpu.dma_semaphore, #tpu.memory_space<semaphore_mem>>
      %dma_start3A = tpu.memref_slice %arg18[%mul3A_2] : memref<100352xf32, #tpu.memory_space<vmem_shared>> -> memref<6272xf32, #tpu.memory_space<vmem_shared>>
      %dma_start3A_33 = tpu.memref_slice %arg5[%run_scoped3A_14, %mul3A_2] : memref<8x100352xf32, #tpu.memory_space<hbm>> -> memref<1x6272xf32, #tpu.memory_space<hbm>>
      %dma_start3A_34 = tpu.memref_squeeze %dma_start3A_33 : memref<1x6272xf32, #tpu.memory_space<hbm>> -> memref<6272xf32, #tpu.memory_space<hbm>>
      tpu.enqueue_dma source(%dma_start3A_34 : memref<6272xf32, #tpu.memory_space<hbm>>) target(%dma_start3A : memref<6272xf32, #tpu.memory_space<vmem_shared>>) target_semaphore(%run_scoped3A_32 : memref<!tpu.dma_semaphore, #tpu.memory_space<semaphore_mem>>)
      %dma_wait3A = tpu.memref_slice %arg18[%mul3A_2] : memref<100352xf32, #tpu.memory_space<vmem_shared>> -> memref<6272xf32, #tpu.memory_space<vmem_shared>>
      %dma_wait3A_35 = tpu.memref_slice %arg5[%run_scoped3A_14, %mul3A_2] : memref<8x100352xf32, #tpu.memory_space<hbm>> -> memref<1x6272xf32, #tpu.memory_space<hbm>>
      %dma_wait3A_36 = tpu.memref_squeeze %dma_wait3A_35 : memref<1x6272xf32, #tpu.memory_space<hbm>> -> memref<6272xf32, #tpu.memory_space<hbm>>
      tpu.wait_dma2 semaphore(%run_scoped3A_32 : memref<!tpu.dma_semaphore, #tpu.memory_space<semaphore_mem>>) src(%dma_wait3A_36 : memref<6272xf32, #tpu.memory_space<hbm>>) dst(%dma_wait3A : memref<6272xf32, #tpu.memory_space<vmem_shared>>)
      tpu.yield
    }) : () -> ()
    "tpu.region"() ({
      %run_scoped3A_32 = tpu.sem_alloc : memref<!tpu.dma_semaphore, #tpu.memory_space<semaphore_mem>>
      %dma_start3A = tpu.memref_slice %arg26[%mul3A_2] : memref<100352xf32, #tpu.memory_space<vmem_shared>> -> memref<6272xf32, #tpu.memory_space<vmem_shared>>
      %dma_start3A_33 = tpu.memref_slice %arg26[%mul3A_2] : memref<100352xf32, #tpu.memory_space<vmem_shared>> -> memref<6272xf32, #tpu.memory_space<vmem_shared>>
      tpu.enqueue_dma source(%arg11 : memref<6272xf32, #tpu.memory_space<vmem>>) target(%dma_start3A_33 : memref<6272xf32, #tpu.memory_space<vmem_shared>>) target_semaphore(%run_scoped3A_32 : memref<!tpu.dma_semaphore, #tpu.memory_space<semaphore_mem>>)
      %dma_wait3A = tpu.memref_slice %arg26[%mul3A_2] : memref<100352xf32, #tpu.memory_space<vmem_shared>> -> memref<6272xf32, #tpu.memory_space<vmem_shared>>
      %dma_wait3A_34 = tpu.memref_slice %arg26[%mul3A_2] : memref<100352xf32, #tpu.memory_space<vmem_shared>> -> memref<6272xf32, #tpu.memory_space<vmem_shared>>
      tpu.wait_dma2 semaphore(%run_scoped3A_32 : memref<!tpu.dma_semaphore, #tpu.memory_space<semaphore_mem>>) src(%arg11 : memref<6272xf32, #tpu.memory_space<vmem>>) dst(%dma_wait3A_34 : memref<6272xf32, #tpu.memory_space<vmem_shared>>)
      tpu.yield
    }) : () -> ()
    %run_scoped3A_15 = arith.constant 7 : i32
    "tpu.region"() ({
      %run_scoped3A_32 = tpu.sem_alloc : memref<!tpu.dma_semaphore, #tpu.memory_space<semaphore_mem>>
      %dma_start3A = tpu.memref_slice %arg19[%mul3A_2] : memref<100352xf32, #tpu.memory_space<vmem_shared>> -> memref<6272xf32, #tpu.memory_space<vmem_shared>>
      %dma_start3A_33 = tpu.memref_slice %arg5[%run_scoped3A_15, %mul3A_2] : memref<8x100352xf32, #tpu.memory_space<hbm>> -> memref<1x6272xf32, #tpu.memory_space<hbm>>
      %dma_start3A_34 = tpu.memref_squeeze %dma_start3A_33 : memref<1x6272xf32, #tpu.memory_space<hbm>> -> memref<6272xf32, #tpu.memory_space<hbm>>
      tpu.enqueue_dma source(%dma_start3A_34 : memref<6272xf32, #tpu.memory_space<hbm>>) target(%dma_start3A : memref<6272xf32, #tpu.memory_space<vmem_shared>>) target_semaphore(%run_scoped3A_32 : memref<!tpu.dma_semaphore, #tpu.memory_space<semaphore_mem>>)
      %dma_wait3A = tpu.memref_slice %arg19[%mul3A_2] : memref<100352xf32, #tpu.memory_space<vmem_shared>> -> memref<6272xf32, #tpu.memory_space<vmem_shared>>
      %dma_wait3A_35 = tpu.memref_slice %arg5[%run_scoped3A_15, %mul3A_2] : memref<8x100352xf32, #tpu.memory_space<hbm>> -> memref<1x6272xf32, #tpu.memory_space<hbm>>
      %dma_wait3A_36 = tpu.memref_squeeze %dma_wait3A_35 : memref<1x6272xf32, #tpu.memory_space<hbm>> -> memref<6272xf32, #tpu.memory_space<hbm>>
      tpu.wait_dma2 semaphore(%run_scoped3A_32 : memref<!tpu.dma_semaphore, #tpu.memory_space<semaphore_mem>>) src(%dma_wait3A_36 : memref<6272xf32, #tpu.memory_space<hbm>>) dst(%dma_wait3A : memref<6272xf32, #tpu.memory_space<vmem_shared>>)
      tpu.yield
    }) : () -> ()
    "tpu.region"() ({
      %run_scoped3A_32 = tpu.sem_alloc : memref<!tpu.dma_semaphore, #tpu.memory_space<semaphore_mem>>
      %dma_start3A = tpu.memref_slice %arg27[%mul3A_2] : memref<100352xf32, #tpu.memory_space<vmem_shared>> -> memref<6272xf32, #tpu.memory_space<vmem_shared>>
      %dma_start3A_33 = tpu.memref_slice %arg27[%mul3A_2] : memref<100352xf32, #tpu.memory_space<vmem_shared>> -> memref<6272xf32, #tpu.memory_space<vmem_shared>>
      tpu.enqueue_dma source(%arg11 : memref<6272xf32, #tpu.memory_space<vmem>>) target(%dma_start3A_33 : memref<6272xf32, #tpu.memory_space<vmem_shared>>) target_semaphore(%run_scoped3A_32 : memref<!tpu.dma_semaphore, #tpu.memory_space<semaphore_mem>>)
      %dma_wait3A = tpu.memref_slice %arg27[%mul3A_2] : memref<100352xf32, #tpu.memory_space<vmem_shared>> -> memref<6272xf32, #tpu.memory_space<vmem_shared>>
      %dma_wait3A_34 = tpu.memref_slice %arg27[%mul3A_2] : memref<100352xf32, #tpu.memory_space<vmem_shared>> -> memref<6272xf32, #tpu.memory_space<vmem_shared>>
      tpu.wait_dma2 semaphore(%run_scoped3A_32 : memref<!tpu.dma_semaphore, #tpu.memory_space<semaphore_mem>>) src(%arg11 : memref<6272xf32, #tpu.memory_space<vmem>>) dst(%dma_wait3A_34 : memref<6272xf32, #tpu.memory_space<vmem_shared>>)
      tpu.yield
    }) : () -> ()
    %barrier3A = arith.constant 0 : index
    tpu.barrier barrier_id(%barrier3A)
    %scan3A_16 = arith.constant 0 : i32
    %scan3A_17 = arith.constant 0 : i32
    %scan3A_18 = arith.constant 49 : i32
    %scan3A_19 = arith.addi %scan3A_17, %scan3A_18 : i32
    %scan3A_20 = arith.constant 1 : i32
    %scan3A_21 = scf.for %scan3A_32 = %scan3A_17 to %scan3A_19 step %scan3A_20 iter_args(%scan3A_33 = %scan3A_16) -> (i32)  : i32 {
      %mul3A_34 = arith.constant 392 : i32
      %mul3A_35 = arith.muli %add3A, %mul3A_34 : i32
      %mul3A_36 = arith.constant 8 : i32
      %mul3A_37 = arith.muli %scan3A_32, %mul3A_36 : i32
      %add3A_38 = arith.addi %mul3A_35, %mul3A_37 : i32
      "tpu.region"() ({
        %run_scoped3A_47 = tpu.sem_alloc : memref<!tpu.dma_semaphore, #tpu.memory_space<semaphore_mem>>
        %dma_start3A = arith.constant 0 : i32
        %dma_start3A_48 = tpu.memref_slice %arg2[%add3A_38, %dma_start3A] : memref<12544x128xi32, #tpu.memory_space<hbm>> -> memref<8x128xi32, #tpu.memory_space<hbm>>
        %dma_start3A_49 = arith.constant 0 : i32
        %dma_start3A_50 = tpu.memref_slice %arg2[%add3A_38, %dma_start3A_49] : memref<12544x128xi32, #tpu.memory_space<hbm>> -> memref<8x128xi32, #tpu.memory_space<hbm>>
        tpu.enqueue_dma source(%dma_start3A_50 : memref<8x128xi32, #tpu.memory_space<hbm>>) target(%arg7 : memref<8x128xi32, #tpu.memory_space<vmem>>) target_semaphore(%run_scoped3A_47 : memref<!tpu.dma_semaphore, #tpu.memory_space<semaphore_mem>>)
        %dma_wait3A = arith.constant 0 : i32
        %dma_wait3A_51 = tpu.memref_slice %arg2[%add3A_38, %dma_wait3A] : memref<12544x128xi32, #tpu.memory_space<hbm>> -> memref<8x128xi32, #tpu.memory_space<hbm>>
        %dma_wait3A_52 = arith.constant 0 : i32
        %dma_wait3A_53 = tpu.memref_slice %arg2[%add3A_38, %dma_wait3A_52] : memref<12544x128xi32, #tpu.memory_space<hbm>> -> memref<8x128xi32, #tpu.memory_space<hbm>>
        tpu.wait_dma2 semaphore(%run_scoped3A_47 : memref<!tpu.dma_semaphore, #tpu.memory_space<semaphore_mem>>) src(%dma_wait3A_53 : memref<8x128xi32, #tpu.memory_space<hbm>>) dst(%arg7 : memref<8x128xi32, #tpu.memory_space<vmem>>)
        tpu.yield
      }) : () -> ()
      "tpu.region"() ({
        %run_scoped3A_47 = tpu.sem_alloc : memref<!tpu.dma_semaphore, #tpu.memory_space<semaphore_mem>>
        %dma_start3A = arith.constant 0 : i32
        %dma_start3A_48 = tpu.memref_slice %arg3[%add3A_38, %dma_start3A] : memref<12544x128xi32, #tpu.memory_space<hbm>> -> memref<8x128xi32, #tpu.memory_space<hbm>>
        %dma_start3A_49 = arith.constant 0 : i32
        %dma_start3A_50 = tpu.memref_slice %arg3[%add3A_38, %dma_start3A_49] : memref<12544x128xi32, #tpu.memory_space<hbm>> -> memref<8x128xi32, #tpu.memory_space<hbm>>
        tpu.enqueue_dma source(%dma_start3A_50 : memref<8x128xi32, #tpu.memory_space<hbm>>) target(%arg8 : memref<8x128xi32, #tpu.memory_space<vmem>>) target_semaphore(%run_scoped3A_47 : memref<!tpu.dma_semaphore, #tpu.memory_space<semaphore_mem>>)
        %dma_wait3A = arith.constant 0 : i32
        %dma_wait3A_51 = tpu.memref_slice %arg3[%add3A_38, %dma_wait3A] : memref<12544x128xi32, #tpu.memory_space<hbm>> -> memref<8x128xi32, #tpu.memory_space<hbm>>
        %dma_wait3A_52 = arith.constant 0 : i32
        %dma_wait3A_53 = tpu.memref_slice %arg3[%add3A_38, %dma_wait3A_52] : memref<12544x128xi32, #tpu.memory_space<hbm>> -> memref<8x128xi32, #tpu.memory_space<hbm>>
        tpu.wait_dma2 semaphore(%run_scoped3A_47 : memref<!tpu.dma_semaphore, #tpu.memory_space<semaphore_mem>>) src(%dma_wait3A_53 : memref<8x128xi32, #tpu.memory_space<hbm>>) dst(%arg8 : memref<8x128xi32, #tpu.memory_space<vmem>>)
        tpu.yield
      }) : () -> ()
      "tpu.region"() ({
        %run_scoped3A_47 = tpu.sem_alloc : memref<!tpu.dma_semaphore, #tpu.memory_space<semaphore_mem>>
        %dma_start3A = arith.constant 0 : i32
        %dma_start3A_48 = tpu.memref_slice %arg4[%add3A_38, %dma_start3A] : memref<12544x128xf32, #tpu.memory_space<hbm>> -> memref<8x128xf32, #tpu.memory_space<hbm>>
        %dma_start3A_49 = arith.constant 0 : i32
        %dma_start3A_50 = tpu.memref_slice %arg4[%add3A_38, %dma_start3A_49] : memref<12544x128xf32, #tpu.memory_space<hbm>> -> memref<8x128xf32, #tpu.memory_space<hbm>>
        tpu.enqueue_dma source(%dma_start3A_50 : memref<8x128xf32, #tpu.memory_space<hbm>>) target(%arg9 : memref<8x128xf32, #tpu.memory_space<vmem>>) target_semaphore(%run_scoped3A_47 : memref<!tpu.dma_semaphore, #tpu.memory_space<semaphore_mem>>)
        %dma_wait3A = arith.constant 0 : i32
        %dma_wait3A_51 = tpu.memref_slice %arg4[%add3A_38, %dma_wait3A] : memref<12544x128xf32, #tpu.memory_space<hbm>> -> memref<8x128xf32, #tpu.memory_space<hbm>>
        %dma_wait3A_52 = arith.constant 0 : i32
        %dma_wait3A_53 = tpu.memref_slice %arg4[%add3A_38, %dma_wait3A_52] : memref<12544x128xf32, #tpu.memory_space<hbm>> -> memref<8x128xf32, #tpu.memory_space<hbm>>
        tpu.wait_dma2 semaphore(%run_scoped3A_47 : memref<!tpu.dma_semaphore, #tpu.memory_space<semaphore_mem>>) src(%dma_wait3A_53 : memref<8x128xf32, #tpu.memory_space<hbm>>) dst(%arg9 : memref<8x128xf32, #tpu.memory_space<vmem>>)
        tpu.yield
      }) : () -> ()
      %scan3A_39 = arith.constant 0 : i32
      %scan3A_40 = arith.constant 0 : i32
      %scan3A_41 = arith.constant 8 : i32
      %scan3A_42 = arith.addi %scan3A_40, %scan3A_41 : i32
      %scan3A_43 = arith.constant 1 : i32
      %scan3A_44 = scf.for %scan3A_47 = %scan3A_40 to %scan3A_42 step %scan3A_43 iter_args(%scan3A_48 = %scan3A_39) -> (i32)  : i32 {
        %dma_start3A = arith.constant 0 : i32
        %dma_start3A_49 = arith.constant 0 : i32
        %dma_start3A_50 = tpu.memref_slice %arg10[%dma_start3A, %dma_start3A_49] : memref<8x128xf32, #tpu.memory_space<vmem>> -> memref<1x128xf32, #tpu.memory_space<vmem>>
        %dma_start3A_51 = tpu.memref_squeeze %dma_start3A_50 : memref<1x128xf32, #tpu.memory_space<vmem>> -> memref<128xf32, #tpu.memory_space<vmem>>
        %dma_start3A_52 = arith.constant 0 : i32
        %dma_start3A_53 = tpu.memref_slice %arg7[%scan3A_47, %dma_start3A_52] : memref<8x128xi32, #tpu.memory_space<vmem>> -> memref<1x128xi32, #tpu.memory_space<vmem>>
        %dma_start3A_54 = tpu.memref_squeeze %dma_start3A_53 : memref<1x128xi32, #tpu.memory_space<vmem>> -> memref<128xi32, #tpu.memory_space<vmem>>
        %dma_start3A_55 = arith.constant 0 : i32
        %dma_start3A_56 = tpu.memref_slice %arg12[%dma_start3A_55] : memref<100352xf32, #tpu.memory_space<vmem_shared>> -> memref<100352xf32, #tpu.memory_space<vmem_shared>>
        tpu.enqueue_indirect_dma source(%dma_start3A_56 : memref<100352xf32, #tpu.memory_space<vmem_shared>>) target(%dma_start3A_51 : memref<128xf32, #tpu.memory_space<vmem>>) offsets(%dma_start3A_54 : memref<128xi32, #tpu.memory_space<vmem>>) semaphore(%arg28 : memref<!tpu.dma_semaphore, #tpu.memory_space<semaphore_mem>>)
        %dma_start3A_57 = arith.constant 1 : i32
        %dma_start3A_58 = arith.constant 0 : i32
        %dma_start3A_59 = tpu.memref_slice %arg10[%dma_start3A_57, %dma_start3A_58] : memref<8x128xf32, #tpu.memory_space<vmem>> -> memref<1x128xf32, #tpu.memory_space<vmem>>
        %dma_start3A_60 = tpu.memref_squeeze %dma_start3A_59 : memref<1x128xf32, #tpu.memory_space<vmem>> -> memref<128xf32, #tpu.memory_space<vmem>>
        %dma_start3A_61 = arith.constant 0 : i32
        %dma_start3A_62 = tpu.memref_slice %arg7[%scan3A_47, %dma_start3A_61] : memref<8x128xi32, #tpu.memory_space<vmem>> -> memref<1x128xi32, #tpu.memory_space<vmem>>
        %dma_start3A_63 = tpu.memref_squeeze %dma_start3A_62 : memref<1x128xi32, #tpu.memory_space<vmem>> -> memref<128xi32, #tpu.memory_space<vmem>>
        %dma_start3A_64 = arith.constant 0 : i32
        %dma_start3A_65 = tpu.memref_slice %arg13[%dma_start3A_64] : memref<100352xf32, #tpu.memory_space<vmem_shared>> -> memref<100352xf32, #tpu.memory_space<vmem_shared>>
        tpu.enqueue_indirect_dma source(%dma_start3A_65 : memref<100352xf32, #tpu.memory_space<vmem_shared>>) target(%dma_start3A_60 : memref<128xf32, #tpu.memory_space<vmem>>) offsets(%dma_start3A_63 : memref<128xi32, #tpu.memory_space<vmem>>) semaphore(%arg28 : memref<!tpu.dma_semaphore, #tpu.memory_space<semaphore_mem>>)
        %dma_start3A_66 = arith.constant 2 : i32
        %dma_start3A_67 = arith.constant 0 : i32
        %dma_start3A_68 = tpu.memref_slice %arg10[%dma_start3A_66, %dma_start3A_67] : memref<8x128xf32, #tpu.memory_space<vmem>> -> memref<1x128xf32, #tpu.memory_space<vmem>>
        %dma_start3A_69 = tpu.memref_squeeze %dma_start3A_68 : memref<1x128xf32, #tpu.memory_space<vmem>> -> memref<128xf32, #tpu.memory_space<vmem>>
        %dma_start3A_70 = arith.constant 0 : i32
        %dma_start3A_71 = tpu.memref_slice %arg7[%scan3A_47, %dma_start3A_70] : memref<8x128xi32, #tpu.memory_space<vmem>> -> memref<1x128xi32, #tpu.memory_space<vmem>>
        %dma_start3A_72 = tpu.memref_squeeze %dma_start3A_71 : memref<1x128xi32, #tpu.memory_space<vmem>> -> memref<128xi32, #tpu.memory_space<vmem>>
        %dma_start3A_73 = arith.constant 0 : i32
        %dma_start3A_74 = tpu.memref_slice %arg14[%dma_start3A_73] : memref<100352xf32, #tpu.memory_space<vmem_shared>> -> memref<100352xf32, #tpu.memory_space<vmem_shared>>
        tpu.enqueue_indirect_dma source(%dma_start3A_74 : memref<100352xf32, #tpu.memory_space<vmem_shared>>) target(%dma_start3A_69 : memref<128xf32, #tpu.memory_space<vmem>>) offsets(%dma_start3A_72 : memref<128xi32, #tpu.memory_space<vmem>>) semaphore(%arg28 : memref<!tpu.dma_semaphore, #tpu.memory_space<semaphore_mem>>)
        %dma_start3A_75 = arith.constant 3 : i32
        %dma_start3A_76 = arith.constant 0 : i32
        %dma_start3A_77 = tpu.memref_slice %arg10[%dma_start3A_75, %dma_start3A_76] : memref<8x128xf32, #tpu.memory_space<vmem>> -> memref<1x128xf32, #tpu.memory_space<vmem>>
        %dma_start3A_78 = tpu.memref_squeeze %dma_start3A_77 : memref<1x128xf32, #tpu.memory_space<vmem>> -> memref<128xf32, #tpu.memory_space<vmem>>
        %dma_start3A_79 = arith.constant 0 : i32
        %dma_start3A_80 = tpu.memref_slice %arg7[%scan3A_47, %dma_start3A_79] : memref<8x128xi32, #tpu.memory_space<vmem>> -> memref<1x128xi32, #tpu.memory_space<vmem>>
        %dma_start3A_81 = tpu.memref_squeeze %dma_start3A_80 : memref<1x128xi32, #tpu.memory_space<vmem>> -> memref<128xi32, #tpu.memory_space<vmem>>
        %dma_start3A_82 = arith.constant 0 : i32
        %dma_start3A_83 = tpu.memref_slice %arg15[%dma_start3A_82] : memref<100352xf32, #tpu.memory_space<vmem_shared>> -> memref<100352xf32, #tpu.memory_space<vmem_shared>>
        tpu.enqueue_indirect_dma source(%dma_start3A_83 : memref<100352xf32, #tpu.memory_space<vmem_shared>>) target(%dma_start3A_78 : memref<128xf32, #tpu.memory_space<vmem>>) offsets(%dma_start3A_81 : memref<128xi32, #tpu.memory_space<vmem>>) semaphore(%arg28 : memref<!tpu.dma_semaphore, #tpu.memory_space<semaphore_mem>>)
        %dma_start3A_84 = arith.constant 4 : i32
        %dma_start3A_85 = arith.constant 0 : i32
        %dma_start3A_86 = tpu.memref_slice %arg10[%dma_start3A_84, %dma_start3A_85] : memref<8x128xf32, #tpu.memory_space<vmem>> -> memref<1x128xf32, #tpu.memory_space<vmem>>
        %dma_start3A_87 = tpu.memref_squeeze %dma_start3A_86 : memref<1x128xf32, #tpu.memory_space<vmem>> -> memref<128xf32, #tpu.memory_space<vmem>>
        %dma_start3A_88 = arith.constant 0 : i32
        %dma_start3A_89 = tpu.memref_slice %arg7[%scan3A_47, %dma_start3A_88] : memref<8x128xi32, #tpu.memory_space<vmem>> -> memref<1x128xi32, #tpu.memory_space<vmem>>
        %dma_start3A_90 = tpu.memref_squeeze %dma_start3A_89 : memref<1x128xi32, #tpu.memory_space<vmem>> -> memref<128xi32, #tpu.memory_space<vmem>>
        %dma_start3A_91 = arith.constant 0 : i32
        %dma_start3A_92 = tpu.memref_slice %arg16[%dma_start3A_91] : memref<100352xf32, #tpu.memory_space<vmem_shared>> -> memref<100352xf32, #tpu.memory_space<vmem_shared>>
        tpu.enqueue_indirect_dma source(%dma_start3A_92 : memref<100352xf32, #tpu.memory_space<vmem_shared>>) target(%dma_start3A_87 : memref<128xf32, #tpu.memory_space<vmem>>) offsets(%dma_start3A_90 : memref<128xi32, #tpu.memory_space<vmem>>) semaphore(%arg28 : memref<!tpu.dma_semaphore, #tpu.memory_space<semaphore_mem>>)
        %dma_start3A_93 = arith.constant 5 : i32
        %dma_start3A_94 = arith.constant 0 : i32
        %dma_start3A_95 = tpu.memref_slice %arg10[%dma_start3A_93, %dma_start3A_94] : memref<8x128xf32, #tpu.memory_space<vmem>> -> memref<1x128xf32, #tpu.memory_space<vmem>>
        %dma_start3A_96 = tpu.memref_squeeze %dma_start3A_95 : memref<1x128xf32, #tpu.memory_space<vmem>> -> memref<128xf32, #tpu.memory_space<vmem>>
        %dma_start3A_97 = arith.constant 0 : i32
        %dma_start3A_98 = tpu.memref_slice %arg7[%scan3A_47, %dma_start3A_97] : memref<8x128xi32, #tpu.memory_space<vmem>> -> memref<1x128xi32, #tpu.memory_space<vmem>>
        %dma_start3A_99 = tpu.memref_squeeze %dma_start3A_98 : memref<1x128xi32, #tpu.memory_space<vmem>> -> memref<128xi32, #tpu.memory_space<vmem>>
        %dma_start3A_100 = arith.constant 0 : i32
        %dma_start3A_101 = tpu.memref_slice %arg17[%dma_start3A_100] : memref<100352xf32, #tpu.memory_space<vmem_shared>> -> memref<100352xf32, #tpu.memory_space<vmem_shared>>
        tpu.enqueue_indirect_dma source(%dma_start3A_101 : memref<100352xf32, #tpu.memory_space<vmem_shared>>) target(%dma_start3A_96 : memref<128xf32, #tpu.memory_space<vmem>>) offsets(%dma_start3A_99 : memref<128xi32, #tpu.memory_space<vmem>>) semaphore(%arg28 : memref<!tpu.dma_semaphore, #tpu.memory_space<semaphore_mem>>)
        %dma_start3A_102 = arith.constant 6 : i32
        %dma_start3A_103 = arith.constant 0 : i32
        %dma_start3A_104 = tpu.memref_slice %arg10[%dma_start3A_102, %dma_start3A_103] : memref<8x128xf32, #tpu.memory_space<vmem>> -> memref<1x128xf32, #tpu.memory_space<vmem>>
        %dma_start3A_105 = tpu.memref_squeeze %dma_start3A_104 : memref<1x128xf32, #tpu.memory_space<vmem>> -> memref<128xf32, #tpu.memory_space<vmem>>
        %dma_start3A_106 = arith.constant 0 : i32
        %dma_start3A_107 = tpu.memref_slice %arg7[%scan3A_47, %dma_start3A_106] : memref<8x128xi32, #tpu.memory_space<vmem>> -> memref<1x128xi32, #tpu.memory_space<vmem>>
        %dma_start3A_108 = tpu.memref_squeeze %dma_start3A_107 : memref<1x128xi32, #tpu.memory_space<vmem>> -> memref<128xi32, #tpu.memory_space<vmem>>
        %dma_start3A_109 = arith.constant 0 : i32
        %dma_start3A_110 = tpu.memref_slice %arg18[%dma_start3A_109] : memref<100352xf32, #tpu.memory_space<vmem_shared>> -> memref<100352xf32, #tpu.memory_space<vmem_shared>>
        tpu.enqueue_indirect_dma source(%dma_start3A_110 : memref<100352xf32, #tpu.memory_space<vmem_shared>>) target(%dma_start3A_105 : memref<128xf32, #tpu.memory_space<vmem>>) offsets(%dma_start3A_108 : memref<128xi32, #tpu.memory_space<vmem>>) semaphore(%arg28 : memref<!tpu.dma_semaphore, #tpu.memory_space<semaphore_mem>>)
        %dma_start3A_111 = arith.constant 7 : i32
        %dma_start3A_112 = arith.constant 0 : i32
        %dma_start3A_113 = tpu.memref_slice %arg10[%dma_start3A_111, %dma_start3A_112] : memref<8x128xf32, #tpu.memory_space<vmem>> -> memref<1x128xf32, #tpu.memory_space<vmem>>
        %dma_start3A_114 = tpu.memref_squeeze %dma_start3A_113 : memref<1x128xf32, #tpu.memory_space<vmem>> -> memref<128xf32, #tpu.memory_space<vmem>>
        %dma_start3A_115 = arith.constant 0 : i32
        %dma_start3A_116 = tpu.memref_slice %arg7[%scan3A_47, %dma_start3A_115] : memref<8x128xi32, #tpu.memory_space<vmem>> -> memref<1x128xi32, #tpu.memory_space<vmem>>
        %dma_start3A_117 = tpu.memref_squeeze %dma_start3A_116 : memref<1x128xi32, #tpu.memory_space<vmem>> -> memref<128xi32, #tpu.memory_space<vmem>>
        %dma_start3A_118 = arith.constant 0 : i32
        %dma_start3A_119 = tpu.memref_slice %arg19[%dma_start3A_118] : memref<100352xf32, #tpu.memory_space<vmem_shared>> -> memref<100352xf32, #tpu.memory_space<vmem_shared>>
        tpu.enqueue_indirect_dma source(%dma_start3A_119 : memref<100352xf32, #tpu.memory_space<vmem_shared>>) target(%dma_start3A_114 : memref<128xf32, #tpu.memory_space<vmem>>) offsets(%dma_start3A_117 : memref<128xi32, #tpu.memory_space<vmem>>) semaphore(%arg28 : memref<!tpu.dma_semaphore, #tpu.memory_space<semaphore_mem>>)
        %dma_wait3A = arith.constant 0 : i32
        %dma_wait3A_120 = arith.constant 0 : i32
        %dma_wait3A_121 = tpu.memref_slice %arg10[%dma_wait3A, %dma_wait3A_120] : memref<8x128xf32, #tpu.memory_space<vmem>> -> memref<1x128xf32, #tpu.memory_space<vmem>>
        %dma_wait3A_122 = tpu.memref_squeeze %dma_wait3A_121 : memref<1x128xf32, #tpu.memory_space<vmem>> -> memref<128xf32, #tpu.memory_space<vmem>>
        %dma_wait3A_123 = arith.constant 0 : i32
        %dma_wait3A_124 = tpu.memref_slice %arg7[%scan3A_47, %dma_wait3A_123] : memref<8x128xi32, #tpu.memory_space<vmem>> -> memref<1x128xi32, #tpu.memory_space<vmem>>
        %dma_wait3A_125 = tpu.memref_squeeze %dma_wait3A_124 : memref<1x128xi32, #tpu.memory_space<vmem>> -> memref<128xi32, #tpu.memory_space<vmem>>
        %dma_wait3A_126 = arith.constant 0 : i32
        %dma_wait3A_127 = tpu.memref_slice %arg12[%dma_wait3A_126] : memref<100352xf32, #tpu.memory_space<vmem_shared>> -> memref<100352xf32, #tpu.memory_space<vmem_shared>>
        tpu.wait_indirect_dma semaphore(%arg28 : memref<!tpu.dma_semaphore, #tpu.memory_space<semaphore_mem>>) src(%dma_wait3A_127 : memref<100352xf32, #tpu.memory_space<vmem_shared>>) dst(%dma_wait3A_122 : memref<128xf32, #tpu.memory_space<vmem>>)
        %dma_wait3A_128 = arith.constant 1 : i32
        %dma_wait3A_129 = arith.constant 0 : i32
        %dma_wait3A_130 = tpu.memref_slice %arg10[%dma_wait3A_128, %dma_wait3A_129] : memref<8x128xf32, #tpu.memory_space<vmem>> -> memref<1x128xf32, #tpu.memory_space<vmem>>
        %dma_wait3A_131 = tpu.memref_squeeze %dma_wait3A_130 : memref<1x128xf32, #tpu.memory_space<vmem>> -> memref<128xf32, #tpu.memory_space<vmem>>
        %dma_wait3A_132 = arith.constant 0 : i32
        %dma_wait3A_133 = tpu.memref_slice %arg7[%scan3A_47, %dma_wait3A_132] : memref<8x128xi32, #tpu.memory_space<vmem>> -> memref<1x128xi32, #tpu.memory_space<vmem>>
        %dma_wait3A_134 = tpu.memref_squeeze %dma_wait3A_133 : memref<1x128xi32, #tpu.memory_space<vmem>> -> memref<128xi32, #tpu.memory_space<vmem>>
        %dma_wait3A_135 = arith.constant 0 : i32
        %dma_wait3A_136 = tpu.memref_slice %arg13[%dma_wait3A_135] : memref<100352xf32, #tpu.memory_space<vmem_shared>> -> memref<100352xf32, #tpu.memory_space<vmem_shared>>
        tpu.wait_indirect_dma semaphore(%arg28 : memref<!tpu.dma_semaphore, #tpu.memory_space<semaphore_mem>>) src(%dma_wait3A_136 : memref<100352xf32, #tpu.memory_space<vmem_shared>>) dst(%dma_wait3A_131 : memref<128xf32, #tpu.memory_space<vmem>>)
        %dma_wait3A_137 = arith.constant 2 : i32
        %dma_wait3A_138 = arith.constant 0 : i32
        %dma_wait3A_139 = tpu.memref_slice %arg10[%dma_wait3A_137, %dma_wait3A_138] : memref<8x128xf32, #tpu.memory_space<vmem>> -> memref<1x128xf32, #tpu.memory_space<vmem>>
        %dma_wait3A_140 = tpu.memref_squeeze %dma_wait3A_139 : memref<1x128xf32, #tpu.memory_space<vmem>> -> memref<128xf32, #tpu.memory_space<vmem>>
        %dma_wait3A_141 = arith.constant 0 : i32
        %dma_wait3A_142 = tpu.memref_slice %arg7[%scan3A_47, %dma_wait3A_141] : memref<8x128xi32, #tpu.memory_space<vmem>> -> memref<1x128xi32, #tpu.memory_space<vmem>>
        %dma_wait3A_143 = tpu.memref_squeeze %dma_wait3A_142 : memref<1x128xi32, #tpu.memory_space<vmem>> -> memref<128xi32, #tpu.memory_space<vmem>>
        %dma_wait3A_144 = arith.constant 0 : i32
        %dma_wait3A_145 = tpu.memref_slice %arg14[%dma_wait3A_144] : memref<100352xf32, #tpu.memory_space<vmem_shared>> -> memref<100352xf32, #tpu.memory_space<vmem_shared>>
        tpu.wait_indirect_dma semaphore(%arg28 : memref<!tpu.dma_semaphore, #tpu.memory_space<semaphore_mem>>) src(%dma_wait3A_145 : memref<100352xf32, #tpu.memory_space<vmem_shared>>) dst(%dma_wait3A_140 : memref<128xf32, #tpu.memory_space<vmem>>)
        %dma_wait3A_146 = arith.constant 3 : i32
        %dma_wait3A_147 = arith.constant 0 : i32
        %dma_wait3A_148 = tpu.memref_slice %arg10[%dma_wait3A_146, %dma_wait3A_147] : memref<8x128xf32, #tpu.memory_space<vmem>> -> memref<1x128xf32, #tpu.memory_space<vmem>>
        %dma_wait3A_149 = tpu.memref_squeeze %dma_wait3A_148 : memref<1x128xf32, #tpu.memory_space<vmem>> -> memref<128xf32, #tpu.memory_space<vmem>>
        %dma_wait3A_150 = arith.constant 0 : i32
        %dma_wait3A_151 = tpu.memref_slice %arg7[%scan3A_47, %dma_wait3A_150] : memref<8x128xi32, #tpu.memory_space<vmem>> -> memref<1x128xi32, #tpu.memory_space<vmem>>
        %dma_wait3A_152 = tpu.memref_squeeze %dma_wait3A_151 : memref<1x128xi32, #tpu.memory_space<vmem>> -> memref<128xi32, #tpu.memory_space<vmem>>
        %dma_wait3A_153 = arith.constant 0 : i32
        %dma_wait3A_154 = tpu.memref_slice %arg15[%dma_wait3A_153] : memref<100352xf32, #tpu.memory_space<vmem_shared>> -> memref<100352xf32, #tpu.memory_space<vmem_shared>>
        tpu.wait_indirect_dma semaphore(%arg28 : memref<!tpu.dma_semaphore, #tpu.memory_space<semaphore_mem>>) src(%dma_wait3A_154 : memref<100352xf32, #tpu.memory_space<vmem_shared>>) dst(%dma_wait3A_149 : memref<128xf32, #tpu.memory_space<vmem>>)
        %dma_wait3A_155 = arith.constant 4 : i32
        %dma_wait3A_156 = arith.constant 0 : i32
        %dma_wait3A_157 = tpu.memref_slice %arg10[%dma_wait3A_155, %dma_wait3A_156] : memref<8x128xf32, #tpu.memory_space<vmem>> -> memref<1x128xf32, #tpu.memory_space<vmem>>
        %dma_wait3A_158 = tpu.memref_squeeze %dma_wait3A_157 : memref<1x128xf32, #tpu.memory_space<vmem>> -> memref<128xf32, #tpu.memory_space<vmem>>
        %dma_wait3A_159 = arith.constant 0 : i32
        %dma_wait3A_160 = tpu.memref_slice %arg7[%scan3A_47, %dma_wait3A_159] : memref<8x128xi32, #tpu.memory_space<vmem>> -> memref<1x128xi32, #tpu.memory_space<vmem>>
        %dma_wait3A_161 = tpu.memref_squeeze %dma_wait3A_160 : memref<1x128xi32, #tpu.memory_space<vmem>> -> memref<128xi32, #tpu.memory_space<vmem>>
        %dma_wait3A_162 = arith.constant 0 : i32
        %dma_wait3A_163 = tpu.memref_slice %arg16[%dma_wait3A_162] : memref<100352xf32, #tpu.memory_space<vmem_shared>> -> memref<100352xf32, #tpu.memory_space<vmem_shared>>
        tpu.wait_indirect_dma semaphore(%arg28 : memref<!tpu.dma_semaphore, #tpu.memory_space<semaphore_mem>>) src(%dma_wait3A_163 : memref<100352xf32, #tpu.memory_space<vmem_shared>>) dst(%dma_wait3A_158 : memref<128xf32, #tpu.memory_space<vmem>>)
        %dma_wait3A_164 = arith.constant 5 : i32
        %dma_wait3A_165 = arith.constant 0 : i32
        %dma_wait3A_166 = tpu.memref_slice %arg10[%dma_wait3A_164, %dma_wait3A_165] : memref<8x128xf32, #tpu.memory_space<vmem>> -> memref<1x128xf32, #tpu.memory_space<vmem>>
        %dma_wait3A_167 = tpu.memref_squeeze %dma_wait3A_166 : memref<1x128xf32, #tpu.memory_space<vmem>> -> memref<128xf32, #tpu.memory_space<vmem>>
        %dma_wait3A_168 = arith.constant 0 : i32
        %dma_wait3A_169 = tpu.memref_slice %arg7[%scan3A_47, %dma_wait3A_168] : memref<8x128xi32, #tpu.memory_space<vmem>> -> memref<1x128xi32, #tpu.memory_space<vmem>>
        %dma_wait3A_170 = tpu.memref_squeeze %dma_wait3A_169 : memref<1x128xi32, #tpu.memory_space<vmem>> -> memref<128xi32, #tpu.memory_space<vmem>>
        %dma_wait3A_171 = arith.constant 0 : i32
        %dma_wait3A_172 = tpu.memref_slice %arg17[%dma_wait3A_171] : memref<100352xf32, #tpu.memory_space<vmem_shared>> -> memref<100352xf32, #tpu.memory_space<vmem_shared>>
        tpu.wait_indirect_dma semaphore(%arg28 : memref<!tpu.dma_semaphore, #tpu.memory_space<semaphore_mem>>) src(%dma_wait3A_172 : memref<100352xf32, #tpu.memory_space<vmem_shared>>) dst(%dma_wait3A_167 : memref<128xf32, #tpu.memory_space<vmem>>)
        %dma_wait3A_173 = arith.constant 6 : i32
        %dma_wait3A_174 = arith.constant 0 : i32
        %dma_wait3A_175 = tpu.memref_slice %arg10[%dma_wait3A_173, %dma_wait3A_174] : memref<8x128xf32, #tpu.memory_space<vmem>> -> memref<1x128xf32, #tpu.memory_space<vmem>>
        %dma_wait3A_176 = tpu.memref_squeeze %dma_wait3A_175 : memref<1x128xf32, #tpu.memory_space<vmem>> -> memref<128xf32, #tpu.memory_space<vmem>>
        %dma_wait3A_177 = arith.constant 0 : i32
        %dma_wait3A_178 = tpu.memref_slice %arg7[%scan3A_47, %dma_wait3A_177] : memref<8x128xi32, #tpu.memory_space<vmem>> -> memref<1x128xi32, #tpu.memory_space<vmem>>
        %dma_wait3A_179 = tpu.memref_squeeze %dma_wait3A_178 : memref<1x128xi32, #tpu.memory_space<vmem>> -> memref<128xi32, #tpu.memory_space<vmem>>
        %dma_wait3A_180 = arith.constant 0 : i32
        %dma_wait3A_181 = tpu.memref_slice %arg18[%dma_wait3A_180] : memref<100352xf32, #tpu.memory_space<vmem_shared>> -> memref<100352xf32, #tpu.memory_space<vmem_shared>>
        tpu.wait_indirect_dma semaphore(%arg28 : memref<!tpu.dma_semaphore, #tpu.memory_space<semaphore_mem>>) src(%dma_wait3A_181 : memref<100352xf32, #tpu.memory_space<vmem_shared>>) dst(%dma_wait3A_176 : memref<128xf32, #tpu.memory_space<vmem>>)
        %dma_wait3A_182 = arith.constant 7 : i32
        %dma_wait3A_183 = arith.constant 0 : i32
        %dma_wait3A_184 = tpu.memref_slice %arg10[%dma_wait3A_182, %dma_wait3A_183] : memref<8x128xf32, #tpu.memory_space<vmem>> -> memref<1x128xf32, #tpu.memory_space<vmem>>
        %dma_wait3A_185 = tpu.memref_squeeze %dma_wait3A_184 : memref<1x128xf32, #tpu.memory_space<vmem>> -> memref<128xf32, #tpu.memory_space<vmem>>
        %dma_wait3A_186 = arith.constant 0 : i32
        %dma_wait3A_187 = tpu.memref_slice %arg7[%scan3A_47, %dma_wait3A_186] : memref<8x128xi32, #tpu.memory_space<vmem>> -> memref<1x128xi32, #tpu.memory_space<vmem>>
        %dma_wait3A_188 = tpu.memref_squeeze %dma_wait3A_187 : memref<1x128xi32, #tpu.memory_space<vmem>> -> memref<128xi32, #tpu.memory_space<vmem>>
        %dma_wait3A_189 = arith.constant 0 : i32
        %dma_wait3A_190 = tpu.memref_slice %arg19[%dma_wait3A_189] : memref<100352xf32, #tpu.memory_space<vmem_shared>> -> memref<100352xf32, #tpu.memory_space<vmem_shared>>
        tpu.wait_indirect_dma semaphore(%arg28 : memref<!tpu.dma_semaphore, #tpu.memory_space<semaphore_mem>>) src(%dma_wait3A_190 : memref<100352xf32, #tpu.memory_space<vmem_shared>>) dst(%dma_wait3A_185 : memref<128xf32, #tpu.memory_space<vmem>>)
        %get3A = arith.index_cast %scan3A_47 : i32 to index
        %get3A_191 = arith.constant 0 : index
        %get3A_192 = tpu.vector_load %arg9[%get3A, %get3A_191] {strides = array<i32>} : memref<8x128xf32, #tpu.memory_space<vmem>>, vector<1x16xf32>,
        %get3A_193 = vector.shape_cast %get3A_192 : vector<1x16xf32> to vector<16xf32>
        %get3A_194 = arith.constant 0 : i32
        %get3A_195 = arith.index_cast %get3A_194 : i32 to index
        %get3A_196 = arith.constant 0 : index
        %get3A_197 = tpu.vector_load %arg10[%get3A_195, %get3A_196] {strides = array<i32>} : memref<8x128xf32, #tpu.memory_space<vmem>>, vector<1x16xf32>,
        %get3A_198 = vector.shape_cast %get3A_197 : vector<1x16xf32> to vector<16xf32>
        %mul3A_199 = arith.mulf %get3A_198, %get3A_193 : vector<16xf32>
        %swap3A = arith.constant 0 : i32
        %swap3A_200 = arith.index_cast %swap3A : i32 to index
        %swap3A_201 = arith.constant 0 : index
        %swap3A_202 = tpu.vector_load %arg10[%swap3A_200, %swap3A_201] {strides = array<i32>} : memref<8x128xf32, #tpu.memory_space<vmem>>, vector<1x16xf32>,
        %swap3A_203 = vector.shape_cast %swap3A_202 : vector<1x16xf32> to vector<16xf32>
        %swap3A_204 = vector.shape_cast %mul3A_199 : vector<16xf32> to vector<1x16xf32>
        tpu.vector_store %arg10[%swap3A_200, %swap3A_201], %swap3A_204 {strides = array<i32>} : memref<8x128xf32, #tpu.memory_space<vmem>>, vector<1x16xf32>,
        %get3A_205 = arith.constant 1 : i32
        %get3A_206 = arith.index_cast %get3A_205 : i32 to index
        %get3A_207 = arith.constant 0 : index
        %get3A_208 = tpu.vector_load %arg10[%get3A_206, %get3A_207] {strides = array<i32>} : memref<8x128xf32, #tpu.memory_space<vmem>>, vector<1x16xf32>,
        %get3A_209 = vector.shape_cast %get3A_208 : vector<1x16xf32> to vector<16xf32>
        %mul3A_210 = arith.mulf %get3A_209, %get3A_193 : vector<16xf32>
        %swap3A_211 = arith.constant 1 : i32
        %swap3A_212 = arith.index_cast %swap3A_211 : i32 to index
        %swap3A_213 = arith.constant 0 : index
        %swap3A_214 = tpu.vector_load %arg10[%swap3A_212, %swap3A_213] {strides = array<i32>} : memref<8x128xf32, #tpu.memory_space<vmem>>, vector<1x16xf32>,
        %swap3A_215 = vector.shape_cast %swap3A_214 : vector<1x16xf32> to vector<16xf32>
        %swap3A_216 = vector.shape_cast %mul3A_210 : vector<16xf32> to vector<1x16xf32>
        tpu.vector_store %arg10[%swap3A_212, %swap3A_213], %swap3A_216 {strides = array<i32>} : memref<8x128xf32, #tpu.memory_space<vmem>>, vector<1x16xf32>,
        %get3A_217 = arith.constant 2 : i32
        %get3A_218 = arith.index_cast %get3A_217 : i32 to index
        %get3A_219 = arith.constant 0 : index
        %get3A_220 = tpu.vector_load %arg10[%get3A_218, %get3A_219] {strides = array<i32>} : memref<8x128xf32, #tpu.memory_space<vmem>>, vector<1x16xf32>,
        %get3A_221 = vector.shape_cast %get3A_220 : vector<1x16xf32> to vector<16xf32>
        %mul3A_222 = arith.mulf %get3A_221, %get3A_193 : vector<16xf32>
        %swap3A_223 = arith.constant 2 : i32
        %swap3A_224 = arith.index_cast %swap3A_223 : i32 to index
        %swap3A_225 = arith.constant 0 : index
        %swap3A_226 = tpu.vector_load %arg10[%swap3A_224, %swap3A_225] {strides = array<i32>} : memref<8x128xf32, #tpu.memory_space<vmem>>, vector<1x16xf32>,
        %swap3A_227 = vector.shape_cast %swap3A_226 : vector<1x16xf32> to vector<16xf32>
        %swap3A_228 = vector.shape_cast %mul3A_222 : vector<16xf32> to vector<1x16xf32>
        tpu.vector_store %arg10[%swap3A_224, %swap3A_225], %swap3A_228 {strides = array<i32>} : memref<8x128xf32, #tpu.memory_space<vmem>>, vector<1x16xf32>,
        %get3A_229 = arith.constant 3 : i32
        %get3A_230 = arith.index_cast %get3A_229 : i32 to index
        %get3A_231 = arith.constant 0 : index
        %get3A_232 = tpu.vector_load %arg10[%get3A_230, %get3A_231] {strides = array<i32>} : memref<8x128xf32, #tpu.memory_space<vmem>>, vector<1x16xf32>,
        %get3A_233 = vector.shape_cast %get3A_232 : vector<1x16xf32> to vector<16xf32>
        %mul3A_234 = arith.mulf %get3A_233, %get3A_193 : vector<16xf32>
        %swap3A_235 = arith.constant 3 : i32
        %swap3A_236 = arith.index_cast %swap3A_235 : i32 to index
        %swap3A_237 = arith.constant 0 : index
        %swap3A_238 = tpu.vector_load %arg10[%swap3A_236, %swap3A_237] {strides = array<i32>} : memref<8x128xf32, #tpu.memory_space<vmem>>, vector<1x16xf32>,
        %swap3A_239 = vector.shape_cast %swap3A_238 : vector<1x16xf32> to vector<16xf32>
        %swap3A_240 = vector.shape_cast %mul3A_234 : vector<16xf32> to vector<1x16xf32>
        tpu.vector_store %arg10[%swap3A_236, %swap3A_237], %swap3A_240 {strides = array<i32>} : memref<8x128xf32, #tpu.memory_space<vmem>>, vector<1x16xf32>,
        %get3A_241 = arith.constant 4 : i32
        %get3A_242 = arith.index_cast %get3A_241 : i32 to index
        %get3A_243 = arith.constant 0 : index
        %get3A_244 = tpu.vector_load %arg10[%get3A_242, %get3A_243] {strides = array<i32>} : memref<8x128xf32, #tpu.memory_space<vmem>>, vector<1x16xf32>,
        %get3A_245 = vector.shape_cast %get3A_244 : vector<1x16xf32> to vector<16xf32>
        %mul3A_246 = arith.mulf %get3A_245, %get3A_193 : vector<16xf32>
        %swap3A_247 = arith.constant 4 : i32
        %swap3A_248 = arith.index_cast %swap3A_247 : i32 to index
        %swap3A_249 = arith.constant 0 : index
        %swap3A_250 = tpu.vector_load %arg10[%swap3A_248, %swap3A_249] {strides = array<i32>} : memref<8x128xf32, #tpu.memory_space<vmem>>, vector<1x16xf32>,
        %swap3A_251 = vector.shape_cast %swap3A_250 : vector<1x16xf32> to vector<16xf32>
        %swap3A_252 = vector.shape_cast %mul3A_246 : vector<16xf32> to vector<1x16xf32>
        tpu.vector_store %arg10[%swap3A_248, %swap3A_249], %swap3A_252 {strides = array<i32>} : memref<8x128xf32, #tpu.memory_space<vmem>>, vector<1x16xf32>,
        %get3A_253 = arith.constant 5 : i32
        %get3A_254 = arith.index_cast %get3A_253 : i32 to index
        %get3A_255 = arith.constant 0 : index
        %get3A_256 = tpu.vector_load %arg10[%get3A_254, %get3A_255] {strides = array<i32>} : memref<8x128xf32, #tpu.memory_space<vmem>>, vector<1x16xf32>,
        %get3A_257 = vector.shape_cast %get3A_256 : vector<1x16xf32> to vector<16xf32>
        %mul3A_258 = arith.mulf %get3A_257, %get3A_193 : vector<16xf32>
        %swap3A_259 = arith.constant 5 : i32
        %swap3A_260 = arith.index_cast %swap3A_259 : i32 to index
        %swap3A_261 = arith.constant 0 : index
        %swap3A_262 = tpu.vector_load %arg10[%swap3A_260, %swap3A_261] {strides = array<i32>} : memref<8x128xf32, #tpu.memory_space<vmem>>, vector<1x16xf32>,
        %swap3A_263 = vector.shape_cast %swap3A_262 : vector<1x16xf32> to vector<16xf32>
        %swap3A_264 = vector.shape_cast %mul3A_258 : vector<16xf32> to vector<1x16xf32>
        tpu.vector_store %arg10[%swap3A_260, %swap3A_261], %swap3A_264 {strides = array<i32>} : memref<8x128xf32, #tpu.memory_space<vmem>>, vector<1x16xf32>,
        %get3A_265 = arith.constant 6 : i32
        %get3A_266 = arith.index_cast %get3A_265 : i32 to index
        %get3A_267 = arith.constant 0 : index
        %get3A_268 = tpu.vector_load %arg10[%get3A_266, %get3A_267] {strides = array<i32>} : memref<8x128xf32, #tpu.memory_space<vmem>>, vector<1x16xf32>,
        %get3A_269 = vector.shape_cast %get3A_268 : vector<1x16xf32> to vector<16xf32>
        %mul3A_270 = arith.mulf %get3A_269, %get3A_193 : vector<16xf32>
        %swap3A_271 = arith.constant 6 : i32
        %swap3A_272 = arith.index_cast %swap3A_271 : i32 to index
        %swap3A_273 = arith.constant 0 : index
        %swap3A_274 = tpu.vector_load %arg10[%swap3A_272, %swap3A_273] {strides = array<i32>} : memref<8x128xf32, #tpu.memory_space<vmem>>, vector<1x16xf32>,
        %swap3A_275 = vector.shape_cast %swap3A_274 : vector<1x16xf32> to vector<16xf32>
        %swap3A_276 = vector.shape_cast %mul3A_270 : vector<16xf32> to vector<1x16xf32>
        tpu.vector_store %arg10[%swap3A_272, %swap3A_273], %swap3A_276 {strides = array<i32>} : memref<8x128xf32, #tpu.memory_space<vmem>>, vector<1x16xf32>,
        %get3A_277 = arith.constant 7 : i32
        %get3A_278 = arith.index_cast %get3A_277 : i32 to index
        %get3A_279 = arith.constant 0 : index
        %get3A_280 = tpu.vector_load %arg10[%get3A_278, %get3A_279] {strides = array<i32>} : memref<8x128xf32, #tpu.memory_space<vmem>>, vector<1x16xf32>,
        %get3A_281 = vector.shape_cast %get3A_280 : vector<1x16xf32> to vector<16xf32>
        %mul3A_282 = arith.mulf %get3A_281, %get3A_193 : vector<16xf32>
        %swap3A_283 = arith.constant 7 : i32
        %swap3A_284 = arith.index_cast %swap3A_283 : i32 to index
        %swap3A_285 = arith.constant 0 : index
        %swap3A_286 = tpu.vector_load %arg10[%swap3A_284, %swap3A_285] {strides = array<i32>} : memref<8x128xf32, #tpu.memory_space<vmem>>, vector<1x16xf32>,
        %swap3A_287 = vector.shape_cast %swap3A_286 : vector<1x16xf32> to vector<16xf32>
        %swap3A_288 = vector.shape_cast %mul3A_282 : vector<16xf32> to vector<1x16xf32>
        tpu.vector_store %arg10[%swap3A_284, %swap3A_285], %swap3A_288 {strides = array<i32>} : memref<8x128xf32, #tpu.memory_space<vmem>>, vector<1x16xf32>,
        %get3A_289 = arith.index_cast %scan3A_47 : i32 to index
        %get3A_290 = arith.constant 16 : index
        %get3A_291 = tpu.vector_load %arg9[%get3A_289, %get3A_290] {strides = array<i32>} : memref<8x128xf32, #tpu.memory_space<vmem>>, vector<1x16xf32>,
        %get3A_292 = vector.shape_cast %get3A_291 : vector<1x16xf32> to vector<16xf32>
        %get3A_293 = arith.constant 0 : i32
        %get3A_294 = arith.index_cast %get3A_293 : i32 to index
        %get3A_295 = arith.constant 16 : index
        %get3A_296 = tpu.vector_load %arg10[%get3A_294, %get3A_295] {strides = array<i32>} : memref<8x128xf32, #tpu.memory_space<vmem>>, vector<1x16xf32>,
        %get3A_297 = vector.shape_cast %get3A_296 : vector<1x16xf32> to vector<16xf32>
        %mul3A_298 = arith.mulf %get3A_297, %get3A_292 : vector<16xf32>
        %swap3A_299 = arith.constant 0 : i32
        %swap3A_300 = arith.index_cast %swap3A_299 : i32 to index
        %swap3A_301 = arith.constant 16 : index
        %swap3A_302 = tpu.vector_load %arg10[%swap3A_300, %swap3A_301] {strides = array<i32>} : memref<8x128xf32, #tpu.memory_space<vmem>>, vector<1x16xf32>,
        %swap3A_303 = vector.shape_cast %swap3A_302 : vector<1x16xf32> to vector<16xf32>
        %swap3A_304 = vector.shape_cast %mul3A_298 : vector<16xf32> to vector<1x16xf32>
        tpu.vector_store %arg10[%swap3A_300, %swap3A_301], %swap3A_304 {strides = array<i32>} : memref<8x128xf32, #tpu.memory_space<vmem>>, vector<1x16xf32>,
        %get3A_305 = arith.constant 1 : i32
        %get3A_306 = arith.index_cast %get3A_305 : i32 to index
        %get3A_307 = arith.constant 16 : index
        %get3A_308 = tpu.vector_load %arg10[%get3A_306, %get3A_307] {strides = array<i32>} : memref<8x128xf32, #tpu.memory_space<vmem>>, vector<1x16xf32>,
        %get3A_309 = vector.shape_cast %get3A_308 : vector<1x16xf32> to vector<16xf32>
        %mul3A_310 = arith.mulf %get3A_309, %get3A_292 : vector<16xf32>
        %swap3A_311 = arith.constant 1 : i32
        %swap3A_312 = arith.index_cast %swap3A_311 : i32 to index
        %swap3A_313 = arith.constant 16 : index
        %swap3A_314 = tpu.vector_load %arg10[%swap3A_312, %swap3A_313] {strides = array<i32>} : memref<8x128xf32, #tpu.memory_space<vmem>>, vector<1x16xf32>,
        %swap3A_315 = vector.shape_cast %swap3A_314 : vector<1x16xf32> to vector<16xf32>
        %swap3A_316 = vector.shape_cast %mul3A_310 : vector<16xf32> to vector<1x16xf32>
        tpu.vector_store %arg10[%swap3A_312, %swap3A_313], %swap3A_316 {strides = array<i32>} : memref<8x128xf32, #tpu.memory_space<vmem>>, vector<1x16xf32>,
        %get3A_317 = arith.constant 2 : i32
        %get3A_318 = arith.index_cast %get3A_317 : i32 to index
        %get3A_319 = arith.constant 16 : index
        %get3A_320 = tpu.vector_load %arg10[%get3A_318, %get3A_319] {strides = array<i32>} : memref<8x128xf32, #tpu.memory_space<vmem>>, vector<1x16xf32>,
        %get3A_321 = vector.shape_cast %get3A_320 : vector<1x16xf32> to vector<16xf32>
        %mul3A_322 = arith.mulf %get3A_321, %get3A_292 : vector<16xf32>
        %swap3A_323 = arith.constant 2 : i32
        %swap3A_324 = arith.index_cast %swap3A_323 : i32 to index
        %swap3A_325 = arith.constant 16 : index
        %swap3A_326 = tpu.vector_load %arg10[%swap3A_324, %swap3A_325] {strides = array<i32>} : memref<8x128xf32, #tpu.memory_space<vmem>>, vector<1x16xf32>,
        %swap3A_327 = vector.shape_cast %swap3A_326 : vector<1x16xf32> to vector<16xf32>
        %swap3A_328 = vector.shape_cast %mul3A_322 : vector<16xf32> to vector<1x16xf32>
        tpu.vector_store %arg10[%swap3A_324, %swap3A_325], %swap3A_328 {strides = array<i32>} : memref<8x128xf32, #tpu.memory_space<vmem>>, vector<1x16xf32>,
        %get3A_329 = arith.constant 3 : i32
        %get3A_330 = arith.index_cast %get3A_329 : i32 to index
        %get3A_331 = arith.constant 16 : index
        %get3A_332 = tpu.vector_load %arg10[%get3A_330, %get3A_331] {strides = array<i32>} : memref<8x128xf32, #tpu.memory_space<vmem>>, vector<1x16xf32>,
        %get3A_333 = vector.shape_cast %get3A_332 : vector<1x16xf32> to vector<16xf32>
        %mul3A_334 = arith.mulf %get3A_333, %get3A_292 : vector<16xf32>
        %swap3A_335 = arith.constant 3 : i32
        %swap3A_336 = arith.index_cast %swap3A_335 : i32 to index
        %swap3A_337 = arith.constant 16 : index
        %swap3A_338 = tpu.vector_load %arg10[%swap3A_336, %swap3A_337] {strides = array<i32>} : memref<8x128xf32, #tpu.memory_space<vmem>>, vector<1x16xf32>,
        %swap3A_339 = vector.shape_cast %swap3A_338 : vector<1x16xf32> to vector<16xf32>
        %swap3A_340 = vector.shape_cast %mul3A_334 : vector<16xf32> to vector<1x16xf32>
        tpu.vector_store %arg10[%swap3A_336, %swap3A_337], %swap3A_340 {strides = array<i32>} : memref<8x128xf32, #tpu.memory_space<vmem>>, vector<1x16xf32>,
        %get3A_341 = arith.constant 4 : i32
        %get3A_342 = arith.index_cast %get3A_341 : i32 to index
        %get3A_343 = arith.constant 16 : index
        %get3A_344 = tpu.vector_load %arg10[%get3A_342, %get3A_343] {strides = array<i32>} : memref<8x128xf32, #tpu.memory_space<vmem>>, vector<1x16xf32>,
        %get3A_345 = vector.shape_cast %get3A_344 : vector<1x16xf32> to vector<16xf32>
        %mul3A_346 = arith.mulf %get3A_345, %get3A_292 : vector<16xf32>
        %swap3A_347 = arith.constant 4 : i32
        %swap3A_348 = arith.index_cast %swap3A_347 : i32 to index
        %swap3A_349 = arith.constant 16 : index
        %swap3A_350 = tpu.vector_load %arg10[%swap3A_348, %swap3A_349] {strides = array<i32>} : memref<8x128xf32, #tpu.memory_space<vmem>>, vector<1x16xf32>,
        %swap3A_351 = vector.shape_cast %swap3A_350 : vector<1x16xf32> to vector<16xf32>
        %swap3A_352 = vector.shape_cast %mul3A_346 : vector<16xf32> to vector<1x16xf32>
        tpu.vector_store %arg10[%swap3A_348, %swap3A_349], %swap3A_352 {strides = array<i32>} : memref<8x128xf32, #tpu.memory_space<vmem>>, vector<1x16xf32>,
        %get3A_353 = arith.constant 5 : i32
        %get3A_354 = arith.index_cast %get3A_353 : i32 to index
        %get3A_355 = arith.constant 16 : index
        %get3A_356 = tpu.vector_load %arg10[%get3A_354, %get3A_355] {strides = array<i32>} : memref<8x128xf32, #tpu.memory_space<vmem>>, vector<1x16xf32>,
        %get3A_357 = vector.shape_cast %get3A_356 : vector<1x16xf32> to vector<16xf32>
        %mul3A_358 = arith.mulf %get3A_357, %get3A_292 : vector<16xf32>
        %swap3A_359 = arith.constant 5 : i32
        %swap3A_360 = arith.index_cast %swap3A_359 : i32 to index
        %swap3A_361 = arith.constant 16 : index
        %swap3A_362 = tpu.vector_load %arg10[%swap3A_360, %swap3A_361] {strides = array<i32>} : memref<8x128xf32, #tpu.memory_space<vmem>>, vector<1x16xf32>,
        %swap3A_363 = vector.shape_cast %swap3A_362 : vector<1x16xf32> to vector<16xf32>
        %swap3A_364 = vector.shape_cast %mul3A_358 : vector<16xf32> to vector<1x16xf32>
        tpu.vector_store %arg10[%swap3A_360, %swap3A_361], %swap3A_364 {strides = array<i32>} : memref<8x128xf32, #tpu.memory_space<vmem>>, vector<1x16xf32>,
        %get3A_365 = arith.constant 6 : i32
        %get3A_366 = arith.index_cast %get3A_365 : i32 to index
        %get3A_367 = arith.constant 16 : index
        %get3A_368 = tpu.vector_load %arg10[%get3A_366, %get3A_367] {strides = array<i32>} : memref<8x128xf32, #tpu.memory_space<vmem>>, vector<1x16xf32>,
        %get3A_369 = vector.shape_cast %get3A_368 : vector<1x16xf32> to vector<16xf32>
        %mul3A_370 = arith.mulf %get3A_369, %get3A_292 : vector<16xf32>
        %swap3A_371 = arith.constant 6 : i32
        %swap3A_372 = arith.index_cast %swap3A_371 : i32 to index
        %swap3A_373 = arith.constant 16 : index
        %swap3A_374 = tpu.vector_load %arg10[%swap3A_372, %swap3A_373] {strides = array<i32>} : memref<8x128xf32, #tpu.memory_space<vmem>>, vector<1x16xf32>,
        %swap3A_375 = vector.shape_cast %swap3A_374 : vector<1x16xf32> to vector<16xf32>
        %swap3A_376 = vector.shape_cast %mul3A_370 : vector<16xf32> to vector<1x16xf32>
        tpu.vector_store %arg10[%swap3A_372, %swap3A_373], %swap3A_376 {strides = array<i32>} : memref<8x128xf32, #tpu.memory_space<vmem>>, vector<1x16xf32>,
        %get3A_377 = arith.constant 7 : i32
        %get3A_378 = arith.index_cast %get3A_377 : i32 to index
        %get3A_379 = arith.constant 16 : index
        %get3A_380 = tpu.vector_load %arg10[%get3A_378, %get3A_379] {strides = array<i32>} : memref<8x128xf32, #tpu.memory_space<vmem>>, vector<1x16xf32>,
        %get3A_381 = vector.shape_cast %get3A_380 : vector<1x16xf32> to vector<16xf32>
        %mul3A_382 = arith.mulf %get3A_381, %get3A_292 : vector<16xf32>
        %swap3A_383 = arith.constant 7 : i32
        %swap3A_384 = arith.index_cast %swap3A_383 : i32 to index
        %swap3A_385 = arith.constant 16 : index
        %swap3A_386 = tpu.vector_load %arg10[%swap3A_384, %swap3A_385] {strides = array<i32>} : memref<8x128xf32, #tpu.memory_space<vmem>>, vector<1x16xf32>,
        %swap3A_387 = vector.shape_cast %swap3A_386 : vector<1x16xf32> to vector<16xf32>
        %swap3A_388 = vector.shape_cast %mul3A_382 : vector<16xf32> to vector<1x16xf32>
        tpu.vector_store %arg10[%swap3A_384, %swap3A_385], %swap3A_388 {strides = array<i32>} : memref<8x128xf32, #tpu.memory_space<vmem>>, vector<1x16xf32>,
        %get3A_389 = arith.index_cast %scan3A_47 : i32 to index
        %get3A_390 = arith.constant 32 : index
        %get3A_391 = tpu.vector_load %arg9[%get3A_389, %get3A_390] {strides = array<i32>} : memref<8x128xf32, #tpu.memory_space<vmem>>, vector<1x16xf32>,
        %get3A_392 = vector.shape_cast %get3A_391 : vector<1x16xf32> to vector<16xf32>
        %get3A_393 = arith.constant 0 : i32
        %get3A_394 = arith.index_cast %get3A_393 : i32 to index
        %get3A_395 = arith.constant 32 : index
        %get3A_396 = tpu.vector_load %arg10[%get3A_394, %get3A_395] {strides = array<i32>} : memref<8x128xf32, #tpu.memory_space<vmem>>, vector<1x16xf32>,
        %get3A_397 = vector.shape_cast %get3A_396 : vector<1x16xf32> to vector<16xf32>
        %mul3A_398 = arith.mulf %get3A_397, %get3A_392 : vector<16xf32>
        %swap3A_399 = arith.constant 0 : i32
        %swap3A_400 = arith.index_cast %swap3A_399 : i32 to index
        %swap3A_401 = arith.constant 32 : index
        %swap3A_402 = tpu.vector_load %arg10[%swap3A_400, %swap3A_401] {strides = array<i32>} : memref<8x128xf32, #tpu.memory_space<vmem>>, vector<1x16xf32>,
        %swap3A_403 = vector.shape_cast %swap3A_402 : vector<1x16xf32> to vector<16xf32>
        %swap3A_404 = vector.shape_cast %mul3A_398 : vector<16xf32> to vector<1x16xf32>
        tpu.vector_store %arg10[%swap3A_400, %swap3A_401], %swap3A_404 {strides = array<i32>} : memref<8x128xf32, #tpu.memory_space<vmem>>, vector<1x16xf32>,
        %get3A_405 = arith.constant 1 : i32
        %get3A_406 = arith.index_cast %get3A_405 : i32 to index
        %get3A_407 = arith.constant 32 : index
        %get3A_408 = tpu.vector_load %arg10[%get3A_406, %get3A_407] {strides = array<i32>} : memref<8x128xf32, #tpu.memory_space<vmem>>, vector<1x16xf32>,
        %get3A_409 = vector.shape_cast %get3A_408 : vector<1x16xf32> to vector<16xf32>
        %mul3A_410 = arith.mulf %get3A_409, %get3A_392 : vector<16xf32>
        %swap3A_411 = arith.constant 1 : i32
        %swap3A_412 = arith.index_cast %swap3A_411 : i32 to index
        %swap3A_413 = arith.constant 32 : index
        %swap3A_414 = tpu.vector_load %arg10[%swap3A_412, %swap3A_413] {strides = array<i32>} : memref<8x128xf32, #tpu.memory_space<vmem>>, vector<1x16xf32>,
        %swap3A_415 = vector.shape_cast %swap3A_414 : vector<1x16xf32> to vector<16xf32>
        %swap3A_416 = vector.shape_cast %mul3A_410 : vector<16xf32> to vector<1x16xf32>
        tpu.vector_store %arg10[%swap3A_412, %swap3A_413], %swap3A_416 {strides = array<i32>} : memref<8x128xf32, #tpu.memory_space<vmem>>, vector<1x16xf32>,
        %get3A_417 = arith.constant 2 : i32
        %get3A_418 = arith.index_cast %get3A_417 : i32 to index
        %get3A_419 = arith.constant 32 : index
        %get3A_420 = tpu.vector_load %arg10[%get3A_418, %get3A_419] {strides = array<i32>} : memref<8x128xf32, #tpu.memory_space<vmem>>, vector<1x16xf32>,
        %get3A_421 = vector.shape_cast %get3A_420 : vector<1x16xf32> to vector<16xf32>
        %mul3A_422 = arith.mulf %get3A_421, %get3A_392 : vector<16xf32>
        %swap3A_423 = arith.constant 2 : i32
        %swap3A_424 = arith.index_cast %swap3A_423 : i32 to index
        %swap3A_425 = arith.constant 32 : index
        %swap3A_426 = tpu.vector_load %arg10[%swap3A_424, %swap3A_425] {strides = array<i32>} : memref<8x128xf32, #tpu.memory_space<vmem>>, vector<1x16xf32>,
        %swap3A_427 = vector.shape_cast %swap3A_426 : vector<1x16xf32> to vector<16xf32>
        %swap3A_428 = vector.shape_cast %mul3A_422 : vector<16xf32> to vector<1x16xf32>
        tpu.vector_store %arg10[%swap3A_424, %swap3A_425], %swap3A_428 {strides = array<i32>} : memref<8x128xf32, #tpu.memory_space<vmem>>, vector<1x16xf32>,
        %get3A_429 = arith.constant 3 : i32
        %get3A_430 = arith.index_cast %get3A_429 : i32 to index
        %get3A_431 = arith.constant 32 : index
        %get3A_432 = tpu.vector_load %arg10[%get3A_430, %get3A_431] {strides = array<i32>} : memref<8x128xf32, #tpu.memory_space<vmem>>, vector<1x16xf32>,
        %get3A_433 = vector.shape_cast %get3A_432 : vector<1x16xf32> to vector<16xf32>
        %mul3A_434 = arith.mulf %get3A_433, %get3A_392 : vector<16xf32>
        %swap3A_435 = arith.constant 3 : i32
        %swap3A_436 = arith.index_cast %swap3A_435 : i32 to index
        %swap3A_437 = arith.constant 32 : index
        %swap3A_438 = tpu.vector_load %arg10[%swap3A_436, %swap3A_437] {strides = array<i32>} : memref<8x128xf32, #tpu.memory_space<vmem>>, vector<1x16xf32>,
        %swap3A_439 = vector.shape_cast %swap3A_438 : vector<1x16xf32> to vector<16xf32>
        %swap3A_440 = vector.shape_cast %mul3A_434 : vector<16xf32> to vector<1x16xf32>
        tpu.vector_store %arg10[%swap3A_436, %swap3A_437], %swap3A_440 {strides = array<i32>} : memref<8x128xf32, #tpu.memory_space<vmem>>, vector<1x16xf32>,
        %get3A_441 = arith.constant 4 : i32
        %get3A_442 = arith.index_cast %get3A_441 : i32 to index
        %get3A_443 = arith.constant 32 : index
        %get3A_444 = tpu.vector_load %arg10[%get3A_442, %get3A_443] {strides = array<i32>} : memref<8x128xf32, #tpu.memory_space<vmem>>, vector<1x16xf32>,
        %get3A_445 = vector.shape_cast %get3A_444 : vector<1x16xf32> to vector<16xf32>
        %mul3A_446 = arith.mulf %get3A_445, %get3A_392 : vector<16xf32>
        %swap3A_447 = arith.constant 4 : i32
        %swap3A_448 = arith.index_cast %swap3A_447 : i32 to index
        %swap3A_449 = arith.constant 32 : index
        %swap3A_450 = tpu.vector_load %arg10[%swap3A_448, %swap3A_449] {strides = array<i32>} : memref<8x128xf32, #tpu.memory_space<vmem>>, vector<1x16xf32>,
        %swap3A_451 = vector.shape_cast %swap3A_450 : vector<1x16xf32> to vector<16xf32>
        %swap3A_452 = vector.shape_cast %mul3A_446 : vector<16xf32> to vector<1x16xf32>
        tpu.vector_store %arg10[%swap3A_448, %swap3A_449], %swap3A_452 {strides = array<i32>} : memref<8x128xf32, #tpu.memory_space<vmem>>, vector<1x16xf32>,
        %get3A_453 = arith.constant 5 : i32
        %get3A_454 = arith.index_cast %get3A_453 : i32 to index
        %get3A_455 = arith.constant 32 : index
        %get3A_456 = tpu.vector_load %arg10[%get3A_454, %get3A_455] {strides = array<i32>} : memref<8x128xf32, #tpu.memory_space<vmem>>, vector<1x16xf32>,
        %get3A_457 = vector.shape_cast %get3A_456 : vector<1x16xf32> to vector<16xf32>
        %mul3A_458 = arith.mulf %get3A_457, %get3A_392 : vector<16xf32>
        %swap3A_459 = arith.constant 5 : i32
        %swap3A_460 = arith.index_cast %swap3A_459 : i32 to index
        %swap3A_461 = arith.constant 32 : index
        %swap3A_462 = tpu.vector_load %arg10[%swap3A_460, %swap3A_461] {strides = array<i32>} : memref<8x128xf32, #tpu.memory_space<vmem>>, vector<1x16xf32>,
        %swap3A_463 = vector.shape_cast %swap3A_462 : vector<1x16xf32> to vector<16xf32>
        %swap3A_464 = vector.shape_cast %mul3A_458 : vector<16xf32> to vector<1x16xf32>
        tpu.vector_store %arg10[%swap3A_460, %swap3A_461], %swap3A_464 {strides = array<i32>} : memref<8x128xf32, #tpu.memory_space<vmem>>, vector<1x16xf32>,
        %get3A_465 = arith.constant 6 : i32
        %get3A_466 = arith.index_cast %get3A_465 : i32 to index
        %get3A_467 = arith.constant 32 : index
        %get3A_468 = tpu.vector_load %arg10[%get3A_466, %get3A_467] {strides = array<i32>} : memref<8x128xf32, #tpu.memory_space<vmem>>, vector<1x16xf32>,
        %get3A_469 = vector.shape_cast %get3A_468 : vector<1x16xf32> to vector<16xf32>
        %mul3A_470 = arith.mulf %get3A_469, %get3A_392 : vector<16xf32>
        %swap3A_471 = arith.constant 6 : i32
        %swap3A_472 = arith.index_cast %swap3A_471 : i32 to index
        %swap3A_473 = arith.constant 32 : index
        %swap3A_474 = tpu.vector_load %arg10[%swap3A_472, %swap3A_473] {strides = array<i32>} : memref<8x128xf32, #tpu.memory_space<vmem>>, vector<1x16xf32>,
        %swap3A_475 = vector.shape_cast %swap3A_474 : vector<1x16xf32> to vector<16xf32>
        %swap3A_476 = vector.shape_cast %mul3A_470 : vector<16xf32> to vector<1x16xf32>
        tpu.vector_store %arg10[%swap3A_472, %swap3A_473], %swap3A_476 {strides = array<i32>} : memref<8x128xf32, #tpu.memory_space<vmem>>, vector<1x16xf32>,
        %get3A_477 = arith.constant 7 : i32
        %get3A_478 = arith.index_cast %get3A_477 : i32 to index
        %get3A_479 = arith.constant 32 : index
        %get3A_480 = tpu.vector_load %arg10[%get3A_478, %get3A_479] {strides = array<i32>} : memref<8x128xf32, #tpu.memory_space<vmem>>, vector<1x16xf32>,
        %get3A_481 = vector.shape_cast %get3A_480 : vector<1x16xf32> to vector<16xf32>
        %mul3A_482 = arith.mulf %get3A_481, %get3A_392 : vector<16xf32>
        %swap3A_483 = arith.constant 7 : i32
        %swap3A_484 = arith.index_cast %swap3A_483 : i32 to index
        %swap3A_485 = arith.constant 32 : index
        %swap3A_486 = tpu.vector_load %arg10[%swap3A_484, %swap3A_485] {strides = array<i32>} : memref<8x128xf32, #tpu.memory_space<vmem>>, vector<1x16xf32>,
        %swap3A_487 = vector.shape_cast %swap3A_486 : vector<1x16xf32> to vector<16xf32>
        %swap3A_488 = vector.shape_cast %mul3A_482 : vector<16xf32> to vector<1x16xf32>
        tpu.vector_store %arg10[%swap3A_484, %swap3A_485], %swap3A_488 {strides = array<i32>} : memref<8x128xf32, #tpu.memory_space<vmem>>, vector<1x16xf32>,
        %get3A_489 = arith.index_cast %scan3A_47 : i32 to index
        %get3A_490 = arith.constant 48 : index
        %get3A_491 = tpu.vector_load %arg9[%get3A_489, %get3A_490] {strides = array<i32>} : memref<8x128xf32, #tpu.memory_space<vmem>>, vector<1x16xf32>,
        %get3A_492 = vector.shape_cast %get3A_491 : vector<1x16xf32> to vector<16xf32>
        %get3A_493 = arith.constant 0 : i32
        %get3A_494 = arith.index_cast %get3A_493 : i32 to index
        %get3A_495 = arith.constant 48 : index
        %get3A_496 = tpu.vector_load %arg10[%get3A_494, %get3A_495] {strides = array<i32>} : memref<8x128xf32, #tpu.memory_space<vmem>>, vector<1x16xf32>,
        %get3A_497 = vector.shape_cast %get3A_496 : vector<1x16xf32> to vector<16xf32>
        %mul3A_498 = arith.mulf %get3A_497, %get3A_492 : vector<16xf32>
        %swap3A_499 = arith.constant 0 : i32
        %swap3A_500 = arith.index_cast %swap3A_499 : i32 to index
        %swap3A_501 = arith.constant 48 : index
        %swap3A_502 = tpu.vector_load %arg10[%swap3A_500, %swap3A_501] {strides = array<i32>} : memref<8x128xf32, #tpu.memory_space<vmem>>, vector<1x16xf32>,
        %swap3A_503 = vector.shape_cast %swap3A_502 : vector<1x16xf32> to vector<16xf32>
        %swap3A_504 = vector.shape_cast %mul3A_498 : vector<16xf32> to vector<1x16xf32>
        tpu.vector_store %arg10[%swap3A_500, %swap3A_501], %swap3A_504 {strides = array<i32>} : memref<8x128xf32, #tpu.memory_space<vmem>>, vector<1x16xf32>,
        %get3A_505 = arith.constant 1 : i32
        %get3A_506 = arith.index_cast %get3A_505 : i32 to index
        %get3A_507 = arith.constant 48 : index
        %get3A_508 = tpu.vector_load %arg10[%get3A_506, %get3A_507] {strides = array<i32>} : memref<8x128xf32, #tpu.memory_space<vmem>>, vector<1x16xf32>,
        %get3A_509 = vector.shape_cast %get3A_508 : vector<1x16xf32> to vector<16xf32>
        %mul3A_510 = arith.mulf %get3A_509, %get3A_492 : vector<16xf32>
        %swap3A_511 = arith.constant 1 : i32
        %swap3A_512 = arith.index_cast %swap3A_511 : i32 to index
        %swap3A_513 = arith.constant 48 : index
        %swap3A_514 = tpu.vector_load %arg10[%swap3A_512, %swap3A_513] {strides = array<i32>} : memref<8x128xf32, #tpu.memory_space<vmem>>, vector<1x16xf32>,
        %swap3A_515 = vector.shape_cast %swap3A_514 : vector<1x16xf32> to vector<16xf32>
        %swap3A_516 = vector.shape_cast %mul3A_510 : vector<16xf32> to vector<1x16xf32>
        tpu.vector_store %arg10[%swap3A_512, %swap3A_513], %swap3A_516 {strides = array<i32>} : memref<8x128xf32, #tpu.memory_space<vmem>>, vector<1x16xf32>,
        %get3A_517 = arith.constant 2 : i32
        %get3A_518 = arith.index_cast %get3A_517 : i32 to index
        %get3A_519 = arith.constant 48 : index
        %get3A_520 = tpu.vector_load %arg10[%get3A_518, %get3A_519] {strides = array<i32>} : memref<8x128xf32, #tpu.memory_space<vmem>>, vector<1x16xf32>,
        %get3A_521 = vector.shape_cast %get3A_520 : vector<1x16xf32> to vector<16xf32>
        %mul3A_522 = arith.mulf %get3A_521, %get3A_492 : vector<16xf32>
        %swap3A_523 = arith.constant 2 : i32
        %swap3A_524 = arith.index_cast %swap3A_523 : i32 to index
        %swap3A_525 = arith.constant 48 : index
        %swap3A_526 = tpu.vector_load %arg10[%swap3A_524, %swap3A_525] {strides = array<i32>} : memref<8x128xf32, #tpu.memory_space<vmem>>, vector<1x16xf32>,
        %swap3A_527 = vector.shape_cast %swap3A_526 : vector<1x16xf32> to vector<16xf32>
        %swap3A_528 = vector.shape_cast %mul3A_522 : vector<16xf32> to vector<1x16xf32>
        tpu.vector_store %arg10[%swap3A_524, %swap3A_525], %swap3A_528 {strides = array<i32>} : memref<8x128xf32, #tpu.memory_space<vmem>>, vector<1x16xf32>,
        %get3A_529 = arith.constant 3 : i32
        %get3A_530 = arith.index_cast %get3A_529 : i32 to index
        %get3A_531 = arith.constant 48 : index
        %get3A_532 = tpu.vector_load %arg10[%get3A_530, %get3A_531] {strides = array<i32>} : memref<8x128xf32, #tpu.memory_space<vmem>>, vector<1x16xf32>,
        %get3A_533 = vector.shape_cast %get3A_532 : vector<1x16xf32> to vector<16xf32>
        %mul3A_534 = arith.mulf %get3A_533, %get3A_492 : vector<16xf32>
        %swap3A_535 = arith.constant 3 : i32
        %swap3A_536 = arith.index_cast %swap3A_535 : i32 to index
        %swap3A_537 = arith.constant 48 : index
        %swap3A_538 = tpu.vector_load %arg10[%swap3A_536, %swap3A_537] {strides = array<i32>} : memref<8x128xf32, #tpu.memory_space<vmem>>, vector<1x16xf32>,
        %swap3A_539 = vector.shape_cast %swap3A_538 : vector<1x16xf32> to vector<16xf32>
        %swap3A_540 = vector.shape_cast %mul3A_534 : vector<16xf32> to vector<1x16xf32>
        tpu.vector_store %arg10[%swap3A_536, %swap3A_537], %swap3A_540 {strides = array<i32>} : memref<8x128xf32, #tpu.memory_space<vmem>>, vector<1x16xf32>,
        %get3A_541 = arith.constant 4 : i32
        %get3A_542 = arith.index_cast %get3A_541 : i32 to index
        %get3A_543 = arith.constant 48 : index
        %get3A_544 = tpu.vector_load %arg10[%get3A_542, %get3A_543] {strides = array<i32>} : memref<8x128xf32, #tpu.memory_space<vmem>>, vector<1x16xf32>,
        %get3A_545 = vector.shape_cast %get3A_544 : vector<1x16xf32> to vector<16xf32>
        %mul3A_546 = arith.mulf %get3A_545, %get3A_492 : vector<16xf32>
        %swap3A_547 = arith.constant 4 : i32
        %swap3A_548 = arith.index_cast %swap3A_547 : i32 to index
        %swap3A_549 = arith.constant 48 : index
        %swap3A_550 = tpu.vector_load %arg10[%swap3A_548, %swap3A_549] {strides = array<i32>} : memref<8x128xf32, #tpu.memory_space<vmem>>, vector<1x16xf32>,
        %swap3A_551 = vector.shape_cast %swap3A_550 : vector<1x16xf32> to vector<16xf32>
        %swap3A_552 = vector.shape_cast %mul3A_546 : vector<16xf32> to vector<1x16xf32>
        tpu.vector_store %arg10[%swap3A_548, %swap3A_549], %swap3A_552 {strides = array<i32>} : memref<8x128xf32, #tpu.memory_space<vmem>>, vector<1x16xf32>,
        %get3A_553 = arith.constant 5 : i32
        %get3A_554 = arith.index_cast %get3A_553 : i32 to index
        %get3A_555 = arith.constant 48 : index
        %get3A_556 = tpu.vector_load %arg10[%get3A_554, %get3A_555] {strides = array<i32>} : memref<8x128xf32, #tpu.memory_space<vmem>>, vector<1x16xf32>,
        %get3A_557 = vector.shape_cast %get3A_556 : vector<1x16xf32> to vector<16xf32>
        %mul3A_558 = arith.mulf %get3A_557, %get3A_492 : vector<16xf32>
        %swap3A_559 = arith.constant 5 : i32
        %swap3A_560 = arith.index_cast %swap3A_559 : i32 to index
        %swap3A_561 = arith.constant 48 : index
        %swap3A_562 = tpu.vector_load %arg10[%swap3A_560, %swap3A_561] {strides = array<i32>} : memref<8x128xf32, #tpu.memory_space<vmem>>, vector<1x16xf32>,
        %swap3A_563 = vector.shape_cast %swap3A_562 : vector<1x16xf32> to vector<16xf32>
        %swap3A_564 = vector.shape_cast %mul3A_558 : vector<16xf32> to vector<1x16xf32>
        tpu.vector_store %arg10[%swap3A_560, %swap3A_561], %swap3A_564 {strides = array<i32>} : memref<8x128xf32, #tpu.memory_space<vmem>>, vector<1x16xf32>,
        %get3A_565 = arith.constant 6 : i32
        %get3A_566 = arith.index_cast %get3A_565 : i32 to index
        %get3A_567 = arith.constant 48 : index
        %get3A_568 = tpu.vector_load %arg10[%get3A_566, %get3A_567] {strides = array<i32>} : memref<8x128xf32, #tpu.memory_space<vmem>>, vector<1x16xf32>,
        %get3A_569 = vector.shape_cast %get3A_568 : vector<1x16xf32> to vector<16xf32>
        %mul3A_570 = arith.mulf %get3A_569, %get3A_492 : vector<16xf32>
        %swap3A_571 = arith.constant 6 : i32
        %swap3A_572 = arith.index_cast %swap3A_571 : i32 to index
        %swap3A_573 = arith.constant 48 : index
        %swap3A_574 = tpu.vector_load %arg10[%swap3A_572, %swap3A_573] {strides = array<i32>} : memref<8x128xf32, #tpu.memory_space<vmem>>, vector<1x16xf32>,
        %swap3A_575 = vector.shape_cast %swap3A_574 : vector<1x16xf32> to vector<16xf32>
        %swap3A_576 = vector.shape_cast %mul3A_570 : vector<16xf32> to vector<1x16xf32>
        tpu.vector_store %arg10[%swap3A_572, %swap3A_573], %swap3A_576 {strides = array<i32>} : memref<8x128xf32, #tpu.memory_space<vmem>>, vector<1x16xf32>,
        %get3A_577 = arith.constant 7 : i32
        %get3A_578 = arith.index_cast %get3A_577 : i32 to index
        %get3A_579 = arith.constant 48 : index
        %get3A_580 = tpu.vector_load %arg10[%get3A_578, %get3A_579] {strides = array<i32>} : memref<8x128xf32, #tpu.memory_space<vmem>>, vector<1x16xf32>,
        %get3A_581 = vector.shape_cast %get3A_580 : vector<1x16xf32> to vector<16xf32>
        %mul3A_582 = arith.mulf %get3A_581, %get3A_492 : vector<16xf32>
        %swap3A_583 = arith.constant 7 : i32
        %swap3A_584 = arith.index_cast %swap3A_583 : i32 to index
        %swap3A_585 = arith.constant 48 : index
        %swap3A_586 = tpu.vector_load %arg10[%swap3A_584, %swap3A_585] {strides = array<i32>} : memref<8x128xf32, #tpu.memory_space<vmem>>, vector<1x16xf32>,
        %swap3A_587 = vector.shape_cast %swap3A_586 : vector<1x16xf32> to vector<16xf32>
        %swap3A_588 = vector.shape_cast %mul3A_582 : vector<16xf32> to vector<1x16xf32>
        tpu.vector_store %arg10[%swap3A_584, %swap3A_585], %swap3A_588 {strides = array<i32>} : memref<8x128xf32, #tpu.memory_space<vmem>>, vector<1x16xf32>,
        %get3A_589 = arith.index_cast %scan3A_47 : i32 to index
        %get3A_590 = arith.constant 64 : index
        %get3A_591 = tpu.vector_load %arg9[%get3A_589, %get3A_590] {strides = array<i32>} : memref<8x128xf32, #tpu.memory_space<vmem>>, vector<1x16xf32>,
        %get3A_592 = vector.shape_cast %get3A_591 : vector<1x16xf32> to vector<16xf32>
        %get3A_593 = arith.constant 0 : i32
        %get3A_594 = arith.index_cast %get3A_593 : i32 to index
        %get3A_595 = arith.constant 64 : index
        %get3A_596 = tpu.vector_load %arg10[%get3A_594, %get3A_595] {strides = array<i32>} : memref<8x128xf32, #tpu.memory_space<vmem>>, vector<1x16xf32>,
        %get3A_597 = vector.shape_cast %get3A_596 : vector<1x16xf32> to vector<16xf32>
        %mul3A_598 = arith.mulf %get3A_597, %get3A_592 : vector<16xf32>
        %swap3A_599 = arith.constant 0 : i32
        %swap3A_600 = arith.index_cast %swap3A_599 : i32 to index
        %swap3A_601 = arith.constant 64 : index
        %swap3A_602 = tpu.vector_load %arg10[%swap3A_600, %swap3A_601] {strides = array<i32>} : memref<8x128xf32, #tpu.memory_space<vmem>>, vector<1x16xf32>,
        %swap3A_603 = vector.shape_cast %swap3A_602 : vector<1x16xf32> to vector<16xf32>
        %swap3A_604 = vector.shape_cast %mul3A_598 : vector<16xf32> to vector<1x16xf32>
        tpu.vector_store %arg10[%swap3A_600, %swap3A_601], %swap3A_604 {strides = array<i32>} : memref<8x128xf32, #tpu.memory_space<vmem>>, vector<1x16xf32>,
        %get3A_605 = arith.constant 1 : i32
        %get3A_606 = arith.index_cast %get3A_605 : i32 to index
        %get3A_607 = arith.constant 64 : index
        %get3A_608 = tpu.vector_load %arg10[%get3A_606, %get3A_607] {strides = array<i32>} : memref<8x128xf32, #tpu.memory_space<vmem>>, vector<1x16xf32>,
        %get3A_609 = vector.shape_cast %get3A_608 : vector<1x16xf32> to vector<16xf32>
        %mul3A_610 = arith.mulf %get3A_609, %get3A_592 : vector<16xf32>
        %swap3A_611 = arith.constant 1 : i32
        %swap3A_612 = arith.index_cast %swap3A_611 : i32 to index
        %swap3A_613 = arith.constant 64 : index
        %swap3A_614 = tpu.vector_load %arg10[%swap3A_612, %swap3A_613] {strides = array<i32>} : memref<8x128xf32, #tpu.memory_space<vmem>>, vector<1x16xf32>,
        %swap3A_615 = vector.shape_cast %swap3A_614 : vector<1x16xf32> to vector<16xf32>
        %swap3A_616 = vector.shape_cast %mul3A_610 : vector<16xf32> to vector<1x16xf32>
        tpu.vector_store %arg10[%swap3A_612, %swap3A_613], %swap3A_616 {strides = array<i32>} : memref<8x128xf32, #tpu.memory_space<vmem>>, vector<1x16xf32>,
        %get3A_617 = arith.constant 2 : i32
        %get3A_618 = arith.index_cast %get3A_617 : i32 to index
        %get3A_619 = arith.constant 64 : index
        %get3A_620 = tpu.vector_load %arg10[%get3A_618, %get3A_619] {strides = array<i32>} : memref<8x128xf32, #tpu.memory_space<vmem>>, vector<1x16xf32>,
        %get3A_621 = vector.shape_cast %get3A_620 : vector<1x16xf32> to vector<16xf32>
        %mul3A_622 = arith.mulf %get3A_621, %get3A_592 : vector<16xf32>
        %swap3A_623 = arith.constant 2 : i32
        %swap3A_624 = arith.index_cast %swap3A_623 : i32 to index
        %swap3A_625 = arith.constant 64 : index
        %swap3A_626 = tpu.vector_load %arg10[%swap3A_624, %swap3A_625] {strides = array<i32>} : memref<8x128xf32, #tpu.memory_space<vmem>>, vector<1x16xf32>,
        %swap3A_627 = vector.shape_cast %swap3A_626 : vector<1x16xf32> to vector<16xf32>
        %swap3A_628 = vector.shape_cast %mul3A_622 : vector<16xf32> to vector<1x16xf32>
        tpu.vector_store %arg10[%swap3A_624, %swap3A_625], %swap3A_628 {strides = array<i32>} : memref<8x128xf32, #tpu.memory_space<vmem>>, vector<1x16xf32>,
        %get3A_629 = arith.constant 3 : i32
        %get3A_630 = arith.index_cast %get3A_629 : i32 to index
        %get3A_631 = arith.constant 64 : index
        %get3A_632 = tpu.vector_load %arg10[%get3A_630, %get3A_631] {strides = array<i32>} : memref<8x128xf32, #tpu.memory_space<vmem>>, vector<1x16xf32>,
        %get3A_633 = vector.shape_cast %get3A_632 : vector<1x16xf32> to vector<16xf32>
        %mul3A_634 = arith.mulf %get3A_633, %get3A_592 : vector<16xf32>
        %swap3A_635 = arith.constant 3 : i32
        %swap3A_636 = arith.index_cast %swap3A_635 : i32 to index
        %swap3A_637 = arith.constant 64 : index
        %swap3A_638 = tpu.vector_load %arg10[%swap3A_636, %swap3A_637] {strides = array<i32>} : memref<8x128xf32, #tpu.memory_space<vmem>>, vector<1x16xf32>,
        %swap3A_639 = vector.shape_cast %swap3A_638 : vector<1x16xf32> to vector<16xf32>
        %swap3A_640 = vector.shape_cast %mul3A_634 : vector<16xf32> to vector<1x16xf32>
        tpu.vector_store %arg10[%swap3A_636, %swap3A_637], %swap3A_640 {strides = array<i32>} : memref<8x128xf32, #tpu.memory_space<vmem>>, vector<1x16xf32>,
        %get3A_641 = arith.constant 4 : i32
        %get3A_642 = arith.index_cast %get3A_641 : i32 to index
        %get3A_643 = arith.constant 64 : index
        %get3A_644 = tpu.vector_load %arg10[%get3A_642, %get3A_643] {strides = array<i32>} : memref<8x128xf32, #tpu.memory_space<vmem>>, vector<1x16xf32>,
        %get3A_645 = vector.shape_cast %get3A_644 : vector<1x16xf32> to vector<16xf32>
        %mul3A_646 = arith.mulf %get3A_645, %get3A_592 : vector<16xf32>
        %swap3A_647 = arith.constant 4 : i32
        %swap3A_648 = arith.index_cast %swap3A_647 : i32 to index
        %swap3A_649 = arith.constant 64 : index
        %swap3A_650 = tpu.vector_load %arg10[%swap3A_648, %swap3A_649] {strides = array<i32>} : memref<8x128xf32, #tpu.memory_space<vmem>>, vector<1x16xf32>,
        %swap3A_651 = vector.shape_cast %swap3A_650 : vector<1x16xf32> to vector<16xf32>
        %swap3A_652 = vector.shape_cast %mul3A_646 : vector<16xf32> to vector<1x16xf32>
        tpu.vector_store %arg10[%swap3A_648, %swap3A_649], %swap3A_652 {strides = array<i32>} : memref<8x128xf32, #tpu.memory_space<vmem>>, vector<1x16xf32>,
        %get3A_653 = arith.constant 5 : i32
        %get3A_654 = arith.index_cast %get3A_653 : i32 to index
        %get3A_655 = arith.constant 64 : index
        %get3A_656 = tpu.vector_load %arg10[%get3A_654, %get3A_655] {strides = array<i32>} : memref<8x128xf32, #tpu.memory_space<vmem>>, vector<1x16xf32>,
        %get3A_657 = vector.shape_cast %get3A_656 : vector<1x16xf32> to vector<16xf32>
        %mul3A_658 = arith.mulf %get3A_657, %get3A_592 : vector<16xf32>
        %swap3A_659 = arith.constant 5 : i32
        %swap3A_660 = arith.index_cast %swap3A_659 : i32 to index
        %swap3A_661 = arith.constant 64 : index
        %swap3A_662 = tpu.vector_load %arg10[%swap3A_660, %swap3A_661] {strides = array<i32>} : memref<8x128xf32, #tpu.memory_space<vmem>>, vector<1x16xf32>,
        %swap3A_663 = vector.shape_cast %swap3A_662 : vector<1x16xf32> to vector<16xf32>
        %swap3A_664 = vector.shape_cast %mul3A_658 : vector<16xf32> to vector<1x16xf32>
        tpu.vector_store %arg10[%swap3A_660, %swap3A_661], %swap3A_664 {strides = array<i32>} : memref<8x128xf32, #tpu.memory_space<vmem>>, vector<1x16xf32>,
        %get3A_665 = arith.constant 6 : i32
        %get3A_666 = arith.index_cast %get3A_665 : i32 to index
        %get3A_667 = arith.constant 64 : index
        %get3A_668 = tpu.vector_load %arg10[%get3A_666, %get3A_667] {strides = array<i32>} : memref<8x128xf32, #tpu.memory_space<vmem>>, vector<1x16xf32>,
        %get3A_669 = vector.shape_cast %get3A_668 : vector<1x16xf32> to vector<16xf32>
        %mul3A_670 = arith.mulf %get3A_669, %get3A_592 : vector<16xf32>
        %swap3A_671 = arith.constant 6 : i32
        %swap3A_672 = arith.index_cast %swap3A_671 : i32 to index
        %swap3A_673 = arith.constant 64 : index
        %swap3A_674 = tpu.vector_load %arg10[%swap3A_672, %swap3A_673] {strides = array<i32>} : memref<8x128xf32, #tpu.memory_space<vmem>>, vector<1x16xf32>,
        %swap3A_675 = vector.shape_cast %swap3A_674 : vector<1x16xf32> to vector<16xf32>
        %swap3A_676 = vector.shape_cast %mul3A_670 : vector<16xf32> to vector<1x16xf32>
        tpu.vector_store %arg10[%swap3A_672, %swap3A_673], %swap3A_676 {strides = array<i32>} : memref<8x128xf32, #tpu.memory_space<vmem>>, vector<1x16xf32>,
        %get3A_677 = arith.constant 7 : i32
        %get3A_678 = arith.index_cast %get3A_677 : i32 to index
        %get3A_679 = arith.constant 64 : index
        %get3A_680 = tpu.vector_load %arg10[%get3A_678, %get3A_679] {strides = array<i32>} : memref<8x128xf32, #tpu.memory_space<vmem>>, vector<1x16xf32>,
        %get3A_681 = vector.shape_cast %get3A_680 : vector<1x16xf32> to vector<16xf32>
        %mul3A_682 = arith.mulf %get3A_681, %get3A_592 : vector<16xf32>
        %swap3A_683 = arith.constant 7 : i32
        %swap3A_684 = arith.index_cast %swap3A_683 : i32 to index
        %swap3A_685 = arith.constant 64 : index
        %swap3A_686 = tpu.vector_load %arg10[%swap3A_684, %swap3A_685] {strides = array<i32>} : memref<8x128xf32, #tpu.memory_space<vmem>>, vector<1x16xf32>,
        %swap3A_687 = vector.shape_cast %swap3A_686 : vector<1x16xf32> to vector<16xf32>
        %swap3A_688 = vector.shape_cast %mul3A_682 : vector<16xf32> to vector<1x16xf32>
        tpu.vector_store %arg10[%swap3A_684, %swap3A_685], %swap3A_688 {strides = array<i32>} : memref<8x128xf32, #tpu.memory_space<vmem>>, vector<1x16xf32>,
        %get3A_689 = arith.index_cast %scan3A_47 : i32 to index
        %get3A_690 = arith.constant 80 : index
        %get3A_691 = tpu.vector_load %arg9[%get3A_689, %get3A_690] {strides = array<i32>} : memref<8x128xf32, #tpu.memory_space<vmem>>, vector<1x16xf32>,
        %get3A_692 = vector.shape_cast %get3A_691 : vector<1x16xf32> to vector<16xf32>
        %get3A_693 = arith.constant 0 : i32
        %get3A_694 = arith.index_cast %get3A_693 : i32 to index
        %get3A_695 = arith.constant 80 : index
        %get3A_696 = tpu.vector_load %arg10[%get3A_694, %get3A_695] {strides = array<i32>} : memref<8x128xf32, #tpu.memory_space<vmem>>, vector<1x16xf32>,
        %get3A_697 = vector.shape_cast %get3A_696 : vector<1x16xf32> to vector<16xf32>
        %mul3A_698 = arith.mulf %get3A_697, %get3A_692 : vector<16xf32>
        %swap3A_699 = arith.constant 0 : i32
        %swap3A_700 = arith.index_cast %swap3A_699 : i32 to index
        %swap3A_701 = arith.constant 80 : index
        %swap3A_702 = tpu.vector_load %arg10[%swap3A_700, %swap3A_701] {strides = array<i32>} : memref<8x128xf32, #tpu.memory_space<vmem>>, vector<1x16xf32>,
        %swap3A_703 = vector.shape_cast %swap3A_702 : vector<1x16xf32> to vector<16xf32>
        %swap3A_704 = vector.shape_cast %mul3A_698 : vector<16xf32> to vector<1x16xf32>
        tpu.vector_store %arg10[%swap3A_700, %swap3A_701], %swap3A_704 {strides = array<i32>} : memref<8x128xf32, #tpu.memory_space<vmem>>, vector<1x16xf32>,
        %get3A_705 = arith.constant 1 : i32
        %get3A_706 = arith.index_cast %get3A_705 : i32 to index
        %get3A_707 = arith.constant 80 : index
        %get3A_708 = tpu.vector_load %arg10[%get3A_706, %get3A_707] {strides = array<i32>} : memref<8x128xf32, #tpu.memory_space<vmem>>, vector<1x16xf32>,
        %get3A_709 = vector.shape_cast %get3A_708 : vector<1x16xf32> to vector<16xf32>
        %mul3A_710 = arith.mulf %get3A_709, %get3A_692 : vector<16xf32>
        %swap3A_711 = arith.constant 1 : i32
        %swap3A_712 = arith.index_cast %swap3A_711 : i32 to index
        %swap3A_713 = arith.constant 80 : index
        %swap3A_714 = tpu.vector_load %arg10[%swap3A_712, %swap3A_713] {strides = array<i32>} : memref<8x128xf32, #tpu.memory_space<vmem>>, vector<1x16xf32>,
        %swap3A_715 = vector.shape_cast %swap3A_714 : vector<1x16xf32> to vector<16xf32>
        %swap3A_716 = vector.shape_cast %mul3A_710 : vector<16xf32> to vector<1x16xf32>
        tpu.vector_store %arg10[%swap3A_712, %swap3A_713], %swap3A_716 {strides = array<i32>} : memref<8x128xf32, #tpu.memory_space<vmem>>, vector<1x16xf32>,
        %get3A_717 = arith.constant 2 : i32
        %get3A_718 = arith.index_cast %get3A_717 : i32 to index
        %get3A_719 = arith.constant 80 : index
        %get3A_720 = tpu.vector_load %arg10[%get3A_718, %get3A_719] {strides = array<i32>} : memref<8x128xf32, #tpu.memory_space<vmem>>, vector<1x16xf32>,
        %get3A_721 = vector.shape_cast %get3A_720 : vector<1x16xf32> to vector<16xf32>
        %mul3A_722 = arith.mulf %get3A_721, %get3A_692 : vector<16xf32>
        %swap3A_723 = arith.constant 2 : i32
        %swap3A_724 = arith.index_cast %swap3A_723 : i32 to index
        %swap3A_725 = arith.constant 80 : index
        %swap3A_726 = tpu.vector_load %arg10[%swap3A_724, %swap3A_725] {strides = array<i32>} : memref<8x128xf32, #tpu.memory_space<vmem>>, vector<1x16xf32>,
        %swap3A_727 = vector.shape_cast %swap3A_726 : vector<1x16xf32> to vector<16xf32>
        %swap3A_728 = vector.shape_cast %mul3A_722 : vector<16xf32> to vector<1x16xf32>
        tpu.vector_store %arg10[%swap3A_724, %swap3A_725], %swap3A_728 {strides = array<i32>} : memref<8x128xf32, #tpu.memory_space<vmem>>, vector<1x16xf32>,
        %get3A_729 = arith.constant 3 : i32
        %get3A_730 = arith.index_cast %get3A_729 : i32 to index
        %get3A_731 = arith.constant 80 : index
        %get3A_732 = tpu.vector_load %arg10[%get3A_730, %get3A_731] {strides = array<i32>} : memref<8x128xf32, #tpu.memory_space<vmem>>, vector<1x16xf32>,
        %get3A_733 = vector.shape_cast %get3A_732 : vector<1x16xf32> to vector<16xf32>
        %mul3A_734 = arith.mulf %get3A_733, %get3A_692 : vector<16xf32>
        %swap3A_735 = arith.constant 3 : i32
        %swap3A_736 = arith.index_cast %swap3A_735 : i32 to index
        %swap3A_737 = arith.constant 80 : index
        %swap3A_738 = tpu.vector_load %arg10[%swap3A_736, %swap3A_737] {strides = array<i32>} : memref<8x128xf32, #tpu.memory_space<vmem>>, vector<1x16xf32>,
        %swap3A_739 = vector.shape_cast %swap3A_738 : vector<1x16xf32> to vector<16xf32>
        %swap3A_740 = vector.shape_cast %mul3A_734 : vector<16xf32> to vector<1x16xf32>
        tpu.vector_store %arg10[%swap3A_736, %swap3A_737], %swap3A_740 {strides = array<i32>} : memref<8x128xf32, #tpu.memory_space<vmem>>, vector<1x16xf32>,
        %get3A_741 = arith.constant 4 : i32
        %get3A_742 = arith.index_cast %get3A_741 : i32 to index
        %get3A_743 = arith.constant 80 : index
        %get3A_744 = tpu.vector_load %arg10[%get3A_742, %get3A_743] {strides = array<i32>} : memref<8x128xf32, #tpu.memory_space<vmem>>, vector<1x16xf32>,
        %get3A_745 = vector.shape_cast %get3A_744 : vector<1x16xf32> to vector<16xf32>
        %mul3A_746 = arith.mulf %get3A_745, %get3A_692 : vector<16xf32>
        %swap3A_747 = arith.constant 4 : i32
        %swap3A_748 = arith.index_cast %swap3A_747 : i32 to index
        %swap3A_749 = arith.constant 80 : index
        %swap3A_750 = tpu.vector_load %arg10[%swap3A_748, %swap3A_749] {strides = array<i32>} : memref<8x128xf32, #tpu.memory_space<vmem>>, vector<1x16xf32>,
        %swap3A_751 = vector.shape_cast %swap3A_750 : vector<1x16xf32> to vector<16xf32>
        %swap3A_752 = vector.shape_cast %mul3A_746 : vector<16xf32> to vector<1x16xf32>
        tpu.vector_store %arg10[%swap3A_748, %swap3A_749], %swap3A_752 {strides = array<i32>} : memref<8x128xf32, #tpu.memory_space<vmem>>, vector<1x16xf32>,
        %get3A_753 = arith.constant 5 : i32
        %get3A_754 = arith.index_cast %get3A_753 : i32 to index
        %get3A_755 = arith.constant 80 : index
        %get3A_756 = tpu.vector_load %arg10[%get3A_754, %get3A_755] {strides = array<i32>} : memref<8x128xf32, #tpu.memory_space<vmem>>, vector<1x16xf32>,
        %get3A_757 = vector.shape_cast %get3A_756 : vector<1x16xf32> to vector<16xf32>
        %mul3A_758 = arith.mulf %get3A_757, %get3A_692 : vector<16xf32>
        %swap3A_759 = arith.constant 5 : i32
        %swap3A_760 = arith.index_cast %swap3A_759 : i32 to index
        %swap3A_761 = arith.constant 80 : index
        %swap3A_762 = tpu.vector_load %arg10[%swap3A_760, %swap3A_761] {strides = array<i32>} : memref<8x128xf32, #tpu.memory_space<vmem>>, vector<1x16xf32>,
        %swap3A_763 = vector.shape_cast %swap3A_762 : vector<1x16xf32> to vector<16xf32>
        %swap3A_764 = vector.shape_cast %mul3A_758 : vector<16xf32> to vector<1x16xf32>
        tpu.vector_store %arg10[%swap3A_760, %swap3A_761], %swap3A_764 {strides = array<i32>} : memref<8x128xf32, #tpu.memory_space<vmem>>, vector<1x16xf32>,
        %get3A_765 = arith.constant 6 : i32
        %get3A_766 = arith.index_cast %get3A_765 : i32 to index
        %get3A_767 = arith.constant 80 : index
        %get3A_768 = tpu.vector_load %arg10[%get3A_766, %get3A_767] {strides = array<i32>} : memref<8x128xf32, #tpu.memory_space<vmem>>, vector<1x16xf32>,
        %get3A_769 = vector.shape_cast %get3A_768 : vector<1x16xf32> to vector<16xf32>
        %mul3A_770 = arith.mulf %get3A_769, %get3A_692 : vector<16xf32>
        %swap3A_771 = arith.constant 6 : i32
        %swap3A_772 = arith.index_cast %swap3A_771 : i32 to index
        %swap3A_773 = arith.constant 80 : index
        %swap3A_774 = tpu.vector_load %arg10[%swap3A_772, %swap3A_773] {strides = array<i32>} : memref<8x128xf32, #tpu.memory_space<vmem>>, vector<1x16xf32>,
        %swap3A_775 = vector.shape_cast %swap3A_774 : vector<1x16xf32> to vector<16xf32>
        %swap3A_776 = vector.shape_cast %mul3A_770 : vector<16xf32> to vector<1x16xf32>
        tpu.vector_store %arg10[%swap3A_772, %swap3A_773], %swap3A_776 {strides = array<i32>} : memref<8x128xf32, #tpu.memory_space<vmem>>, vector<1x16xf32>,
        %get3A_777 = arith.constant 7 : i32
        %get3A_778 = arith.index_cast %get3A_777 : i32 to index
        %get3A_779 = arith.constant 80 : index
        %get3A_780 = tpu.vector_load %arg10[%get3A_778, %get3A_779] {strides = array<i32>} : memref<8x128xf32, #tpu.memory_space<vmem>>, vector<1x16xf32>,
        %get3A_781 = vector.shape_cast %get3A_780 : vector<1x16xf32> to vector<16xf32>
        %mul3A_782 = arith.mulf %get3A_781, %get3A_692 : vector<16xf32>
        %swap3A_783 = arith.constant 7 : i32
        %swap3A_784 = arith.index_cast %swap3A_783 : i32 to index
        %swap3A_785 = arith.constant 80 : index
        %swap3A_786 = tpu.vector_load %arg10[%swap3A_784, %swap3A_785] {strides = array<i32>} : memref<8x128xf32, #tpu.memory_space<vmem>>, vector<1x16xf32>,
        %swap3A_787 = vector.shape_cast %swap3A_786 : vector<1x16xf32> to vector<16xf32>
        %swap3A_788 = vector.shape_cast %mul3A_782 : vector<16xf32> to vector<1x16xf32>
        tpu.vector_store %arg10[%swap3A_784, %swap3A_785], %swap3A_788 {strides = array<i32>} : memref<8x128xf32, #tpu.memory_space<vmem>>, vector<1x16xf32>,
        %get3A_789 = arith.index_cast %scan3A_47 : i32 to index
        %get3A_790 = arith.constant 96 : index
        %get3A_791 = tpu.vector_load %arg9[%get3A_789, %get3A_790] {strides = array<i32>} : memref<8x128xf32, #tpu.memory_space<vmem>>, vector<1x16xf32>,
        %get3A_792 = vector.shape_cast %get3A_791 : vector<1x16xf32> to vector<16xf32>
        %get3A_793 = arith.constant 0 : i32
        %get3A_794 = arith.index_cast %get3A_793 : i32 to index
        %get3A_795 = arith.constant 96 : index
        %get3A_796 = tpu.vector_load %arg10[%get3A_794, %get3A_795] {strides = array<i32>} : memref<8x128xf32, #tpu.memory_space<vmem>>, vector<1x16xf32>,
        %get3A_797 = vector.shape_cast %get3A_796 : vector<1x16xf32> to vector<16xf32>
        %mul3A_798 = arith.mulf %get3A_797, %get3A_792 : vector<16xf32>
        %swap3A_799 = arith.constant 0 : i32
        %swap3A_800 = arith.index_cast %swap3A_799 : i32 to index
        %swap3A_801 = arith.constant 96 : index
        %swap3A_802 = tpu.vector_load %arg10[%swap3A_800, %swap3A_801] {strides = array<i32>} : memref<8x128xf32, #tpu.memory_space<vmem>>, vector<1x16xf32>,
        %swap3A_803 = vector.shape_cast %swap3A_802 : vector<1x16xf32> to vector<16xf32>
        %swap3A_804 = vector.shape_cast %mul3A_798 : vector<16xf32> to vector<1x16xf32>
        tpu.vector_store %arg10[%swap3A_800, %swap3A_801], %swap3A_804 {strides = array<i32>} : memref<8x128xf32, #tpu.memory_space<vmem>>, vector<1x16xf32>,
        %get3A_805 = arith.constant 1 : i32
        %get3A_806 = arith.index_cast %get3A_805 : i32 to index
        %get3A_807 = arith.constant 96 : index
        %get3A_808 = tpu.vector_load %arg10[%get3A_806, %get3A_807] {strides = array<i32>} : memref<8x128xf32, #tpu.memory_space<vmem>>, vector<1x16xf32>,
        %get3A_809 = vector.shape_cast %get3A_808 : vector<1x16xf32> to vector<16xf32>
        %mul3A_810 = arith.mulf %get3A_809, %get3A_792 : vector<16xf32>
        %swap3A_811 = arith.constant 1 : i32
        %swap3A_812 = arith.index_cast %swap3A_811 : i32 to index
        %swap3A_813 = arith.constant 96 : index
        %swap3A_814 = tpu.vector_load %arg10[%swap3A_812, %swap3A_813] {strides = array<i32>} : memref<8x128xf32, #tpu.memory_space<vmem>>, vector<1x16xf32>,
        %swap3A_815 = vector.shape_cast %swap3A_814 : vector<1x16xf32> to vector<16xf32>
        %swap3A_816 = vector.shape_cast %mul3A_810 : vector<16xf32> to vector<1x16xf32>
        tpu.vector_store %arg10[%swap3A_812, %swap3A_813], %swap3A_816 {strides = array<i32>} : memref<8x128xf32, #tpu.memory_space<vmem>>, vector<1x16xf32>,
        %get3A_817 = arith.constant 2 : i32
        %get3A_818 = arith.index_cast %get3A_817 : i32 to index
        %get3A_819 = arith.constant 96 : index
        %get3A_820 = tpu.vector_load %arg10[%get3A_818, %get3A_819] {strides = array<i32>} : memref<8x128xf32, #tpu.memory_space<vmem>>, vector<1x16xf32>,
        %get3A_821 = vector.shape_cast %get3A_820 : vector<1x16xf32> to vector<16xf32>
        %mul3A_822 = arith.mulf %get3A_821, %get3A_792 : vector<16xf32>
        %swap3A_823 = arith.constant 2 : i32
        %swap3A_824 = arith.index_cast %swap3A_823 : i32 to index
        %swap3A_825 = arith.constant 96 : index
        %swap3A_826 = tpu.vector_load %arg10[%swap3A_824, %swap3A_825] {strides = array<i32>} : memref<8x128xf32, #tpu.memory_space<vmem>>, vector<1x16xf32>,
        %swap3A_827 = vector.shape_cast %swap3A_826 : vector<1x16xf32> to vector<16xf32>
        %swap3A_828 = vector.shape_cast %mul3A_822 : vector<16xf32> to vector<1x16xf32>
        tpu.vector_store %arg10[%swap3A_824, %swap3A_825], %swap3A_828 {strides = array<i32>} : memref<8x128xf32, #tpu.memory_space<vmem>>, vector<1x16xf32>,
        %get3A_829 = arith.constant 3 : i32
        %get3A_830 = arith.index_cast %get3A_829 : i32 to index
        %get3A_831 = arith.constant 96 : index
        %get3A_832 = tpu.vector_load %arg10[%get3A_830, %get3A_831] {strides = array<i32>} : memref<8x128xf32, #tpu.memory_space<vmem>>, vector<1x16xf32>,
        %get3A_833 = vector.shape_cast %get3A_832 : vector<1x16xf32> to vector<16xf32>
        %mul3A_834 = arith.mulf %get3A_833, %get3A_792 : vector<16xf32>
        %swap3A_835 = arith.constant 3 : i32
        %swap3A_836 = arith.index_cast %swap3A_835 : i32 to index
        %swap3A_837 = arith.constant 96 : index
        %swap3A_838 = tpu.vector_load %arg10[%swap3A_836, %swap3A_837] {strides = array<i32>} : memref<8x128xf32, #tpu.memory_space<vmem>>, vector<1x16xf32>,
        %swap3A_839 = vector.shape_cast %swap3A_838 : vector<1x16xf32> to vector<16xf32>
        %swap3A_840 = vector.shape_cast %mul3A_834 : vector<16xf32> to vector<1x16xf32>
        tpu.vector_store %arg10[%swap3A_836, %swap3A_837], %swap3A_840 {strides = array<i32>} : memref<8x128xf32, #tpu.memory_space<vmem>>, vector<1x16xf32>,
        %get3A_841 = arith.constant 4 : i32
        %get3A_842 = arith.index_cast %get3A_841 : i32 to index
        %get3A_843 = arith.constant 96 : index
        %get3A_844 = tpu.vector_load %arg10[%get3A_842, %get3A_843] {strides = array<i32>} : memref<8x128xf32, #tpu.memory_space<vmem>>, vector<1x16xf32>,
        %get3A_845 = vector.shape_cast %get3A_844 : vector<1x16xf32> to vector<16xf32>
        %mul3A_846 = arith.mulf %get3A_845, %get3A_792 : vector<16xf32>
        %swap3A_847 = arith.constant 4 : i32
        %swap3A_848 = arith.index_cast %swap3A_847 : i32 to index
        %swap3A_849 = arith.constant 96 : index
        %swap3A_850 = tpu.vector_load %arg10[%swap3A_848, %swap3A_849] {strides = array<i32>} : memref<8x128xf32, #tpu.memory_space<vmem>>, vector<1x16xf32>,
        %swap3A_851 = vector.shape_cast %swap3A_850 : vector<1x16xf32> to vector<16xf32>
        %swap3A_852 = vector.shape_cast %mul3A_846 : vector<16xf32> to vector<1x16xf32>
        tpu.vector_store %arg10[%swap3A_848, %swap3A_849], %swap3A_852 {strides = array<i32>} : memref<8x128xf32, #tpu.memory_space<vmem>>, vector<1x16xf32>,
        %get3A_853 = arith.constant 5 : i32
        %get3A_854 = arith.index_cast %get3A_853 : i32 to index
        %get3A_855 = arith.constant 96 : index
        %get3A_856 = tpu.vector_load %arg10[%get3A_854, %get3A_855] {strides = array<i32>} : memref<8x128xf32, #tpu.memory_space<vmem>>, vector<1x16xf32>,
        %get3A_857 = vector.shape_cast %get3A_856 : vector<1x16xf32> to vector<16xf32>
        %mul3A_858 = arith.mulf %get3A_857, %get3A_792 : vector<16xf32>
        %swap3A_859 = arith.constant 5 : i32
        %swap3A_860 = arith.index_cast %swap3A_859 : i32 to index
        %swap3A_861 = arith.constant 96 : index
        %swap3A_862 = tpu.vector_load %arg10[%swap3A_860, %swap3A_861] {strides = array<i32>} : memref<8x128xf32, #tpu.memory_space<vmem>>, vector<1x16xf32>,
        %swap3A_863 = vector.shape_cast %swap3A_862 : vector<1x16xf32> to vector<16xf32>
        %swap3A_864 = vector.shape_cast %mul3A_858 : vector<16xf32> to vector<1x16xf32>
        tpu.vector_store %arg10[%swap3A_860, %swap3A_861], %swap3A_864 {strides = array<i32>} : memref<8x128xf32, #tpu.memory_space<vmem>>, vector<1x16xf32>,
        %get3A_865 = arith.constant 6 : i32
        %get3A_866 = arith.index_cast %get3A_865 : i32 to index
        %get3A_867 = arith.constant 96 : index
        %get3A_868 = tpu.vector_load %arg10[%get3A_866, %get3A_867] {strides = array<i32>} : memref<8x128xf32, #tpu.memory_space<vmem>>, vector<1x16xf32>,
        %get3A_869 = vector.shape_cast %get3A_868 : vector<1x16xf32> to vector<16xf32>
        %mul3A_870 = arith.mulf %get3A_869, %get3A_792 : vector<16xf32>
        %swap3A_871 = arith.constant 6 : i32
        %swap3A_872 = arith.index_cast %swap3A_871 : i32 to index
        %swap3A_873 = arith.constant 96 : index
        %swap3A_874 = tpu.vector_load %arg10[%swap3A_872, %swap3A_873] {strides = array<i32>} : memref<8x128xf32, #tpu.memory_space<vmem>>, vector<1x16xf32>,
        %swap3A_875 = vector.shape_cast %swap3A_874 : vector<1x16xf32> to vector<16xf32>
        %swap3A_876 = vector.shape_cast %mul3A_870 : vector<16xf32> to vector<1x16xf32>
        tpu.vector_store %arg10[%swap3A_872, %swap3A_873], %swap3A_876 {strides = array<i32>} : memref<8x128xf32, #tpu.memory_space<vmem>>, vector<1x16xf32>,
        %get3A_877 = arith.constant 7 : i32
        %get3A_878 = arith.index_cast %get3A_877 : i32 to index
        %get3A_879 = arith.constant 96 : index
        %get3A_880 = tpu.vector_load %arg10[%get3A_878, %get3A_879] {strides = array<i32>} : memref<8x128xf32, #tpu.memory_space<vmem>>, vector<1x16xf32>,
        %get3A_881 = vector.shape_cast %get3A_880 : vector<1x16xf32> to vector<16xf32>
        %mul3A_882 = arith.mulf %get3A_881, %get3A_792 : vector<16xf32>
        %swap3A_883 = arith.constant 7 : i32
        %swap3A_884 = arith.index_cast %swap3A_883 : i32 to index
        %swap3A_885 = arith.constant 96 : index
        %swap3A_886 = tpu.vector_load %arg10[%swap3A_884, %swap3A_885] {strides = array<i32>} : memref<8x128xf32, #tpu.memory_space<vmem>>, vector<1x16xf32>,
        %swap3A_887 = vector.shape_cast %swap3A_886 : vector<1x16xf32> to vector<16xf32>
        %swap3A_888 = vector.shape_cast %mul3A_882 : vector<16xf32> to vector<1x16xf32>
        tpu.vector_store %arg10[%swap3A_884, %swap3A_885], %swap3A_888 {strides = array<i32>} : memref<8x128xf32, #tpu.memory_space<vmem>>, vector<1x16xf32>,
        %get3A_889 = arith.index_cast %scan3A_47 : i32 to index
        %get3A_890 = arith.constant 112 : index
        %get3A_891 = tpu.vector_load %arg9[%get3A_889, %get3A_890] {strides = array<i32>} : memref<8x128xf32, #tpu.memory_space<vmem>>, vector<1x16xf32>,
        %get3A_892 = vector.shape_cast %get3A_891 : vector<1x16xf32> to vector<16xf32>
        %get3A_893 = arith.constant 0 : i32
        %get3A_894 = arith.index_cast %get3A_893 : i32 to index
        %get3A_895 = arith.constant 112 : index
        %get3A_896 = tpu.vector_load %arg10[%get3A_894, %get3A_895] {strides = array<i32>} : memref<8x128xf32, #tpu.memory_space<vmem>>, vector<1x16xf32>,
        %get3A_897 = vector.shape_cast %get3A_896 : vector<1x16xf32> to vector<16xf32>
        %mul3A_898 = arith.mulf %get3A_897, %get3A_892 : vector<16xf32>
        %swap3A_899 = arith.constant 0 : i32
        %swap3A_900 = arith.index_cast %swap3A_899 : i32 to index
        %swap3A_901 = arith.constant 112 : index
        %swap3A_902 = tpu.vector_load %arg10[%swap3A_900, %swap3A_901] {strides = array<i32>} : memref<8x128xf32, #tpu.memory_space<vmem>>, vector<1x16xf32>,
        %swap3A_903 = vector.shape_cast %swap3A_902 : vector<1x16xf32> to vector<16xf32>
        %swap3A_904 = vector.shape_cast %mul3A_898 : vector<16xf32> to vector<1x16xf32>
        tpu.vector_store %arg10[%swap3A_900, %swap3A_901], %swap3A_904 {strides = array<i32>} : memref<8x128xf32, #tpu.memory_space<vmem>>, vector<1x16xf32>,
        %get3A_905 = arith.constant 1 : i32
        %get3A_906 = arith.index_cast %get3A_905 : i32 to index
        %get3A_907 = arith.constant 112 : index
        %get3A_908 = tpu.vector_load %arg10[%get3A_906, %get3A_907] {strides = array<i32>} : memref<8x128xf32, #tpu.memory_space<vmem>>, vector<1x16xf32>,
        %get3A_909 = vector.shape_cast %get3A_908 : vector<1x16xf32> to vector<16xf32>
        %mul3A_910 = arith.mulf %get3A_909, %get3A_892 : vector<16xf32>
        %swap3A_911 = arith.constant 1 : i32
        %swap3A_912 = arith.index_cast %swap3A_911 : i32 to index
        %swap3A_913 = arith.constant 112 : index
        %swap3A_914 = tpu.vector_load %arg10[%swap3A_912, %swap3A_913] {strides = array<i32>} : memref<8x128xf32, #tpu.memory_space<vmem>>, vector<1x16xf32>,
        %swap3A_915 = vector.shape_cast %swap3A_914 : vector<1x16xf32> to vector<16xf32>
        %swap3A_916 = vector.shape_cast %mul3A_910 : vector<16xf32> to vector<1x16xf32>
        tpu.vector_store %arg10[%swap3A_912, %swap3A_913], %swap3A_916 {strides = array<i32>} : memref<8x128xf32, #tpu.memory_space<vmem>>, vector<1x16xf32>,
        %get3A_917 = arith.constant 2 : i32
        %get3A_918 = arith.index_cast %get3A_917 : i32 to index
        %get3A_919 = arith.constant 112 : index
        %get3A_920 = tpu.vector_load %arg10[%get3A_918, %get3A_919] {strides = array<i32>} : memref<8x128xf32, #tpu.memory_space<vmem>>, vector<1x16xf32>,
        %get3A_921 = vector.shape_cast %get3A_920 : vector<1x16xf32> to vector<16xf32>
        %mul3A_922 = arith.mulf %get3A_921, %get3A_892 : vector<16xf32>
        %swap3A_923 = arith.constant 2 : i32
        %swap3A_924 = arith.index_cast %swap3A_923 : i32 to index
        %swap3A_925 = arith.constant 112 : index
        %swap3A_926 = tpu.vector_load %arg10[%swap3A_924, %swap3A_925] {strides = array<i32>} : memref<8x128xf32, #tpu.memory_space<vmem>>, vector<1x16xf32>,
        %swap3A_927 = vector.shape_cast %swap3A_926 : vector<1x16xf32> to vector<16xf32>
        %swap3A_928 = vector.shape_cast %mul3A_922 : vector<16xf32> to vector<1x16xf32>
        tpu.vector_store %arg10[%swap3A_924, %swap3A_925], %swap3A_928 {strides = array<i32>} : memref<8x128xf32, #tpu.memory_space<vmem>>, vector<1x16xf32>,
        %get3A_929 = arith.constant 3 : i32
        %get3A_930 = arith.index_cast %get3A_929 : i32 to index
        %get3A_931 = arith.constant 112 : index
        %get3A_932 = tpu.vector_load %arg10[%get3A_930, %get3A_931] {strides = array<i32>} : memref<8x128xf32, #tpu.memory_space<vmem>>, vector<1x16xf32>,
        %get3A_933 = vector.shape_cast %get3A_932 : vector<1x16xf32> to vector<16xf32>
        %mul3A_934 = arith.mulf %get3A_933, %get3A_892 : vector<16xf32>
        %swap3A_935 = arith.constant 3 : i32
        %swap3A_936 = arith.index_cast %swap3A_935 : i32 to index
        %swap3A_937 = arith.constant 112 : index
        %swap3A_938 = tpu.vector_load %arg10[%swap3A_936, %swap3A_937] {strides = array<i32>} : memref<8x128xf32, #tpu.memory_space<vmem>>, vector<1x16xf32>,
        %swap3A_939 = vector.shape_cast %swap3A_938 : vector<1x16xf32> to vector<16xf32>
        %swap3A_940 = vector.shape_cast %mul3A_934 : vector<16xf32> to vector<1x16xf32>
        tpu.vector_store %arg10[%swap3A_936, %swap3A_937], %swap3A_940 {strides = array<i32>} : memref<8x128xf32, #tpu.memory_space<vmem>>, vector<1x16xf32>,
        %get3A_941 = arith.constant 4 : i32
        %get3A_942 = arith.index_cast %get3A_941 : i32 to index
        %get3A_943 = arith.constant 112 : index
        %get3A_944 = tpu.vector_load %arg10[%get3A_942, %get3A_943] {strides = array<i32>} : memref<8x128xf32, #tpu.memory_space<vmem>>, vector<1x16xf32>,
        %get3A_945 = vector.shape_cast %get3A_944 : vector<1x16xf32> to vector<16xf32>
        %mul3A_946 = arith.mulf %get3A_945, %get3A_892 : vector<16xf32>
        %swap3A_947 = arith.constant 4 : i32
        %swap3A_948 = arith.index_cast %swap3A_947 : i32 to index
        %swap3A_949 = arith.constant 112 : index
        %swap3A_950 = tpu.vector_load %arg10[%swap3A_948, %swap3A_949] {strides = array<i32>} : memref<8x128xf32, #tpu.memory_space<vmem>>, vector<1x16xf32>,
        %swap3A_951 = vector.shape_cast %swap3A_950 : vector<1x16xf32> to vector<16xf32>
        %swap3A_952 = vector.shape_cast %mul3A_946 : vector<16xf32> to vector<1x16xf32>
        tpu.vector_store %arg10[%swap3A_948, %swap3A_949], %swap3A_952 {strides = array<i32>} : memref<8x128xf32, #tpu.memory_space<vmem>>, vector<1x16xf32>,
        %get3A_953 = arith.constant 5 : i32
        %get3A_954 = arith.index_cast %get3A_953 : i32 to index
        %get3A_955 = arith.constant 112 : index
        %get3A_956 = tpu.vector_load %arg10[%get3A_954, %get3A_955] {strides = array<i32>} : memref<8x128xf32, #tpu.memory_space<vmem>>, vector<1x16xf32>,
        %get3A_957 = vector.shape_cast %get3A_956 : vector<1x16xf32> to vector<16xf32>
        %mul3A_958 = arith.mulf %get3A_957, %get3A_892 : vector<16xf32>
        %swap3A_959 = arith.constant 5 : i32
        %swap3A_960 = arith.index_cast %swap3A_959 : i32 to index
        %swap3A_961 = arith.constant 112 : index
        %swap3A_962 = tpu.vector_load %arg10[%swap3A_960, %swap3A_961] {strides = array<i32>} : memref<8x128xf32, #tpu.memory_space<vmem>>, vector<1x16xf32>,
        %swap3A_963 = vector.shape_cast %swap3A_962 : vector<1x16xf32> to vector<16xf32>
        %swap3A_964 = vector.shape_cast %mul3A_958 : vector<16xf32> to vector<1x16xf32>
        tpu.vector_store %arg10[%swap3A_960, %swap3A_961], %swap3A_964 {strides = array<i32>} : memref<8x128xf32, #tpu.memory_space<vmem>>, vector<1x16xf32>,
        %get3A_965 = arith.constant 6 : i32
        %get3A_966 = arith.index_cast %get3A_965 : i32 to index
        %get3A_967 = arith.constant 112 : index
        %get3A_968 = tpu.vector_load %arg10[%get3A_966, %get3A_967] {strides = array<i32>} : memref<8x128xf32, #tpu.memory_space<vmem>>, vector<1x16xf32>,
        %get3A_969 = vector.shape_cast %get3A_968 : vector<1x16xf32> to vector<16xf32>
        %mul3A_970 = arith.mulf %get3A_969, %get3A_892 : vector<16xf32>
        %swap3A_971 = arith.constant 6 : i32
        %swap3A_972 = arith.index_cast %swap3A_971 : i32 to index
        %swap3A_973 = arith.constant 112 : index
        %swap3A_974 = tpu.vector_load %arg10[%swap3A_972, %swap3A_973] {strides = array<i32>} : memref<8x128xf32, #tpu.memory_space<vmem>>, vector<1x16xf32>,
        %swap3A_975 = vector.shape_cast %swap3A_974 : vector<1x16xf32> to vector<16xf32>
        %swap3A_976 = vector.shape_cast %mul3A_970 : vector<16xf32> to vector<1x16xf32>
        tpu.vector_store %arg10[%swap3A_972, %swap3A_973], %swap3A_976 {strides = array<i32>} : memref<8x128xf32, #tpu.memory_space<vmem>>, vector<1x16xf32>,
        %get3A_977 = arith.constant 7 : i32
        %get3A_978 = arith.index_cast %get3A_977 : i32 to index
        %get3A_979 = arith.constant 112 : index
        %get3A_980 = tpu.vector_load %arg10[%get3A_978, %get3A_979] {strides = array<i32>} : memref<8x128xf32, #tpu.memory_space<vmem>>, vector<1x16xf32>,
        %get3A_981 = vector.shape_cast %get3A_980 : vector<1x16xf32> to vector<16xf32>
        %mul3A_982 = arith.mulf %get3A_981, %get3A_892 : vector<16xf32>
        %swap3A_983 = arith.constant 7 : i32
        %swap3A_984 = arith.index_cast %swap3A_983 : i32 to index
        %swap3A_985 = arith.constant 112 : index
        %swap3A_986 = tpu.vector_load %arg10[%swap3A_984, %swap3A_985] {strides = array<i32>} : memref<8x128xf32, #tpu.memory_space<vmem>>, vector<1x16xf32>,
        %swap3A_987 = vector.shape_cast %swap3A_986 : vector<1x16xf32> to vector<16xf32>
        %swap3A_988 = vector.shape_cast %mul3A_982 : vector<16xf32> to vector<1x16xf32>
        tpu.vector_store %arg10[%swap3A_984, %swap3A_985], %swap3A_988 {strides = array<i32>} : memref<8x128xf32, #tpu.memory_space<vmem>>, vector<1x16xf32>,
        %dma_start3A_989 = arith.constant 0 : i32
        %dma_start3A_990 = arith.constant 0 : i32
        %dma_start3A_991 = tpu.memref_slice %arg10[%dma_start3A_989, %dma_start3A_990] : memref<8x128xf32, #tpu.memory_space<vmem>> -> memref<1x128xf32, #tpu.memory_space<vmem>>
        %dma_start3A_992 = tpu.memref_squeeze %dma_start3A_991 : memref<1x128xf32, #tpu.memory_space<vmem>> -> memref<128xf32, #tpu.memory_space<vmem>>
        %dma_start3A_993 = arith.constant 0 : i32
        %dma_start3A_994 = tpu.memref_slice %arg8[%scan3A_47, %dma_start3A_993] : memref<8x128xi32, #tpu.memory_space<vmem>> -> memref<1x128xi32, #tpu.memory_space<vmem>>
        %dma_start3A_995 = tpu.memref_squeeze %dma_start3A_994 : memref<1x128xi32, #tpu.memory_space<vmem>> -> memref<128xi32, #tpu.memory_space<vmem>>
        %dma_start3A_996 = arith.constant 0 : i32
        %dma_start3A_997 = tpu.memref_slice %arg20[%dma_start3A_996] : memref<100352xf32, #tpu.memory_space<vmem_shared>> -> memref<100352xf32, #tpu.memory_space<vmem_shared>>
        tpu.enqueue_indirect_dma source(%dma_start3A_992 : memref<128xf32, #tpu.memory_space<vmem>>) target(%dma_start3A_997 : memref<100352xf32, #tpu.memory_space<vmem_shared>>) offsets(%dma_start3A_995 : memref<128xi32, #tpu.memory_space<vmem>>) semaphore(%arg29 : memref<!tpu.dma_semaphore, #tpu.memory_space<semaphore_mem>>) {add = true}
        %dma_start3A_998 = arith.constant 1 : i32
        %dma_start3A_999 = arith.constant 0 : i32
        %dma_start3A_1000 = tpu.memref_slice %arg10[%dma_start3A_998, %dma_start3A_999] : memref<8x128xf32, #tpu.memory_space<vmem>> -> memref<1x128xf32, #tpu.memory_space<vmem>>
        %dma_start3A_1001 = tpu.memref_squeeze %dma_start3A_1000 : memref<1x128xf32, #tpu.memory_space<vmem>> -> memref<128xf32, #tpu.memory_space<vmem>>
        %dma_start3A_1002 = arith.constant 0 : i32
        %dma_start3A_1003 = tpu.memref_slice %arg8[%scan3A_47, %dma_start3A_1002] : memref<8x128xi32, #tpu.memory_space<vmem>> -> memref<1x128xi32, #tpu.memory_space<vmem>>
        %dma_start3A_1004 = tpu.memref_squeeze %dma_start3A_1003 : memref<1x128xi32, #tpu.memory_space<vmem>> -> memref<128xi32, #tpu.memory_space<vmem>>
        %dma_start3A_1005 = arith.constant 0 : i32
        %dma_start3A_1006 = tpu.memref_slice %arg21[%dma_start3A_1005] : memref<100352xf32, #tpu.memory_space<vmem_shared>> -> memref<100352xf32, #tpu.memory_space<vmem_shared>>
        tpu.enqueue_indirect_dma source(%dma_start3A_1001 : memref<128xf32, #tpu.memory_space<vmem>>) target(%dma_start3A_1006 : memref<100352xf32, #tpu.memory_space<vmem_shared>>) offsets(%dma_start3A_1004 : memref<128xi32, #tpu.memory_space<vmem>>) semaphore(%arg29 : memref<!tpu.dma_semaphore, #tpu.memory_space<semaphore_mem>>) {add = true}
        %dma_start3A_1007 = arith.constant 2 : i32
        %dma_start3A_1008 = arith.constant 0 : i32
        %dma_start3A_1009 = tpu.memref_slice %arg10[%dma_start3A_1007, %dma_start3A_1008] : memref<8x128xf32, #tpu.memory_space<vmem>> -> memref<1x128xf32, #tpu.memory_space<vmem>>
        %dma_start3A_1010 = tpu.memref_squeeze %dma_start3A_1009 : memref<1x128xf32, #tpu.memory_space<vmem>> -> memref<128xf32, #tpu.memory_space<vmem>>
        %dma_start3A_1011 = arith.constant 0 : i32
        %dma_start3A_1012 = tpu.memref_slice %arg8[%scan3A_47, %dma_start3A_1011] : memref<8x128xi32, #tpu.memory_space<vmem>> -> memref<1x128xi32, #tpu.memory_space<vmem>>
        %dma_start3A_1013 = tpu.memref_squeeze %dma_start3A_1012 : memref<1x128xi32, #tpu.memory_space<vmem>> -> memref<128xi32, #tpu.memory_space<vmem>>
        %dma_start3A_1014 = arith.constant 0 : i32
        %dma_start3A_1015 = tpu.memref_slice %arg22[%dma_start3A_1014] : memref<100352xf32, #tpu.memory_space<vmem_shared>> -> memref<100352xf32, #tpu.memory_space<vmem_shared>>
        tpu.enqueue_indirect_dma source(%dma_start3A_1010 : memref<128xf32, #tpu.memory_space<vmem>>) target(%dma_start3A_1015 : memref<100352xf32, #tpu.memory_space<vmem_shared>>) offsets(%dma_start3A_1013 : memref<128xi32, #tpu.memory_space<vmem>>) semaphore(%arg29 : memref<!tpu.dma_semaphore, #tpu.memory_space<semaphore_mem>>) {add = true}
        %dma_start3A_1016 = arith.constant 3 : i32
        %dma_start3A_1017 = arith.constant 0 : i32
        %dma_start3A_1018 = tpu.memref_slice %arg10[%dma_start3A_1016, %dma_start3A_1017] : memref<8x128xf32, #tpu.memory_space<vmem>> -> memref<1x128xf32, #tpu.memory_space<vmem>>
        %dma_start3A_1019 = tpu.memref_squeeze %dma_start3A_1018 : memref<1x128xf32, #tpu.memory_space<vmem>> -> memref<128xf32, #tpu.memory_space<vmem>>
        %dma_start3A_1020 = arith.constant 0 : i32
        %dma_start3A_1021 = tpu.memref_slice %arg8[%scan3A_47, %dma_start3A_1020] : memref<8x128xi32, #tpu.memory_space<vmem>> -> memref<1x128xi32, #tpu.memory_space<vmem>>
        %dma_start3A_1022 = tpu.memref_squeeze %dma_start3A_1021 : memref<1x128xi32, #tpu.memory_space<vmem>> -> memref<128xi32, #tpu.memory_space<vmem>>
        %dma_start3A_1023 = arith.constant 0 : i32
        %dma_start3A_1024 = tpu.memref_slice %arg23[%dma_start3A_1023] : memref<100352xf32, #tpu.memory_space<vmem_shared>> -> memref<100352xf32, #tpu.memory_space<vmem_shared>>
        tpu.enqueue_indirect_dma source(%dma_start3A_1019 : memref<128xf32, #tpu.memory_space<vmem>>) target(%dma_start3A_1024 : memref<100352xf32, #tpu.memory_space<vmem_shared>>) offsets(%dma_start3A_1022 : memref<128xi32, #tpu.memory_space<vmem>>) semaphore(%arg29 : memref<!tpu.dma_semaphore, #tpu.memory_space<semaphore_mem>>) {add = true}
        %dma_start3A_1025 = arith.constant 4 : i32
        %dma_start3A_1026 = arith.constant 0 : i32
        %dma_start3A_1027 = tpu.memref_slice %arg10[%dma_start3A_1025, %dma_start3A_1026] : memref<8x128xf32, #tpu.memory_space<vmem>> -> memref<1x128xf32, #tpu.memory_space<vmem>>
        %dma_start3A_1028 = tpu.memref_squeeze %dma_start3A_1027 : memref<1x128xf32, #tpu.memory_space<vmem>> -> memref<128xf32, #tpu.memory_space<vmem>>
        %dma_start3A_1029 = arith.constant 0 : i32
        %dma_start3A_1030 = tpu.memref_slice %arg8[%scan3A_47, %dma_start3A_1029] : memref<8x128xi32, #tpu.memory_space<vmem>> -> memref<1x128xi32, #tpu.memory_space<vmem>>
        %dma_start3A_1031 = tpu.memref_squeeze %dma_start3A_1030 : memref<1x128xi32, #tpu.memory_space<vmem>> -> memref<128xi32, #tpu.memory_space<vmem>>
        %dma_start3A_1032 = arith.constant 0 : i32
        %dma_start3A_1033 = tpu.memref_slice %arg24[%dma_start3A_1032] : memref<100352xf32, #tpu.memory_space<vmem_shared>> -> memref<100352xf32, #tpu.memory_space<vmem_shared>>
        tpu.enqueue_indirect_dma source(%dma_start3A_1028 : memref<128xf32, #tpu.memory_space<vmem>>) target(%dma_start3A_1033 : memref<100352xf32, #tpu.memory_space<vmem_shared>>) offsets(%dma_start3A_1031 : memref<128xi32, #tpu.memory_space<vmem>>) semaphore(%arg29 : memref<!tpu.dma_semaphore, #tpu.memory_space<semaphore_mem>>) {add = true}
        %dma_start3A_1034 = arith.constant 5 : i32
        %dma_start3A_1035 = arith.constant 0 : i32
        %dma_start3A_1036 = tpu.memref_slice %arg10[%dma_start3A_1034, %dma_start3A_1035] : memref<8x128xf32, #tpu.memory_space<vmem>> -> memref<1x128xf32, #tpu.memory_space<vmem>>
        %dma_start3A_1037 = tpu.memref_squeeze %dma_start3A_1036 : memref<1x128xf32, #tpu.memory_space<vmem>> -> memref<128xf32, #tpu.memory_space<vmem>>
        %dma_start3A_1038 = arith.constant 0 : i32
        %dma_start3A_1039 = tpu.memref_slice %arg8[%scan3A_47, %dma_start3A_1038] : memref<8x128xi32, #tpu.memory_space<vmem>> -> memref<1x128xi32, #tpu.memory_space<vmem>>
        %dma_start3A_1040 = tpu.memref_squeeze %dma_start3A_1039 : memref<1x128xi32, #tpu.memory_space<vmem>> -> memref<128xi32, #tpu.memory_space<vmem>>
        %dma_start3A_1041 = arith.constant 0 : i32
        %dma_start3A_1042 = tpu.memref_slice %arg25[%dma_start3A_1041] : memref<100352xf32, #tpu.memory_space<vmem_shared>> -> memref<100352xf32, #tpu.memory_space<vmem_shared>>
        tpu.enqueue_indirect_dma source(%dma_start3A_1037 : memref<128xf32, #tpu.memory_space<vmem>>) target(%dma_start3A_1042 : memref<100352xf32, #tpu.memory_space<vmem_shared>>) offsets(%dma_start3A_1040 : memref<128xi32, #tpu.memory_space<vmem>>) semaphore(%arg29 : memref<!tpu.dma_semaphore, #tpu.memory_space<semaphore_mem>>) {add = true}
        %dma_start3A_1043 = arith.constant 6 : i32
        %dma_start3A_1044 = arith.constant 0 : i32
        %dma_start3A_1045 = tpu.memref_slice %arg10[%dma_start3A_1043, %dma_start3A_1044] : memref<8x128xf32, #tpu.memory_space<vmem>> -> memref<1x128xf32, #tpu.memory_space<vmem>>
        %dma_start3A_1046 = tpu.memref_squeeze %dma_start3A_1045 : memref<1x128xf32, #tpu.memory_space<vmem>> -> memref<128xf32, #tpu.memory_space<vmem>>
        %dma_start3A_1047 = arith.constant 0 : i32
        %dma_start3A_1048 = tpu.memref_slice %arg8[%scan3A_47, %dma_start3A_1047] : memref<8x128xi32, #tpu.memory_space<vmem>> -> memref<1x128xi32, #tpu.memory_space<vmem>>
        %dma_start3A_1049 = tpu.memref_squeeze %dma_start3A_1048 : memref<1x128xi32, #tpu.memory_space<vmem>> -> memref<128xi32, #tpu.memory_space<vmem>>
        %dma_start3A_1050 = arith.constant 0 : i32
        %dma_start3A_1051 = tpu.memref_slice %arg26[%dma_start3A_1050] : memref<100352xf32, #tpu.memory_space<vmem_shared>> -> memref<100352xf32, #tpu.memory_space<vmem_shared>>
        tpu.enqueue_indirect_dma source(%dma_start3A_1046 : memref<128xf32, #tpu.memory_space<vmem>>) target(%dma_start3A_1051 : memref<100352xf32, #tpu.memory_space<vmem_shared>>) offsets(%dma_start3A_1049 : memref<128xi32, #tpu.memory_space<vmem>>) semaphore(%arg29 : memref<!tpu.dma_semaphore, #tpu.memory_space<semaphore_mem>>) {add = true}
        %dma_start3A_1052 = arith.constant 7 : i32
        %dma_start3A_1053 = arith.constant 0 : i32
        %dma_start3A_1054 = tpu.memref_slice %arg10[%dma_start3A_1052, %dma_start3A_1053] : memref<8x128xf32, #tpu.memory_space<vmem>> -> memref<1x128xf32, #tpu.memory_space<vmem>>
        %dma_start3A_1055 = tpu.memref_squeeze %dma_start3A_1054 : memref<1x128xf32, #tpu.memory_space<vmem>> -> memref<128xf32, #tpu.memory_space<vmem>>
        %dma_start3A_1056 = arith.constant 0 : i32
        %dma_start3A_1057 = tpu.memref_slice %arg8[%scan3A_47, %dma_start3A_1056] : memref<8x128xi32, #tpu.memory_space<vmem>> -> memref<1x128xi32, #tpu.memory_space<vmem>>
        %dma_start3A_1058 = tpu.memref_squeeze %dma_start3A_1057 : memref<1x128xi32, #tpu.memory_space<vmem>> -> memref<128xi32, #tpu.memory_space<vmem>>
        %dma_start3A_1059 = arith.constant 0 : i32
        %dma_start3A_1060 = tpu.memref_slice %arg27[%dma_start3A_1059] : memref<100352xf32, #tpu.memory_space<vmem_shared>> -> memref<100352xf32, #tpu.memory_space<vmem_shared>>
        tpu.enqueue_indirect_dma source(%dma_start3A_1055 : memref<128xf32, #tpu.memory_space<vmem>>) target(%dma_start3A_1060 : memref<100352xf32, #tpu.memory_space<vmem_shared>>) offsets(%dma_start3A_1058 : memref<128xi32, #tpu.memory_space<vmem>>) semaphore(%arg29 : memref<!tpu.dma_semaphore, #tpu.memory_space<semaphore_mem>>) {add = true}
        %dma_wait3A_1061 = arith.constant 0 : i32
        %dma_wait3A_1062 = arith.constant 0 : i32
        %dma_wait3A_1063 = tpu.memref_slice %arg10[%dma_wait3A_1061, %dma_wait3A_1062] : memref<8x128xf32, #tpu.memory_space<vmem>> -> memref<1x128xf32, #tpu.memory_space<vmem>>
        %dma_wait3A_1064 = tpu.memref_squeeze %dma_wait3A_1063 : memref<1x128xf32, #tpu.memory_space<vmem>> -> memref<128xf32, #tpu.memory_space<vmem>>
        %dma_wait3A_1065 = arith.constant 0 : i32
        %dma_wait3A_1066 = tpu.memref_slice %arg8[%scan3A_47, %dma_wait3A_1065] : memref<8x128xi32, #tpu.memory_space<vmem>> -> memref<1x128xi32, #tpu.memory_space<vmem>>
        %dma_wait3A_1067 = tpu.memref_squeeze %dma_wait3A_1066 : memref<1x128xi32, #tpu.memory_space<vmem>> -> memref<128xi32, #tpu.memory_space<vmem>>
        %dma_wait3A_1068 = arith.constant 0 : i32
        %dma_wait3A_1069 = tpu.memref_slice %arg20[%dma_wait3A_1068] : memref<100352xf32, #tpu.memory_space<vmem_shared>> -> memref<100352xf32, #tpu.memory_space<vmem_shared>>
        tpu.wait_indirect_dma semaphore(%arg29 : memref<!tpu.dma_semaphore, #tpu.memory_space<semaphore_mem>>) src(%dma_wait3A_1064 : memref<128xf32, #tpu.memory_space<vmem>>) dst(%dma_wait3A_1069 : memref<100352xf32, #tpu.memory_space<vmem_shared>>)
        %dma_wait3A_1070 = arith.constant 1 : i32
        %dma_wait3A_1071 = arith.constant 0 : i32
        %dma_wait3A_1072 = tpu.memref_slice %arg10[%dma_wait3A_1070, %dma_wait3A_1071] : memref<8x128xf32, #tpu.memory_space<vmem>> -> memref<1x128xf32, #tpu.memory_space<vmem>>
        %dma_wait3A_1073 = tpu.memref_squeeze %dma_wait3A_1072 : memref<1x128xf32, #tpu.memory_space<vmem>> -> memref<128xf32, #tpu.memory_space<vmem>>
        %dma_wait3A_1074 = arith.constant 0 : i32
        %dma_wait3A_1075 = tpu.memref_slice %arg8[%scan3A_47, %dma_wait3A_1074] : memref<8x128xi32, #tpu.memory_space<vmem>> -> memref<1x128xi32, #tpu.memory_space<vmem>>
        %dma_wait3A_1076 = tpu.memref_squeeze %dma_wait3A_1075 : memref<1x128xi32, #tpu.memory_space<vmem>> -> memref<128xi32, #tpu.memory_space<vmem>>
        %dma_wait3A_1077 = arith.constant 0 : i32
        %dma_wait3A_1078 = tpu.memref_slice %arg21[%dma_wait3A_1077] : memref<100352xf32, #tpu.memory_space<vmem_shared>> -> memref<100352xf32, #tpu.memory_space<vmem_shared>>
        tpu.wait_indirect_dma semaphore(%arg29 : memref<!tpu.dma_semaphore, #tpu.memory_space<semaphore_mem>>) src(%dma_wait3A_1073 : memref<128xf32, #tpu.memory_space<vmem>>) dst(%dma_wait3A_1078 : memref<100352xf32, #tpu.memory_space<vmem_shared>>)
        %dma_wait3A_1079 = arith.constant 2 : i32
        %dma_wait3A_1080 = arith.constant 0 : i32
        %dma_wait3A_1081 = tpu.memref_slice %arg10[%dma_wait3A_1079, %dma_wait3A_1080] : memref<8x128xf32, #tpu.memory_space<vmem>> -> memref<1x128xf32, #tpu.memory_space<vmem>>
        %dma_wait3A_1082 = tpu.memref_squeeze %dma_wait3A_1081 : memref<1x128xf32, #tpu.memory_space<vmem>> -> memref<128xf32, #tpu.memory_space<vmem>>
        %dma_wait3A_1083 = arith.constant 0 : i32
        %dma_wait3A_1084 = tpu.memref_slice %arg8[%scan3A_47, %dma_wait3A_1083] : memref<8x128xi32, #tpu.memory_space<vmem>> -> memref<1x128xi32, #tpu.memory_space<vmem>>
        %dma_wait3A_1085 = tpu.memref_squeeze %dma_wait3A_1084 : memref<1x128xi32, #tpu.memory_space<vmem>> -> memref<128xi32, #tpu.memory_space<vmem>>
        %dma_wait3A_1086 = arith.constant 0 : i32
        %dma_wait3A_1087 = tpu.memref_slice %arg22[%dma_wait3A_1086] : memref<100352xf32, #tpu.memory_space<vmem_shared>> -> memref<100352xf32, #tpu.memory_space<vmem_shared>>
        tpu.wait_indirect_dma semaphore(%arg29 : memref<!tpu.dma_semaphore, #tpu.memory_space<semaphore_mem>>) src(%dma_wait3A_1082 : memref<128xf32, #tpu.memory_space<vmem>>) dst(%dma_wait3A_1087 : memref<100352xf32, #tpu.memory_space<vmem_shared>>)
        %dma_wait3A_1088 = arith.constant 3 : i32
        %dma_wait3A_1089 = arith.constant 0 : i32
        %dma_wait3A_1090 = tpu.memref_slice %arg10[%dma_wait3A_1088, %dma_wait3A_1089] : memref<8x128xf32, #tpu.memory_space<vmem>> -> memref<1x128xf32, #tpu.memory_space<vmem>>
        %dma_wait3A_1091 = tpu.memref_squeeze %dma_wait3A_1090 : memref<1x128xf32, #tpu.memory_space<vmem>> -> memref<128xf32, #tpu.memory_space<vmem>>
        %dma_wait3A_1092 = arith.constant 0 : i32
        %dma_wait3A_1093 = tpu.memref_slice %arg8[%scan3A_47, %dma_wait3A_1092] : memref<8x128xi32, #tpu.memory_space<vmem>> -> memref<1x128xi32, #tpu.memory_space<vmem>>
        %dma_wait3A_1094 = tpu.memref_squeeze %dma_wait3A_1093 : memref<1x128xi32, #tpu.memory_space<vmem>> -> memref<128xi32, #tpu.memory_space<vmem>>
        %dma_wait3A_1095 = arith.constant 0 : i32
        %dma_wait3A_1096 = tpu.memref_slice %arg23[%dma_wait3A_1095] : memref<100352xf32, #tpu.memory_space<vmem_shared>> -> memref<100352xf32, #tpu.memory_space<vmem_shared>>
        tpu.wait_indirect_dma semaphore(%arg29 : memref<!tpu.dma_semaphore, #tpu.memory_space<semaphore_mem>>) src(%dma_wait3A_1091 : memref<128xf32, #tpu.memory_space<vmem>>) dst(%dma_wait3A_1096 : memref<100352xf32, #tpu.memory_space<vmem_shared>>)
        %dma_wait3A_1097 = arith.constant 4 : i32
        %dma_wait3A_1098 = arith.constant 0 : i32
        %dma_wait3A_1099 = tpu.memref_slice %arg10[%dma_wait3A_1097, %dma_wait3A_1098] : memref<8x128xf32, #tpu.memory_space<vmem>> -> memref<1x128xf32, #tpu.memory_space<vmem>>
        %dma_wait3A_1100 = tpu.memref_squeeze %dma_wait3A_1099 : memref<1x128xf32, #tpu.memory_space<vmem>> -> memref<128xf32, #tpu.memory_space<vmem>>
        %dma_wait3A_1101 = arith.constant 0 : i32
        %dma_wait3A_1102 = tpu.memref_slice %arg8[%scan3A_47, %dma_wait3A_1101] : memref<8x128xi32, #tpu.memory_space<vmem>> -> memref<1x128xi32, #tpu.memory_space<vmem>>
        %dma_wait3A_1103 = tpu.memref_squeeze %dma_wait3A_1102 : memref<1x128xi32, #tpu.memory_space<vmem>> -> memref<128xi32, #tpu.memory_space<vmem>>
        %dma_wait3A_1104 = arith.constant 0 : i32
        %dma_wait3A_1105 = tpu.memref_slice %arg24[%dma_wait3A_1104] : memref<100352xf32, #tpu.memory_space<vmem_shared>> -> memref<100352xf32, #tpu.memory_space<vmem_shared>>
        tpu.wait_indirect_dma semaphore(%arg29 : memref<!tpu.dma_semaphore, #tpu.memory_space<semaphore_mem>>) src(%dma_wait3A_1100 : memref<128xf32, #tpu.memory_space<vmem>>) dst(%dma_wait3A_1105 : memref<100352xf32, #tpu.memory_space<vmem_shared>>)
        %dma_wait3A_1106 = arith.constant 5 : i32
        %dma_wait3A_1107 = arith.constant 0 : i32
        %dma_wait3A_1108 = tpu.memref_slice %arg10[%dma_wait3A_1106, %dma_wait3A_1107] : memref<8x128xf32, #tpu.memory_space<vmem>> -> memref<1x128xf32, #tpu.memory_space<vmem>>
        %dma_wait3A_1109 = tpu.memref_squeeze %dma_wait3A_1108 : memref<1x128xf32, #tpu.memory_space<vmem>> -> memref<128xf32, #tpu.memory_space<vmem>>
        %dma_wait3A_1110 = arith.constant 0 : i32
        %dma_wait3A_1111 = tpu.memref_slice %arg8[%scan3A_47, %dma_wait3A_1110] : memref<8x128xi32, #tpu.memory_space<vmem>> -> memref<1x128xi32, #tpu.memory_space<vmem>>
        %dma_wait3A_1112 = tpu.memref_squeeze %dma_wait3A_1111 : memref<1x128xi32, #tpu.memory_space<vmem>> -> memref<128xi32, #tpu.memory_space<vmem>>
        %dma_wait3A_1113 = arith.constant 0 : i32
        %dma_wait3A_1114 = tpu.memref_slice %arg25[%dma_wait3A_1113] : memref<100352xf32, #tpu.memory_space<vmem_shared>> -> memref<100352xf32, #tpu.memory_space<vmem_shared>>
        tpu.wait_indirect_dma semaphore(%arg29 : memref<!tpu.dma_semaphore, #tpu.memory_space<semaphore_mem>>) src(%dma_wait3A_1109 : memref<128xf32, #tpu.memory_space<vmem>>) dst(%dma_wait3A_1114 : memref<100352xf32, #tpu.memory_space<vmem_shared>>)
        %dma_wait3A_1115 = arith.constant 6 : i32
        %dma_wait3A_1116 = arith.constant 0 : i32
        %dma_wait3A_1117 = tpu.memref_slice %arg10[%dma_wait3A_1115, %dma_wait3A_1116] : memref<8x128xf32, #tpu.memory_space<vmem>> -> memref<1x128xf32, #tpu.memory_space<vmem>>
        %dma_wait3A_1118 = tpu.memref_squeeze %dma_wait3A_1117 : memref<1x128xf32, #tpu.memory_space<vmem>> -> memref<128xf32, #tpu.memory_space<vmem>>
        %dma_wait3A_1119 = arith.constant 0 : i32
        %dma_wait3A_1120 = tpu.memref_slice %arg8[%scan3A_47, %dma_wait3A_1119] : memref<8x128xi32, #tpu.memory_space<vmem>> -> memref<1x128xi32, #tpu.memory_space<vmem>>
        %dma_wait3A_1121 = tpu.memref_squeeze %dma_wait3A_1120 : memref<1x128xi32, #tpu.memory_space<vmem>> -> memref<128xi32, #tpu.memory_space<vmem>>
        %dma_wait3A_1122 = arith.constant 0 : i32
        %dma_wait3A_1123 = tpu.memref_slice %arg26[%dma_wait3A_1122] : memref<100352xf32, #tpu.memory_space<vmem_shared>> -> memref<100352xf32, #tpu.memory_space<vmem_shared>>
        tpu.wait_indirect_dma semaphore(%arg29 : memref<!tpu.dma_semaphore, #tpu.memory_space<semaphore_mem>>) src(%dma_wait3A_1118 : memref<128xf32, #tpu.memory_space<vmem>>) dst(%dma_wait3A_1123 : memref<100352xf32, #tpu.memory_space<vmem_shared>>)
        %dma_wait3A_1124 = arith.constant 7 : i32
        %dma_wait3A_1125 = arith.constant 0 : i32
        %dma_wait3A_1126 = tpu.memref_slice %arg10[%dma_wait3A_1124, %dma_wait3A_1125] : memref<8x128xf32, #tpu.memory_space<vmem>> -> memref<1x128xf32, #tpu.memory_space<vmem>>
        %dma_wait3A_1127 = tpu.memref_squeeze %dma_wait3A_1126 : memref<1x128xf32, #tpu.memory_space<vmem>> -> memref<128xf32, #tpu.memory_space<vmem>>
        %dma_wait3A_1128 = arith.constant 0 : i32
        %dma_wait3A_1129 = tpu.memref_slice %arg8[%scan3A_47, %dma_wait3A_1128] : memref<8x128xi32, #tpu.memory_space<vmem>> -> memref<1x128xi32, #tpu.memory_space<vmem>>
        %dma_wait3A_1130 = tpu.memref_squeeze %dma_wait3A_1129 : memref<1x128xi32, #tpu.memory_space<vmem>> -> memref<128xi32, #tpu.memory_space<vmem>>
        %dma_wait3A_1131 = arith.constant 0 : i32
        %dma_wait3A_1132 = tpu.memref_slice %arg27[%dma_wait3A_1131] : memref<100352xf32, #tpu.memory_space<vmem_shared>> -> memref<100352xf32, #tpu.memory_space<vmem_shared>>
        tpu.wait_indirect_dma semaphore(%arg29 : memref<!tpu.dma_semaphore, #tpu.memory_space<semaphore_mem>>) src(%dma_wait3A_1127 : memref<128xf32, #tpu.memory_space<vmem>>) dst(%dma_wait3A_1132 : memref<100352xf32, #tpu.memory_space<vmem_shared>>)
        %scan3A_1133 = arith.constant 0 : i32
        scf.yield %scan3A_1133 : i32
      }
      %scan3A_45 = arith.constant 8 : i32
      %scan3A_46 = arith.constant 0 : i32
      scf.yield %scan3A_46 : i32
    }
    %scan3A_22 = arith.constant 49 : i32
    %barrier3A_23 = arith.constant 0 : index
    tpu.barrier barrier_id(%barrier3A_23)
    %run_scoped3A_24 = arith.constant 0 : i32
    "tpu.region"() ({
      %run_scoped3A_32 = tpu.sem_alloc : memref<!tpu.dma_semaphore, #tpu.memory_space<semaphore_mem>>
      %dma_start3A = tpu.memref_slice %arg6[%arg0, %run_scoped3A_24, %mul3A_2] : memref<2x8x100352xf32, #tpu.memory_space<hbm>> -> memref<1x1x6272xf32, #tpu.memory_space<hbm>>
      %dma_start3A_33 = tpu.memref_squeeze %dma_start3A : memref<1x1x6272xf32, #tpu.memory_space<hbm>> -> memref<6272xf32, #tpu.memory_space<hbm>>
      %dma_start3A_34 = tpu.memref_slice %arg20[%mul3A_2] : memref<100352xf32, #tpu.memory_space<vmem_shared>> -> memref<6272xf32, #tpu.memory_space<vmem_shared>>
      tpu.enqueue_dma source(%dma_start3A_34 : memref<6272xf32, #tpu.memory_space<vmem_shared>>) target(%dma_start3A_33 : memref<6272xf32, #tpu.memory_space<hbm>>) target_semaphore(%run_scoped3A_32 : memref<!tpu.dma_semaphore, #tpu.memory_space<semaphore_mem>>)
      %dma_wait3A = tpu.memref_slice %arg6[%arg0, %run_scoped3A_24, %mul3A_2] : memref<2x8x100352xf32, #tpu.memory_space<hbm>> -> memref<1x1x6272xf32, #tpu.memory_space<hbm>>
      %dma_wait3A_35 = tpu.memref_squeeze %dma_wait3A : memref<1x1x6272xf32, #tpu.memory_space<hbm>> -> memref<6272xf32, #tpu.memory_space<hbm>>
      %dma_wait3A_36 = tpu.memref_slice %arg20[%mul3A_2] : memref<100352xf32, #tpu.memory_space<vmem_shared>> -> memref<6272xf32, #tpu.memory_space<vmem_shared>>
      tpu.wait_dma2 semaphore(%run_scoped3A_32 : memref<!tpu.dma_semaphore, #tpu.memory_space<semaphore_mem>>) src(%dma_wait3A_36 : memref<6272xf32, #tpu.memory_space<vmem_shared>>) dst(%dma_wait3A_35 : memref<6272xf32, #tpu.memory_space<hbm>>)
      tpu.yield
    }) : () -> ()
    %run_scoped3A_25 = arith.constant 1 : i32
    "tpu.region"() ({
      %run_scoped3A_32 = tpu.sem_alloc : memref<!tpu.dma_semaphore, #tpu.memory_space<semaphore_mem>>
      %dma_start3A = tpu.memref_slice %arg6[%arg0, %run_scoped3A_25, %mul3A_2] : memref<2x8x100352xf32, #tpu.memory_space<hbm>> -> memref<1x1x6272xf32, #tpu.memory_space<hbm>>
      %dma_start3A_33 = tpu.memref_squeeze %dma_start3A : memref<1x1x6272xf32, #tpu.memory_space<hbm>> -> memref<6272xf32, #tpu.memory_space<hbm>>
      %dma_start3A_34 = tpu.memref_slice %arg21[%mul3A_2] : memref<100352xf32, #tpu.memory_space<vmem_shared>> -> memref<6272xf32, #tpu.memory_space<vmem_shared>>
      tpu.enqueue_dma source(%dma_start3A_34 : memref<6272xf32, #tpu.memory_space<vmem_shared>>) target(%dma_start3A_33 : memref<6272xf32, #tpu.memory_space<hbm>>) target_semaphore(%run_scoped3A_32 : memref<!tpu.dma_semaphore, #tpu.memory_space<semaphore_mem>>)
      %dma_wait3A = tpu.memref_slice %arg6[%arg0, %run_scoped3A_25, %mul3A_2] : memref<2x8x100352xf32, #tpu.memory_space<hbm>> -> memref<1x1x6272xf32, #tpu.memory_space<hbm>>
      %dma_wait3A_35 = tpu.memref_squeeze %dma_wait3A : memref<1x1x6272xf32, #tpu.memory_space<hbm>> -> memref<6272xf32, #tpu.memory_space<hbm>>
      %dma_wait3A_36 = tpu.memref_slice %arg21[%mul3A_2] : memref<100352xf32, #tpu.memory_space<vmem_shared>> -> memref<6272xf32, #tpu.memory_space<vmem_shared>>
      tpu.wait_dma2 semaphore(%run_scoped3A_32 : memref<!tpu.dma_semaphore, #tpu.memory_space<semaphore_mem>>) src(%dma_wait3A_36 : memref<6272xf32, #tpu.memory_space<vmem_shared>>) dst(%dma_wait3A_35 : memref<6272xf32, #tpu.memory_space<hbm>>)
      tpu.yield
    }) : () -> ()
    %run_scoped3A_26 = arith.constant 2 : i32
    "tpu.region"() ({
      %run_scoped3A_32 = tpu.sem_alloc : memref<!tpu.dma_semaphore, #tpu.memory_space<semaphore_mem>>
      %dma_start3A = tpu.memref_slice %arg6[%arg0, %run_scoped3A_26, %mul3A_2] : memref<2x8x100352xf32, #tpu.memory_space<hbm>> -> memref<1x1x6272xf32, #tpu.memory_space<hbm>>
      %dma_start3A_33 = tpu.memref_squeeze %dma_start3A : memref<1x1x6272xf32, #tpu.memory_space<hbm>> -> memref<6272xf32, #tpu.memory_space<hbm>>
      %dma_start3A_34 = tpu.memref_slice %arg22[%mul3A_2] : memref<100352xf32, #tpu.memory_space<vmem_shared>> -> memref<6272xf32, #tpu.memory_space<vmem_shared>>
      tpu.enqueue_dma source(%dma_start3A_34 : memref<6272xf32, #tpu.memory_space<vmem_shared>>) target(%dma_start3A_33 : memref<6272xf32, #tpu.memory_space<hbm>>) target_semaphore(%run_scoped3A_32 : memref<!tpu.dma_semaphore, #tpu.memory_space<semaphore_mem>>)
      %dma_wait3A = tpu.memref_slice %arg6[%arg0, %run_scoped3A_26, %mul3A_2] : memref<2x8x100352xf32, #tpu.memory_space<hbm>> -> memref<1x1x6272xf32, #tpu.memory_space<hbm>>
      %dma_wait3A_35 = tpu.memref_squeeze %dma_wait3A : memref<1x1x6272xf32, #tpu.memory_space<hbm>> -> memref<6272xf32, #tpu.memory_space<hbm>>
      %dma_wait3A_36 = tpu.memref_slice %arg22[%mul3A_2] : memref<100352xf32, #tpu.memory_space<vmem_shared>> -> memref<6272xf32, #tpu.memory_space<vmem_shared>>
      tpu.wait_dma2 semaphore(%run_scoped3A_32 : memref<!tpu.dma_semaphore, #tpu.memory_space<semaphore_mem>>) src(%dma_wait3A_36 : memref<6272xf32, #tpu.memory_space<vmem_shared>>) dst(%dma_wait3A_35 : memref<6272xf32, #tpu.memory_space<hbm>>)
      tpu.yield
    }) : () -> ()
    %run_scoped3A_27 = arith.constant 3 : i32
    "tpu.region"() ({
      %run_scoped3A_32 = tpu.sem_alloc : memref<!tpu.dma_semaphore, #tpu.memory_space<semaphore_mem>>
      %dma_start3A = tpu.memref_slice %arg6[%arg0, %run_scoped3A_27, %mul3A_2] : memref<2x8x100352xf32, #tpu.memory_space<hbm>> -> memref<1x1x6272xf32, #tpu.memory_space<hbm>>
      %dma_start3A_33 = tpu.memref_squeeze %dma_start3A : memref<1x1x6272xf32, #tpu.memory_space<hbm>> -> memref<6272xf32, #tpu.memory_space<hbm>>
      %dma_start3A_34 = tpu.memref_slice %arg23[%mul3A_2] : memref<100352xf32, #tpu.memory_space<vmem_shared>> -> memref<6272xf32, #tpu.memory_space<vmem_shared>>
      tpu.enqueue_dma source(%dma_start3A_34 : memref<6272xf32, #tpu.memory_space<vmem_shared>>) target(%dma_start3A_33 : memref<6272xf32, #tpu.memory_space<hbm>>) target_semaphore(%run_scoped3A_32 : memref<!tpu.dma_semaphore, #tpu.memory_space<semaphore_mem>>)
      %dma_wait3A = tpu.memref_slice %arg6[%arg0, %run_scoped3A_27, %mul3A_2] : memref<2x8x100352xf32, #tpu.memory_space<hbm>> -> memref<1x1x6272xf32, #tpu.memory_space<hbm>>
      %dma_wait3A_35 = tpu.memref_squeeze %dma_wait3A : memref<1x1x6272xf32, #tpu.memory_space<hbm>> -> memref<6272xf32, #tpu.memory_space<hbm>>
      %dma_wait3A_36 = tpu.memref_slice %arg23[%mul3A_2] : memref<100352xf32, #tpu.memory_space<vmem_shared>> -> memref<6272xf32, #tpu.memory_space<vmem_shared>>
      tpu.wait_dma2 semaphore(%run_scoped3A_32 : memref<!tpu.dma_semaphore, #tpu.memory_space<semaphore_mem>>) src(%dma_wait3A_36 : memref<6272xf32, #tpu.memory_space<vmem_shared>>) dst(%dma_wait3A_35 : memref<6272xf32, #tpu.memory_space<hbm>>)
      tpu.yield
    }) : () -> ()
    %run_scoped3A_28 = arith.constant 4 : i32
    "tpu.region"() ({
      %run_scoped3A_32 = tpu.sem_alloc : memref<!tpu.dma_semaphore, #tpu.memory_space<semaphore_mem>>
      %dma_start3A = tpu.memref_slice %arg6[%arg0, %run_scoped3A_28, %mul3A_2] : memref<2x8x100352xf32, #tpu.memory_space<hbm>> -> memref<1x1x6272xf32, #tpu.memory_space<hbm>>
      %dma_start3A_33 = tpu.memref_squeeze %dma_start3A : memref<1x1x6272xf32, #tpu.memory_space<hbm>> -> memref<6272xf32, #tpu.memory_space<hbm>>
      %dma_start3A_34 = tpu.memref_slice %arg24[%mul3A_2] : memref<100352xf32, #tpu.memory_space<vmem_shared>> -> memref<6272xf32, #tpu.memory_space<vmem_shared>>
      tpu.enqueue_dma source(%dma_start3A_34 : memref<6272xf32, #tpu.memory_space<vmem_shared>>) target(%dma_start3A_33 : memref<6272xf32, #tpu.memory_space<hbm>>) target_semaphore(%run_scoped3A_32 : memref<!tpu.dma_semaphore, #tpu.memory_space<semaphore_mem>>)
      %dma_wait3A = tpu.memref_slice %arg6[%arg0, %run_scoped3A_28, %mul3A_2] : memref<2x8x100352xf32, #tpu.memory_space<hbm>> -> memref<1x1x6272xf32, #tpu.memory_space<hbm>>
      %dma_wait3A_35 = tpu.memref_squeeze %dma_wait3A : memref<1x1x6272xf32, #tpu.memory_space<hbm>> -> memref<6272xf32, #tpu.memory_space<hbm>>
      %dma_wait3A_36 = tpu.memref_slice %arg24[%mul3A_2] : memref<100352xf32, #tpu.memory_space<vmem_shared>> -> memref<6272xf32, #tpu.memory_space<vmem_shared>>
      tpu.wait_dma2 semaphore(%run_scoped3A_32 : memref<!tpu.dma_semaphore, #tpu.memory_space<semaphore_mem>>) src(%dma_wait3A_36 : memref<6272xf32, #tpu.memory_space<vmem_shared>>) dst(%dma_wait3A_35 : memref<6272xf32, #tpu.memory_space<hbm>>)
      tpu.yield
    }) : () -> ()
    %run_scoped3A_29 = arith.constant 5 : i32
    "tpu.region"() ({
      %run_scoped3A_32 = tpu.sem_alloc : memref<!tpu.dma_semaphore, #tpu.memory_space<semaphore_mem>>
      %dma_start3A = tpu.memref_slice %arg6[%arg0, %run_scoped3A_29, %mul3A_2] : memref<2x8x100352xf32, #tpu.memory_space<hbm>> -> memref<1x1x6272xf32, #tpu.memory_space<hbm>>
      %dma_start3A_33 = tpu.memref_squeeze %dma_start3A : memref<1x1x6272xf32, #tpu.memory_space<hbm>> -> memref<6272xf32, #tpu.memory_space<hbm>>
      %dma_start3A_34 = tpu.memref_slice %arg25[%mul3A_2] : memref<100352xf32, #tpu.memory_space<vmem_shared>> -> memref<6272xf32, #tpu.memory_space<vmem_shared>>
      tpu.enqueue_dma source(%dma_start3A_34 : memref<6272xf32, #tpu.memory_space<vmem_shared>>) target(%dma_start3A_33 : memref<6272xf32, #tpu.memory_space<hbm>>) target_semaphore(%run_scoped3A_32 : memref<!tpu.dma_semaphore, #tpu.memory_space<semaphore_mem>>)
      %dma_wait3A = tpu.memref_slice %arg6[%arg0, %run_scoped3A_29, %mul3A_2] : memref<2x8x100352xf32, #tpu.memory_space<hbm>> -> memref<1x1x6272xf32, #tpu.memory_space<hbm>>
      %dma_wait3A_35 = tpu.memref_squeeze %dma_wait3A : memref<1x1x6272xf32, #tpu.memory_space<hbm>> -> memref<6272xf32, #tpu.memory_space<hbm>>
      %dma_wait3A_36 = tpu.memref_slice %arg25[%mul3A_2] : memref<100352xf32, #tpu.memory_space<vmem_shared>> -> memref<6272xf32, #tpu.memory_space<vmem_shared>>
      tpu.wait_dma2 semaphore(%run_scoped3A_32 : memref<!tpu.dma_semaphore, #tpu.memory_space<semaphore_mem>>) src(%dma_wait3A_36 : memref<6272xf32, #tpu.memory_space<vmem_shared>>) dst(%dma_wait3A_35 : memref<6272xf32, #tpu.memory_space<hbm>>)
      tpu.yield
    }) : () -> ()
    %run_scoped3A_30 = arith.constant 6 : i32
    "tpu.region"() ({
      %run_scoped3A_32 = tpu.sem_alloc : memref<!tpu.dma_semaphore, #tpu.memory_space<semaphore_mem>>
      %dma_start3A = tpu.memref_slice %arg6[%arg0, %run_scoped3A_30, %mul3A_2] : memref<2x8x100352xf32, #tpu.memory_space<hbm>> -> memref<1x1x6272xf32, #tpu.memory_space<hbm>>
      %dma_start3A_33 = tpu.memref_squeeze %dma_start3A : memref<1x1x6272xf32, #tpu.memory_space<hbm>> -> memref<6272xf32, #tpu.memory_space<hbm>>
      %dma_start3A_34 = tpu.memref_slice %arg26[%mul3A_2] : memref<100352xf32, #tpu.memory_space<vmem_shared>> -> memref<6272xf32, #tpu.memory_space<vmem_shared>>
      tpu.enqueue_dma source(%dma_start3A_34 : memref<6272xf32, #tpu.memory_space<vmem_shared>>) target(%dma_start3A_33 : memref<6272xf32, #tpu.memory_space<hbm>>) target_semaphore(%run_scoped3A_32 : memref<!tpu.dma_semaphore, #tpu.memory_space<semaphore_mem>>)
      %dma_wait3A = tpu.memref_slice %arg6[%arg0, %run_scoped3A_30, %mul3A_2] : memref<2x8x100352xf32, #tpu.memory_space<hbm>> -> memref<1x1x6272xf32, #tpu.memory_space<hbm>>
      %dma_wait3A_35 = tpu.memref_squeeze %dma_wait3A : memref<1x1x6272xf32, #tpu.memory_space<hbm>> -> memref<6272xf32, #tpu.memory_space<hbm>>
      %dma_wait3A_36 = tpu.memref_slice %arg26[%mul3A_2] : memref<100352xf32, #tpu.memory_space<vmem_shared>> -> memref<6272xf32, #tpu.memory_space<vmem_shared>>
      tpu.wait_dma2 semaphore(%run_scoped3A_32 : memref<!tpu.dma_semaphore, #tpu.memory_space<semaphore_mem>>) src(%dma_wait3A_36 : memref<6272xf32, #tpu.memory_space<vmem_shared>>) dst(%dma_wait3A_35 : memref<6272xf32, #tpu.memory_space<hbm>>)
      tpu.yield
    }) : () -> ()
    %run_scoped3A_31 = arith.constant 7 : i32
    "tpu.region"() ({
      %run_scoped3A_32 = tpu.sem_alloc : memref<!tpu.dma_semaphore, #tpu.memory_space<semaphore_mem>>
      %dma_start3A = tpu.memref_slice %arg6[%arg0, %run_scoped3A_31, %mul3A_2] : memref<2x8x100352xf32, #tpu.memory_space<hbm>> -> memref<1x1x6272xf32, #tpu.memory_space<hbm>>
      %dma_start3A_33 = tpu.memref_squeeze %dma_start3A : memref<1x1x6272xf32, #tpu.memory_space<hbm>> -> memref<6272xf32, #tpu.memory_space<hbm>>
      %dma_start3A_34 = tpu.memref_slice %arg27[%mul3A_2] : memref<100352xf32, #tpu.memory_space<vmem_shared>> -> memref<6272xf32, #tpu.memory_space<vmem_shared>>
      tpu.enqueue_dma source(%dma_start3A_34 : memref<6272xf32, #tpu.memory_space<vmem_shared>>) target(%dma_start3A_33 : memref<6272xf32, #tpu.memory_space<hbm>>) target_semaphore(%run_scoped3A_32 : memref<!tpu.dma_semaphore, #tpu.memory_space<semaphore_mem>>)
      %dma_wait3A = tpu.memref_slice %arg6[%arg0, %run_scoped3A_31, %mul3A_2] : memref<2x8x100352xf32, #tpu.memory_space<hbm>> -> memref<1x1x6272xf32, #tpu.memory_space<hbm>>
      %dma_wait3A_35 = tpu.memref_squeeze %dma_wait3A : memref<1x1x6272xf32, #tpu.memory_space<hbm>> -> memref<6272xf32, #tpu.memory_space<hbm>>
      %dma_wait3A_36 = tpu.memref_slice %arg27[%mul3A_2] : memref<100352xf32, #tpu.memory_space<vmem_shared>> -> memref<6272xf32, #tpu.memory_space<vmem_shared>>
      tpu.wait_dma2 semaphore(%run_scoped3A_32 : memref<!tpu.dma_semaphore, #tpu.memory_space<semaphore_mem>>) src(%dma_wait3A_36 : memref<6272xf32, #tpu.memory_space<vmem_shared>>) dst(%dma_wait3A_35 : memref<6272xf32, #tpu.memory_space<hbm>>)
      tpu.yield
    }) : () -> ()
    return
  }
}

#map = affine_map<(d0, d1) -> (0, 0)>
module attributes {stable_mosaic.version = 14 : i64} {
  func.func @deg_scatter_sc(%arg0: i32, %arg1: i32, %arg2: memref<12544x128xi32, #tpu.memory_space<hbm>>, %arg3: memref<12544x128xf32, #tpu.memory_space<hbm>>, %arg4: memref<2x100352xf32, #tpu.memory_space<hbm>>, %arg5: memref<8x128xi32, #tpu.memory_space<vmem>>, %arg6: memref<8x128xf32, #tpu.memory_space<vmem>>, %arg7: memref<6272xf32, #tpu.memory_space<vmem>>, %arg8: memref<100352xf32, #tpu.memory_space<vmem_shared>>, %arg9: memref<!tpu.dma_semaphore, #tpu.memory_space<semaphore_mem>>) attributes {dimension_semantics = [#tpu.dimension_semantics<core_parallel>, #tpu.dimension_semantics<subcore_parallel>], iteration_bounds = array<i64: 2, 16>, scalar_prefetch = 0 : i64, scratch_operands = 5 : i64, tpu.core_type = #tpu.core_type<sc_vector_subcore>, window_params = [{transform_indices = #map}, {transform_indices = #map}, {transform_indices = #map}]} {
    %mul3A = arith.constant 16 : i32
    %mul3A_0 = arith.muli %arg0, %mul3A : i32
    %add3A = arith.addi %mul3A_0, %arg1 : i32
    %scan3A = arith.constant 0 : i32
    %scan3A_1 = arith.constant 0 : i32
    %scan3A_2 = arith.constant 392 : i32
    %scan3A_3 = arith.addi %scan3A_1, %scan3A_2 : i32
    %scan3A_4 = arith.constant 1 : i32
    %scan3A_5 = scf.for %scan3A_21 = %scan3A_1 to %scan3A_3 step %scan3A_4 iter_args(%scan3A_22 = %scan3A) -> (i32)  : i32 {
      %broadcast_in_dim3A = arith.constant 0.000000e+00 : f32
      %broadcast_in_dim3A_23 = vector.broadcast %broadcast_in_dim3A : f32 to vector<16xf32>
      %mul3A_24 = arith.constant 16 : i32
      %mul3A_25 = arith.muli %scan3A_21, %mul3A_24 : i32
      %swap3A = arith.index_cast %mul3A_25 : i32 to index
      %swap3A_26 = tpu.vector_load %arg7[%swap3A] {strides = array<i32>} : memref<6272xf32, #tpu.memory_space<vmem>>, vector<16xf32>,
      %swap3A_27 = vector.shape_cast %swap3A_26 : vector<16xf32> to vector<16xf32>
      %swap3A_28 = vector.shape_cast %broadcast_in_dim3A_23 : vector<16xf32> to vector<16xf32>
      tpu.vector_store %arg7[%swap3A], %swap3A_28 {strides = array<i32>} : memref<6272xf32, #tpu.memory_space<vmem>>, vector<16xf32>,
      %scan3A_29 = arith.constant 0 : i32
      scf.yield %scan3A_29 : i32
    }
    %scan3A_6 = arith.constant 392 : i32
    %mul3A_7 = arith.constant 6272 : i32
    %mul3A_8 = arith.muli %arg1, %mul3A_7 : i32
    "tpu.region"() ({
      %run_scoped3A = tpu.sem_alloc : memref<!tpu.dma_semaphore, #tpu.memory_space<semaphore_mem>>
      %dma_start3A = tpu.memref_slice %arg8[%mul3A_8] : memref<100352xf32, #tpu.memory_space<vmem_shared>> -> memref<6272xf32, #tpu.memory_space<vmem_shared>>
      %dma_start3A_21 = tpu.memref_slice %arg8[%mul3A_8] : memref<100352xf32, #tpu.memory_space<vmem_shared>> -> memref<6272xf32, #tpu.memory_space<vmem_shared>>
      tpu.enqueue_dma source(%arg7 : memref<6272xf32, #tpu.memory_space<vmem>>) target(%dma_start3A_21 : memref<6272xf32, #tpu.memory_space<vmem_shared>>) target_semaphore(%run_scoped3A : memref<!tpu.dma_semaphore, #tpu.memory_space<semaphore_mem>>)
      %dma_wait3A = tpu.memref_slice %arg8[%mul3A_8] : memref<100352xf32, #tpu.memory_space<vmem_shared>> -> memref<6272xf32, #tpu.memory_space<vmem_shared>>
      %dma_wait3A_22 = tpu.memref_slice %arg8[%mul3A_8] : memref<100352xf32, #tpu.memory_space<vmem_shared>> -> memref<6272xf32, #tpu.memory_space<vmem_shared>>
      tpu.wait_dma2 semaphore(%run_scoped3A : memref<!tpu.dma_semaphore, #tpu.memory_space<semaphore_mem>>) src(%arg7 : memref<6272xf32, #tpu.memory_space<vmem>>) dst(%dma_wait3A_22 : memref<6272xf32, #tpu.memory_space<vmem_shared>>)
      tpu.yield
    }) : () -> ()
    %barrier3A = arith.constant 0 : index
    tpu.barrier barrier_id(%barrier3A)
    %scan3A_9 = arith.constant 0 : i32
    %scan3A_10 = arith.constant 0 : i32
    %scan3A_11 = arith.constant 49 : i32
    %scan3A_12 = arith.addi %scan3A_10, %scan3A_11 : i32
    %scan3A_13 = arith.constant 1 : i32
    %scan3A_14 = scf.for %scan3A_21 = %scan3A_10 to %scan3A_12 step %scan3A_13 iter_args(%scan3A_22 = %scan3A_9) -> (i32)  : i32 {
      %mul3A_23 = arith.constant 392 : i32
      %mul3A_24 = arith.muli %add3A, %mul3A_23 : i32
      %mul3A_25 = arith.constant 8 : i32
      %mul3A_26 = arith.muli %scan3A_21, %mul3A_25 : i32
      %add3A_27 = arith.addi %mul3A_24, %mul3A_26 : i32
      "tpu.region"() ({
        %run_scoped3A = tpu.sem_alloc : memref<!tpu.dma_semaphore, #tpu.memory_space<semaphore_mem>>
        %dma_start3A_187 = arith.constant 0 : i32
        %dma_start3A_188 = tpu.memref_slice %arg2[%add3A_27, %dma_start3A_187] : memref<12544x128xi32, #tpu.memory_space<hbm>> -> memref<8x128xi32, #tpu.memory_space<hbm>>
        %dma_start3A_189 = arith.constant 0 : i32
        %dma_start3A_190 = tpu.memref_slice %arg2[%add3A_27, %dma_start3A_189] : memref<12544x128xi32, #tpu.memory_space<hbm>> -> memref<8x128xi32, #tpu.memory_space<hbm>>
        tpu.enqueue_dma source(%dma_start3A_190 : memref<8x128xi32, #tpu.memory_space<hbm>>) target(%arg5 : memref<8x128xi32, #tpu.memory_space<vmem>>) target_semaphore(%run_scoped3A : memref<!tpu.dma_semaphore, #tpu.memory_space<semaphore_mem>>)
        %dma_wait3A_191 = arith.constant 0 : i32
        %dma_wait3A_192 = tpu.memref_slice %arg2[%add3A_27, %dma_wait3A_191] : memref<12544x128xi32, #tpu.memory_space<hbm>> -> memref<8x128xi32, #tpu.memory_space<hbm>>
        %dma_wait3A_193 = arith.constant 0 : i32
        %dma_wait3A_194 = tpu.memref_slice %arg2[%add3A_27, %dma_wait3A_193] : memref<12544x128xi32, #tpu.memory_space<hbm>> -> memref<8x128xi32, #tpu.memory_space<hbm>>
        tpu.wait_dma2 semaphore(%run_scoped3A : memref<!tpu.dma_semaphore, #tpu.memory_space<semaphore_mem>>) src(%dma_wait3A_194 : memref<8x128xi32, #tpu.memory_space<hbm>>) dst(%arg5 : memref<8x128xi32, #tpu.memory_space<vmem>>)
        tpu.yield
      }) : () -> ()
      "tpu.region"() ({
        %run_scoped3A = tpu.sem_alloc : memref<!tpu.dma_semaphore, #tpu.memory_space<semaphore_mem>>
        %dma_start3A_187 = arith.constant 0 : i32
        %dma_start3A_188 = tpu.memref_slice %arg3[%add3A_27, %dma_start3A_187] : memref<12544x128xf32, #tpu.memory_space<hbm>> -> memref<8x128xf32, #tpu.memory_space<hbm>>
        %dma_start3A_189 = arith.constant 0 : i32
        %dma_start3A_190 = tpu.memref_slice %arg3[%add3A_27, %dma_start3A_189] : memref<12544x128xf32, #tpu.memory_space<hbm>> -> memref<8x128xf32, #tpu.memory_space<hbm>>
        tpu.enqueue_dma source(%dma_start3A_190 : memref<8x128xf32, #tpu.memory_space<hbm>>) target(%arg6 : memref<8x128xf32, #tpu.memory_space<vmem>>) target_semaphore(%run_scoped3A : memref<!tpu.dma_semaphore, #tpu.memory_space<semaphore_mem>>)
        %dma_wait3A_191 = arith.constant 0 : i32
        %dma_wait3A_192 = tpu.memref_slice %arg3[%add3A_27, %dma_wait3A_191] : memref<12544x128xf32, #tpu.memory_space<hbm>> -> memref<8x128xf32, #tpu.memory_space<hbm>>
        %dma_wait3A_193 = arith.constant 0 : i32
        %dma_wait3A_194 = tpu.memref_slice %arg3[%add3A_27, %dma_wait3A_193] : memref<12544x128xf32, #tpu.memory_space<hbm>> -> memref<8x128xf32, #tpu.memory_space<hbm>>
        tpu.wait_dma2 semaphore(%run_scoped3A : memref<!tpu.dma_semaphore, #tpu.memory_space<semaphore_mem>>) src(%dma_wait3A_194 : memref<8x128xf32, #tpu.memory_space<hbm>>) dst(%arg6 : memref<8x128xf32, #tpu.memory_space<vmem>>)
        tpu.yield
      }) : () -> ()
      %dma_start3A = arith.constant 0 : i32
      %dma_start3A_28 = arith.constant 0 : i32
      %dma_start3A_29 = arith.constant 0 : i32
      %dma_start3A_30 = tpu.memref_slice %arg6[%dma_start3A, %dma_start3A_29] : memref<8x128xf32, #tpu.memory_space<vmem>> -> memref<1x128xf32, #tpu.memory_space<vmem>>
      %dma_start3A_31 = tpu.memref_squeeze %dma_start3A_30 : memref<1x128xf32, #tpu.memory_space<vmem>> -> memref<128xf32, #tpu.memory_space<vmem>>
      %dma_start3A_32 = arith.constant 0 : i32
      %dma_start3A_33 = tpu.memref_slice %arg5[%dma_start3A_28, %dma_start3A_32] : memref<8x128xi32, #tpu.memory_space<vmem>> -> memref<1x128xi32, #tpu.memory_space<vmem>>
      %dma_start3A_34 = tpu.memref_squeeze %dma_start3A_33 : memref<1x128xi32, #tpu.memory_space<vmem>> -> memref<128xi32, #tpu.memory_space<vmem>>
      %dma_start3A_35 = arith.constant 0 : i32
      %dma_start3A_36 = tpu.memref_slice %arg8[%dma_start3A_35] : memref<100352xf32, #tpu.memory_space<vmem_shared>> -> memref<100352xf32, #tpu.memory_space<vmem_shared>>
      tpu.enqueue_indirect_dma source(%dma_start3A_31 : memref<128xf32, #tpu.memory_space<vmem>>) target(%dma_start3A_36 : memref<100352xf32, #tpu.memory_space<vmem_shared>>) offsets(%dma_start3A_34 : memref<128xi32, #tpu.memory_space<vmem>>) semaphore(%arg9 : memref<!tpu.dma_semaphore, #tpu.memory_space<semaphore_mem>>) {add = true}
      %dma_start3A_37 = arith.constant 1 : i32
      %dma_start3A_38 = arith.constant 1 : i32
      %dma_start3A_39 = arith.constant 0 : i32
      %dma_start3A_40 = tpu.memref_slice %arg6[%dma_start3A_37, %dma_start3A_39] : memref<8x128xf32, #tpu.memory_space<vmem>> -> memref<1x128xf32, #tpu.memory_space<vmem>>
      %dma_start3A_41 = tpu.memref_squeeze %dma_start3A_40 : memref<1x128xf32, #tpu.memory_space<vmem>> -> memref<128xf32, #tpu.memory_space<vmem>>
      %dma_start3A_42 = arith.constant 0 : i32
      %dma_start3A_43 = tpu.memref_slice %arg5[%dma_start3A_38, %dma_start3A_42] : memref<8x128xi32, #tpu.memory_space<vmem>> -> memref<1x128xi32, #tpu.memory_space<vmem>>
      %dma_start3A_44 = tpu.memref_squeeze %dma_start3A_43 : memref<1x128xi32, #tpu.memory_space<vmem>> -> memref<128xi32, #tpu.memory_space<vmem>>
      %dma_start3A_45 = arith.constant 0 : i32
      %dma_start3A_46 = tpu.memref_slice %arg8[%dma_start3A_45] : memref<100352xf32, #tpu.memory_space<vmem_shared>> -> memref<100352xf32, #tpu.memory_space<vmem_shared>>
      tpu.enqueue_indirect_dma source(%dma_start3A_41 : memref<128xf32, #tpu.memory_space<vmem>>) target(%dma_start3A_46 : memref<100352xf32, #tpu.memory_space<vmem_shared>>) offsets(%dma_start3A_44 : memref<128xi32, #tpu.memory_space<vmem>>) semaphore(%arg9 : memref<!tpu.dma_semaphore, #tpu.memory_space<semaphore_mem>>) {add = true}
      %dma_start3A_47 = arith.constant 2 : i32
      %dma_start3A_48 = arith.constant 2 : i32
      %dma_start3A_49 = arith.constant 0 : i32
      %dma_start3A_50 = tpu.memref_slice %arg6[%dma_start3A_47, %dma_start3A_49] : memref<8x128xf32, #tpu.memory_space<vmem>> -> memref<1x128xf32, #tpu.memory_space<vmem>>
      %dma_start3A_51 = tpu.memref_squeeze %dma_start3A_50 : memref<1x128xf32, #tpu.memory_space<vmem>> -> memref<128xf32, #tpu.memory_space<vmem>>
      %dma_start3A_52 = arith.constant 0 : i32
      %dma_start3A_53 = tpu.memref_slice %arg5[%dma_start3A_48, %dma_start3A_52] : memref<8x128xi32, #tpu.memory_space<vmem>> -> memref<1x128xi32, #tpu.memory_space<vmem>>
      %dma_start3A_54 = tpu.memref_squeeze %dma_start3A_53 : memref<1x128xi32, #tpu.memory_space<vmem>> -> memref<128xi32, #tpu.memory_space<vmem>>
      %dma_start3A_55 = arith.constant 0 : i32
      %dma_start3A_56 = tpu.memref_slice %arg8[%dma_start3A_55] : memref<100352xf32, #tpu.memory_space<vmem_shared>> -> memref<100352xf32, #tpu.memory_space<vmem_shared>>
      tpu.enqueue_indirect_dma source(%dma_start3A_51 : memref<128xf32, #tpu.memory_space<vmem>>) target(%dma_start3A_56 : memref<100352xf32, #tpu.memory_space<vmem_shared>>) offsets(%dma_start3A_54 : memref<128xi32, #tpu.memory_space<vmem>>) semaphore(%arg9 : memref<!tpu.dma_semaphore, #tpu.memory_space<semaphore_mem>>) {add = true}
      %dma_start3A_57 = arith.constant 3 : i32
      %dma_start3A_58 = arith.constant 3 : i32
      %dma_start3A_59 = arith.constant 0 : i32
      %dma_start3A_60 = tpu.memref_slice %arg6[%dma_start3A_57, %dma_start3A_59] : memref<8x128xf32, #tpu.memory_space<vmem>> -> memref<1x128xf32, #tpu.memory_space<vmem>>
      %dma_start3A_61 = tpu.memref_squeeze %dma_start3A_60 : memref<1x128xf32, #tpu.memory_space<vmem>> -> memref<128xf32, #tpu.memory_space<vmem>>
      %dma_start3A_62 = arith.constant 0 : i32
      %dma_start3A_63 = tpu.memref_slice %arg5[%dma_start3A_58, %dma_start3A_62] : memref<8x128xi32, #tpu.memory_space<vmem>> -> memref<1x128xi32, #tpu.memory_space<vmem>>
      %dma_start3A_64 = tpu.memref_squeeze %dma_start3A_63 : memref<1x128xi32, #tpu.memory_space<vmem>> -> memref<128xi32, #tpu.memory_space<vmem>>
      %dma_start3A_65 = arith.constant 0 : i32
      %dma_start3A_66 = tpu.memref_slice %arg8[%dma_start3A_65] : memref<100352xf32, #tpu.memory_space<vmem_shared>> -> memref<100352xf32, #tpu.memory_space<vmem_shared>>
      tpu.enqueue_indirect_dma source(%dma_start3A_61 : memref<128xf32, #tpu.memory_space<vmem>>) target(%dma_start3A_66 : memref<100352xf32, #tpu.memory_space<vmem_shared>>) offsets(%dma_start3A_64 : memref<128xi32, #tpu.memory_space<vmem>>) semaphore(%arg9 : memref<!tpu.dma_semaphore, #tpu.memory_space<semaphore_mem>>) {add = true}
      %dma_start3A_67 = arith.constant 4 : i32
      %dma_start3A_68 = arith.constant 4 : i32
      %dma_start3A_69 = arith.constant 0 : i32
      %dma_start3A_70 = tpu.memref_slice %arg6[%dma_start3A_67, %dma_start3A_69] : memref<8x128xf32, #tpu.memory_space<vmem>> -> memref<1x128xf32, #tpu.memory_space<vmem>>
      %dma_start3A_71 = tpu.memref_squeeze %dma_start3A_70 : memref<1x128xf32, #tpu.memory_space<vmem>> -> memref<128xf32, #tpu.memory_space<vmem>>
      %dma_start3A_72 = arith.constant 0 : i32
      %dma_start3A_73 = tpu.memref_slice %arg5[%dma_start3A_68, %dma_start3A_72] : memref<8x128xi32, #tpu.memory_space<vmem>> -> memref<1x128xi32, #tpu.memory_space<vmem>>
      %dma_start3A_74 = tpu.memref_squeeze %dma_start3A_73 : memref<1x128xi32, #tpu.memory_space<vmem>> -> memref<128xi32, #tpu.memory_space<vmem>>
      %dma_start3A_75 = arith.constant 0 : i32
      %dma_start3A_76 = tpu.memref_slice %arg8[%dma_start3A_75] : memref<100352xf32, #tpu.memory_space<vmem_shared>> -> memref<100352xf32, #tpu.memory_space<vmem_shared>>
      tpu.enqueue_indirect_dma source(%dma_start3A_71 : memref<128xf32, #tpu.memory_space<vmem>>) target(%dma_start3A_76 : memref<100352xf32, #tpu.memory_space<vmem_shared>>) offsets(%dma_start3A_74 : memref<128xi32, #tpu.memory_space<vmem>>) semaphore(%arg9 : memref<!tpu.dma_semaphore, #tpu.memory_space<semaphore_mem>>) {add = true}
      %dma_start3A_77 = arith.constant 5 : i32
      %dma_start3A_78 = arith.constant 5 : i32
      %dma_start3A_79 = arith.constant 0 : i32
      %dma_start3A_80 = tpu.memref_slice %arg6[%dma_start3A_77, %dma_start3A_79] : memref<8x128xf32, #tpu.memory_space<vmem>> -> memref<1x128xf32, #tpu.memory_space<vmem>>
      %dma_start3A_81 = tpu.memref_squeeze %dma_start3A_80 : memref<1x128xf32, #tpu.memory_space<vmem>> -> memref<128xf32, #tpu.memory_space<vmem>>
      %dma_start3A_82 = arith.constant 0 : i32
      %dma_start3A_83 = tpu.memref_slice %arg5[%dma_start3A_78, %dma_start3A_82] : memref<8x128xi32, #tpu.memory_space<vmem>> -> memref<1x128xi32, #tpu.memory_space<vmem>>
      %dma_start3A_84 = tpu.memref_squeeze %dma_start3A_83 : memref<1x128xi32, #tpu.memory_space<vmem>> -> memref<128xi32, #tpu.memory_space<vmem>>
      %dma_start3A_85 = arith.constant 0 : i32
      %dma_start3A_86 = tpu.memref_slice %arg8[%dma_start3A_85] : memref<100352xf32, #tpu.memory_space<vmem_shared>> -> memref<100352xf32, #tpu.memory_space<vmem_shared>>
      tpu.enqueue_indirect_dma source(%dma_start3A_81 : memref<128xf32, #tpu.memory_space<vmem>>) target(%dma_start3A_86 : memref<100352xf32, #tpu.memory_space<vmem_shared>>) offsets(%dma_start3A_84 : memref<128xi32, #tpu.memory_space<vmem>>) semaphore(%arg9 : memref<!tpu.dma_semaphore, #tpu.memory_space<semaphore_mem>>) {add = true}
      %dma_start3A_87 = arith.constant 6 : i32
      %dma_start3A_88 = arith.constant 6 : i32
      %dma_start3A_89 = arith.constant 0 : i32
      %dma_start3A_90 = tpu.memref_slice %arg6[%dma_start3A_87, %dma_start3A_89] : memref<8x128xf32, #tpu.memory_space<vmem>> -> memref<1x128xf32, #tpu.memory_space<vmem>>
      %dma_start3A_91 = tpu.memref_squeeze %dma_start3A_90 : memref<1x128xf32, #tpu.memory_space<vmem>> -> memref<128xf32, #tpu.memory_space<vmem>>
      %dma_start3A_92 = arith.constant 0 : i32
      %dma_start3A_93 = tpu.memref_slice %arg5[%dma_start3A_88, %dma_start3A_92] : memref<8x128xi32, #tpu.memory_space<vmem>> -> memref<1x128xi32, #tpu.memory_space<vmem>>
      %dma_start3A_94 = tpu.memref_squeeze %dma_start3A_93 : memref<1x128xi32, #tpu.memory_space<vmem>> -> memref<128xi32, #tpu.memory_space<vmem>>
      %dma_start3A_95 = arith.constant 0 : i32
      %dma_start3A_96 = tpu.memref_slice %arg8[%dma_start3A_95] : memref<100352xf32, #tpu.memory_space<vmem_shared>> -> memref<100352xf32, #tpu.memory_space<vmem_shared>>
      tpu.enqueue_indirect_dma source(%dma_start3A_91 : memref<128xf32, #tpu.memory_space<vmem>>) target(%dma_start3A_96 : memref<100352xf32, #tpu.memory_space<vmem_shared>>) offsets(%dma_start3A_94 : memref<128xi32, #tpu.memory_space<vmem>>) semaphore(%arg9 : memref<!tpu.dma_semaphore, #tpu.memory_space<semaphore_mem>>) {add = true}
      %dma_start3A_97 = arith.constant 7 : i32
      %dma_start3A_98 = arith.constant 7 : i32
      %dma_start3A_99 = arith.constant 0 : i32
      %dma_start3A_100 = tpu.memref_slice %arg6[%dma_start3A_97, %dma_start3A_99] : memref<8x128xf32, #tpu.memory_space<vmem>> -> memref<1x128xf32, #tpu.memory_space<vmem>>
      %dma_start3A_101 = tpu.memref_squeeze %dma_start3A_100 : memref<1x128xf32, #tpu.memory_space<vmem>> -> memref<128xf32, #tpu.memory_space<vmem>>
      %dma_start3A_102 = arith.constant 0 : i32
      %dma_start3A_103 = tpu.memref_slice %arg5[%dma_start3A_98, %dma_start3A_102] : memref<8x128xi32, #tpu.memory_space<vmem>> -> memref<1x128xi32, #tpu.memory_space<vmem>>
      %dma_start3A_104 = tpu.memref_squeeze %dma_start3A_103 : memref<1x128xi32, #tpu.memory_space<vmem>> -> memref<128xi32, #tpu.memory_space<vmem>>
      %dma_start3A_105 = arith.constant 0 : i32
      %dma_start3A_106 = tpu.memref_slice %arg8[%dma_start3A_105] : memref<100352xf32, #tpu.memory_space<vmem_shared>> -> memref<100352xf32, #tpu.memory_space<vmem_shared>>
      tpu.enqueue_indirect_dma source(%dma_start3A_101 : memref<128xf32, #tpu.memory_space<vmem>>) target(%dma_start3A_106 : memref<100352xf32, #tpu.memory_space<vmem_shared>>) offsets(%dma_start3A_104 : memref<128xi32, #tpu.memory_space<vmem>>) semaphore(%arg9 : memref<!tpu.dma_semaphore, #tpu.memory_space<semaphore_mem>>) {add = true}
      %dma_wait3A = arith.constant 0 : i32
      %dma_wait3A_107 = arith.constant 0 : i32
      %dma_wait3A_108 = arith.constant 0 : i32
      %dma_wait3A_109 = tpu.memref_slice %arg6[%dma_wait3A, %dma_wait3A_108] : memref<8x128xf32, #tpu.memory_space<vmem>> -> memref<1x128xf32, #tpu.memory_space<vmem>>
      %dma_wait3A_110 = tpu.memref_squeeze %dma_wait3A_109 : memref<1x128xf32, #tpu.memory_space<vmem>> -> memref<128xf32, #tpu.memory_space<vmem>>
      %dma_wait3A_111 = arith.constant 0 : i32
      %dma_wait3A_112 = tpu.memref_slice %arg5[%dma_wait3A_107, %dma_wait3A_111] : memref<8x128xi32, #tpu.memory_space<vmem>> -> memref<1x128xi32, #tpu.memory_space<vmem>>
      %dma_wait3A_113 = tpu.memref_squeeze %dma_wait3A_112 : memref<1x128xi32, #tpu.memory_space<vmem>> -> memref<128xi32, #tpu.memory_space<vmem>>
      %dma_wait3A_114 = arith.constant 0 : i32
      %dma_wait3A_115 = tpu.memref_slice %arg8[%dma_wait3A_114] : memref<100352xf32, #tpu.memory_space<vmem_shared>> -> memref<100352xf32, #tpu.memory_space<vmem_shared>>
      tpu.wait_indirect_dma semaphore(%arg9 : memref<!tpu.dma_semaphore, #tpu.memory_space<semaphore_mem>>) src(%dma_wait3A_110 : memref<128xf32, #tpu.memory_space<vmem>>) dst(%dma_wait3A_115 : memref<100352xf32, #tpu.memory_space<vmem_shared>>)
      %dma_wait3A_116 = arith.constant 1 : i32
      %dma_wait3A_117 = arith.constant 1 : i32
      %dma_wait3A_118 = arith.constant 0 : i32
      %dma_wait3A_119 = tpu.memref_slice %arg6[%dma_wait3A_116, %dma_wait3A_118] : memref<8x128xf32, #tpu.memory_space<vmem>> -> memref<1x128xf32, #tpu.memory_space<vmem>>
      %dma_wait3A_120 = tpu.memref_squeeze %dma_wait3A_119 : memref<1x128xf32, #tpu.memory_space<vmem>> -> memref<128xf32, #tpu.memory_space<vmem>>
      %dma_wait3A_121 = arith.constant 0 : i32
      %dma_wait3A_122 = tpu.memref_slice %arg5[%dma_wait3A_117, %dma_wait3A_121] : memref<8x128xi32, #tpu.memory_space<vmem>> -> memref<1x128xi32, #tpu.memory_space<vmem>>
      %dma_wait3A_123 = tpu.memref_squeeze %dma_wait3A_122 : memref<1x128xi32, #tpu.memory_space<vmem>> -> memref<128xi32, #tpu.memory_space<vmem>>
      %dma_wait3A_124 = arith.constant 0 : i32
      %dma_wait3A_125 = tpu.memref_slice %arg8[%dma_wait3A_124] : memref<100352xf32, #tpu.memory_space<vmem_shared>> -> memref<100352xf32, #tpu.memory_space<vmem_shared>>
      tpu.wait_indirect_dma semaphore(%arg9 : memref<!tpu.dma_semaphore, #tpu.memory_space<semaphore_mem>>) src(%dma_wait3A_120 : memref<128xf32, #tpu.memory_space<vmem>>) dst(%dma_wait3A_125 : memref<100352xf32, #tpu.memory_space<vmem_shared>>)
      %dma_wait3A_126 = arith.constant 2 : i32
      %dma_wait3A_127 = arith.constant 2 : i32
      %dma_wait3A_128 = arith.constant 0 : i32
      %dma_wait3A_129 = tpu.memref_slice %arg6[%dma_wait3A_126, %dma_wait3A_128] : memref<8x128xf32, #tpu.memory_space<vmem>> -> memref<1x128xf32, #tpu.memory_space<vmem>>
      %dma_wait3A_130 = tpu.memref_squeeze %dma_wait3A_129 : memref<1x128xf32, #tpu.memory_space<vmem>> -> memref<128xf32, #tpu.memory_space<vmem>>
      %dma_wait3A_131 = arith.constant 0 : i32
      %dma_wait3A_132 = tpu.memref_slice %arg5[%dma_wait3A_127, %dma_wait3A_131] : memref<8x128xi32, #tpu.memory_space<vmem>> -> memref<1x128xi32, #tpu.memory_space<vmem>>
      %dma_wait3A_133 = tpu.memref_squeeze %dma_wait3A_132 : memref<1x128xi32, #tpu.memory_space<vmem>> -> memref<128xi32, #tpu.memory_space<vmem>>
      %dma_wait3A_134 = arith.constant 0 : i32
      %dma_wait3A_135 = tpu.memref_slice %arg8[%dma_wait3A_134] : memref<100352xf32, #tpu.memory_space<vmem_shared>> -> memref<100352xf32, #tpu.memory_space<vmem_shared>>
      tpu.wait_indirect_dma semaphore(%arg9 : memref<!tpu.dma_semaphore, #tpu.memory_space<semaphore_mem>>) src(%dma_wait3A_130 : memref<128xf32, #tpu.memory_space<vmem>>) dst(%dma_wait3A_135 : memref<100352xf32, #tpu.memory_space<vmem_shared>>)
      %dma_wait3A_136 = arith.constant 3 : i32
      %dma_wait3A_137 = arith.constant 3 : i32
      %dma_wait3A_138 = arith.constant 0 : i32
      %dma_wait3A_139 = tpu.memref_slice %arg6[%dma_wait3A_136, %dma_wait3A_138] : memref<8x128xf32, #tpu.memory_space<vmem>> -> memref<1x128xf32, #tpu.memory_space<vmem>>
      %dma_wait3A_140 = tpu.memref_squeeze %dma_wait3A_139 : memref<1x128xf32, #tpu.memory_space<vmem>> -> memref<128xf32, #tpu.memory_space<vmem>>
      %dma_wait3A_141 = arith.constant 0 : i32
      %dma_wait3A_142 = tpu.memref_slice %arg5[%dma_wait3A_137, %dma_wait3A_141] : memref<8x128xi32, #tpu.memory_space<vmem>> -> memref<1x128xi32, #tpu.memory_space<vmem>>
      %dma_wait3A_143 = tpu.memref_squeeze %dma_wait3A_142 : memref<1x128xi32, #tpu.memory_space<vmem>> -> memref<128xi32, #tpu.memory_space<vmem>>
      %dma_wait3A_144 = arith.constant 0 : i32
      %dma_wait3A_145 = tpu.memref_slice %arg8[%dma_wait3A_144] : memref<100352xf32, #tpu.memory_space<vmem_shared>> -> memref<100352xf32, #tpu.memory_space<vmem_shared>>
      tpu.wait_indirect_dma semaphore(%arg9 : memref<!tpu.dma_semaphore, #tpu.memory_space<semaphore_mem>>) src(%dma_wait3A_140 : memref<128xf32, #tpu.memory_space<vmem>>) dst(%dma_wait3A_145 : memref<100352xf32, #tpu.memory_space<vmem_shared>>)
      %dma_wait3A_146 = arith.constant 4 : i32
      %dma_wait3A_147 = arith.constant 4 : i32
      %dma_wait3A_148 = arith.constant 0 : i32
      %dma_wait3A_149 = tpu.memref_slice %arg6[%dma_wait3A_146, %dma_wait3A_148] : memref<8x128xf32, #tpu.memory_space<vmem>> -> memref<1x128xf32, #tpu.memory_space<vmem>>
      %dma_wait3A_150 = tpu.memref_squeeze %dma_wait3A_149 : memref<1x128xf32, #tpu.memory_space<vmem>> -> memref<128xf32, #tpu.memory_space<vmem>>
      %dma_wait3A_151 = arith.constant 0 : i32
      %dma_wait3A_152 = tpu.memref_slice %arg5[%dma_wait3A_147, %dma_wait3A_151] : memref<8x128xi32, #tpu.memory_space<vmem>> -> memref<1x128xi32, #tpu.memory_space<vmem>>
      %dma_wait3A_153 = tpu.memref_squeeze %dma_wait3A_152 : memref<1x128xi32, #tpu.memory_space<vmem>> -> memref<128xi32, #tpu.memory_space<vmem>>
      %dma_wait3A_154 = arith.constant 0 : i32
      %dma_wait3A_155 = tpu.memref_slice %arg8[%dma_wait3A_154] : memref<100352xf32, #tpu.memory_space<vmem_shared>> -> memref<100352xf32, #tpu.memory_space<vmem_shared>>
      tpu.wait_indirect_dma semaphore(%arg9 : memref<!tpu.dma_semaphore, #tpu.memory_space<semaphore_mem>>) src(%dma_wait3A_150 : memref<128xf32, #tpu.memory_space<vmem>>) dst(%dma_wait3A_155 : memref<100352xf32, #tpu.memory_space<vmem_shared>>)
      %dma_wait3A_156 = arith.constant 5 : i32
      %dma_wait3A_157 = arith.constant 5 : i32
      %dma_wait3A_158 = arith.constant 0 : i32
      %dma_wait3A_159 = tpu.memref_slice %arg6[%dma_wait3A_156, %dma_wait3A_158] : memref<8x128xf32, #tpu.memory_space<vmem>> -> memref<1x128xf32, #tpu.memory_space<vmem>>
      %dma_wait3A_160 = tpu.memref_squeeze %dma_wait3A_159 : memref<1x128xf32, #tpu.memory_space<vmem>> -> memref<128xf32, #tpu.memory_space<vmem>>
      %dma_wait3A_161 = arith.constant 0 : i32
      %dma_wait3A_162 = tpu.memref_slice %arg5[%dma_wait3A_157, %dma_wait3A_161] : memref<8x128xi32, #tpu.memory_space<vmem>> -> memref<1x128xi32, #tpu.memory_space<vmem>>
      %dma_wait3A_163 = tpu.memref_squeeze %dma_wait3A_162 : memref<1x128xi32, #tpu.memory_space<vmem>> -> memref<128xi32, #tpu.memory_space<vmem>>
      %dma_wait3A_164 = arith.constant 0 : i32
      %dma_wait3A_165 = tpu.memref_slice %arg8[%dma_wait3A_164] : memref<100352xf32, #tpu.memory_space<vmem_shared>> -> memref<100352xf32, #tpu.memory_space<vmem_shared>>
      tpu.wait_indirect_dma semaphore(%arg9 : memref<!tpu.dma_semaphore, #tpu.memory_space<semaphore_mem>>) src(%dma_wait3A_160 : memref<128xf32, #tpu.memory_space<vmem>>) dst(%dma_wait3A_165 : memref<100352xf32, #tpu.memory_space<vmem_shared>>)
      %dma_wait3A_166 = arith.constant 6 : i32
      %dma_wait3A_167 = arith.constant 6 : i32
      %dma_wait3A_168 = arith.constant 0 : i32
      %dma_wait3A_169 = tpu.memref_slice %arg6[%dma_wait3A_166, %dma_wait3A_168] : memref<8x128xf32, #tpu.memory_space<vmem>> -> memref<1x128xf32, #tpu.memory_space<vmem>>
      %dma_wait3A_170 = tpu.memref_squeeze %dma_wait3A_169 : memref<1x128xf32, #tpu.memory_space<vmem>> -> memref<128xf32, #tpu.memory_space<vmem>>
      %dma_wait3A_171 = arith.constant 0 : i32
      %dma_wait3A_172 = tpu.memref_slice %arg5[%dma_wait3A_167, %dma_wait3A_171] : memref<8x128xi32, #tpu.memory_space<vmem>> -> memref<1x128xi32, #tpu.memory_space<vmem>>
      %dma_wait3A_173 = tpu.memref_squeeze %dma_wait3A_172 : memref<1x128xi32, #tpu.memory_space<vmem>> -> memref<128xi32, #tpu.memory_space<vmem>>
      %dma_wait3A_174 = arith.constant 0 : i32
      %dma_wait3A_175 = tpu.memref_slice %arg8[%dma_wait3A_174] : memref<100352xf32, #tpu.memory_space<vmem_shared>> -> memref<100352xf32, #tpu.memory_space<vmem_shared>>
      tpu.wait_indirect_dma semaphore(%arg9 : memref<!tpu.dma_semaphore, #tpu.memory_space<semaphore_mem>>) src(%dma_wait3A_170 : memref<128xf32, #tpu.memory_space<vmem>>) dst(%dma_wait3A_175 : memref<100352xf32, #tpu.memory_space<vmem_shared>>)
      %dma_wait3A_176 = arith.constant 7 : i32
      %dma_wait3A_177 = arith.constant 7 : i32
      %dma_wait3A_178 = arith.constant 0 : i32
      %dma_wait3A_179 = tpu.memref_slice %arg6[%dma_wait3A_176, %dma_wait3A_178] : memref<8x128xf32, #tpu.memory_space<vmem>> -> memref<1x128xf32, #tpu.memory_space<vmem>>
      %dma_wait3A_180 = tpu.memref_squeeze %dma_wait3A_179 : memref<1x128xf32, #tpu.memory_space<vmem>> -> memref<128xf32, #tpu.memory_space<vmem>>
      %dma_wait3A_181 = arith.constant 0 : i32
      %dma_wait3A_182 = tpu.memref_slice %arg5[%dma_wait3A_177, %dma_wait3A_181] : memref<8x128xi32, #tpu.memory_space<vmem>> -> memref<1x128xi32, #tpu.memory_space<vmem>>
      %dma_wait3A_183 = tpu.memref_squeeze %dma_wait3A_182 : memref<1x128xi32, #tpu.memory_space<vmem>> -> memref<128xi32, #tpu.memory_space<vmem>>
      %dma_wait3A_184 = arith.constant 0 : i32
      %dma_wait3A_185 = tpu.memref_slice %arg8[%dma_wait3A_184] : memref<100352xf32, #tpu.memory_space<vmem_shared>> -> memref<100352xf32, #tpu.memory_space<vmem_shared>>
      tpu.wait_indirect_dma semaphore(%arg9 : memref<!tpu.dma_semaphore, #tpu.memory_space<semaphore_mem>>) src(%dma_wait3A_180 : memref<128xf32, #tpu.memory_space<vmem>>) dst(%dma_wait3A_185 : memref<100352xf32, #tpu.memory_space<vmem_shared>>)
      %scan3A_186 = arith.constant 0 : i32
      scf.yield %scan3A_186 : i32
    }
    %scan3A_15 = arith.constant 49 : i32
    %barrier3A_16 = arith.constant 0 : index
    tpu.barrier barrier_id(%barrier3A_16)
    %mul3A_17 = arith.constant 6272 : i32
    %mul3A_18 = arith.muli %arg1, %mul3A_17 : i32
    %mul3A_19 = arith.constant 6272 : i32
    %mul3A_20 = arith.muli %arg1, %mul3A_19 : i32
    "tpu.region"() ({
      %run_scoped3A = tpu.sem_alloc : memref<!tpu.dma_semaphore, #tpu.memory_space<semaphore_mem>>
      %dma_start3A = tpu.memref_slice %arg4[%arg0, %mul3A_20] : memref<2x100352xf32, #tpu.memory_space<hbm>> -> memref<1x6272xf32, #tpu.memory_space<hbm>>
      %dma_start3A_21 = tpu.memref_squeeze %dma_start3A : memref<1x6272xf32, #tpu.memory_space<hbm>> -> memref<6272xf32, #tpu.memory_space<hbm>>
      %dma_start3A_22 = tpu.memref_slice %arg8[%mul3A_18] : memref<100352xf32, #tpu.memory_space<vmem_shared>> -> memref<6272xf32, #tpu.memory_space<vmem_shared>>
      tpu.enqueue_dma source(%dma_start3A_22 : memref<6272xf32, #tpu.memory_space<vmem_shared>>) target(%dma_start3A_21 : memref<6272xf32, #tpu.memory_space<hbm>>) target_semaphore(%run_scoped3A : memref<!tpu.dma_semaphore, #tpu.memory_space<semaphore_mem>>)
      %dma_wait3A = tpu.memref_slice %arg4[%arg0, %mul3A_20] : memref<2x100352xf32, #tpu.memory_space<hbm>> -> memref<1x6272xf32, #tpu.memory_space<hbm>>
      %dma_wait3A_23 = tpu.memref_squeeze %dma_wait3A : memref<1x6272xf32, #tpu.memory_space<hbm>> -> memref<6272xf32, #tpu.memory_space<hbm>>
      %dma_wait3A_24 = tpu.memref_slice %arg8[%mul3A_18] : memref<100352xf32, #tpu.memory_space<vmem_shared>> -> memref<6272xf32, #tpu.memory_space<vmem_shared>>
      tpu.wait_dma2 semaphore(%run_scoped3A : memref<!tpu.dma_semaphore, #tpu.memory_space<semaphore_mem>>) src(%dma_wait3A_24 : memref<6272xf32, #tpu.memory_space<vmem_shared>>) dst(%dma_wait3A_23 : memref<6272xf32, #tpu.memory_space<hbm>>)
      tpu.yield
    }) : () -> ()
    return
  }
}

module attributes {stable_mosaic.version = 14 : i64} {
  func.func @prep_dinv_tc(%arg0: i32, %arg1: memref<2x2048xf32, #tpu.memory_space<vmem>>, %arg2: memref<8x2048xf32, #tpu.memory_space<vmem>>, %arg3: memref<1x2048xf32, #tpu.memory_space<vmem>>, %arg4: memref<8x2048xf32, #tpu.memory_space<vmem>>) attributes {dimension_semantics = [#tpu.dimension_semantics<arbitrary>], iteration_bounds = array<i64: 49>, scalar_prefetch = 0 : i64, scratch_operands = 0 : i64, tpu.core_type = #tpu.core_type<tc>, window_params = [{transform_indices = @transform_0, window_bounds = array<i64: 2, 2048>}, {transform_indices = @transform_1, window_bounds = array<i64: 8, 2048>}, {transform_indices = @transform_2, window_bounds = array<i64: 1, 2048>}, {transform_indices = @transform_3, window_bounds = array<i64: 8, 2048>}]} {
    %get3A = arith.constant 0 : index
    %get3A_0 = arith.constant 0 : index
    %get3A_1 = vector.load %arg1[%get3A, %get3A_0] : memref<2x2048xf32, #tpu.memory_space<vmem>>, vector<1x2048xf32>
    %get3A_2 = arith.constant 1 : index
    %get3A_3 = arith.constant 0 : index
    %get3A_4 = vector.load %arg1[%get3A_2, %get3A_3] : memref<2x2048xf32, #tpu.memory_space<vmem>>, vector<1x2048xf32>
    %add3A = arith.addf %get3A_1, %get3A_4 : vector<1x2048xf32>
    %gt3A = arith.constant 0.000000e+00 : f32
    %gt3A_5 = vector.broadcast %gt3A : f32 to vector<1x2048xf32>
    %gt3A_6 = arith.cmpf ogt, %add3A, %gt3A_5 : vector<1x2048xf32>
    %jit3A = arith.constant 1.000000e+00 : f32
    %broadcast_in_dim3A = vector.broadcast %jit3A : f32 to vector<1x2048xf32>
    %select_n3A = arith.select %gt3A_6, %add3A, %broadcast_in_dim3A : vector<1x2048xi1>, vector<1x2048xf32>
    %gt3A_7 = arith.constant 0.000000e+00 : f32
    %gt3A_8 = vector.broadcast %gt3A_7 : f32 to vector<1x2048xf32>
    %gt3A_9 = arith.cmpf ogt, %add3A, %gt3A_8 : vector<1x2048xf32>
    %rsqrt3A = math.rsqrt %select_n3A : vector<1x2048xf32>
    %jit3A_10 = arith.constant 0.000000e+00 : f32
    %broadcast_in_dim3A_11 = vector.broadcast %jit3A_10 : f32 to vector<1x2048xf32>
    %select_n3A_12 = arith.select %gt3A_9, %rsqrt3A, %broadcast_in_dim3A_11 : vector<1x2048xi1>, vector<1x2048xf32>
    %swap3A = arith.constant 0 : index
    %swap3A_13 = arith.constant 0 : index
    %swap3A_14 = vector.load %arg3[%swap3A, %swap3A_13] : memref<1x2048xf32, #tpu.memory_space<vmem>>, vector<1x2048xf32>
    tpu.vector_store %arg3[%swap3A, %swap3A_13], %select_n3A_12 {strides = array<i32>} : memref<1x2048xf32, #tpu.memory_space<vmem>>, vector<1x2048xf32>,
    %neg3A = arith.constant 0.000000e+00 : f32
    %neg3A_15 = vector.broadcast %neg3A : f32 to vector<1x2048xf32>
    %neg3A_16 = arith.subf %neg3A_15, %select_n3A_12 : vector<1x2048xf32>
    %get3A_17 = arith.constant 0 : index
    %get3A_18 = arith.constant 0 : index
    %get3A_19 = vector.load %arg2[%get3A_17, %get3A_18] : memref<8x2048xf32, #tpu.memory_space<vmem>>, vector<8x2048xf32>
    %mul3A = vector.broadcast %neg3A_16 : vector<1x2048xf32> to vector<8x2048xf32>
    %mul3A_20 = arith.mulf %mul3A, %get3A_19 : vector<8x2048xf32>
    %swap3A_21 = arith.constant 0 : index
    %swap3A_22 = arith.constant 0 : index
    %swap3A_23 = vector.load %arg4[%swap3A_21, %swap3A_22] : memref<8x2048xf32, #tpu.memory_space<vmem>>, vector<8x2048xf32>
    tpu.vector_store %arg4[%swap3A_21, %swap3A_22], %mul3A_20 {strides = array<i32>} : memref<8x2048xf32, #tpu.memory_space<vmem>>, vector<8x2048xf32>,
    return
  }
  func.func @transform_0(%arg0: i32) -> (i32, i32) {
    %c0_i32 = arith.constant 0 : i32
    %c0_i32_0 = arith.constant 0 : i32
    return %c0_i32, %arg0 : i32, i32
  }
  func.func @transform_1(%arg0: i32) -> (i32, i32) {
    %c0_i32 = arith.constant 0 : i32
    %c0_i32_0 = arith.constant 0 : i32
    return %c0_i32, %arg0 : i32, i32
  }
  func.func @transform_2(%arg0: i32) -> (i32, i32) {
    %c0_i32 = arith.constant 0 : i32
    %c0_i32_0 = arith.constant 0 : i32
    return %c0_i32, %arg0 : i32, i32
  }
  func.func @transform_3(%arg0: i32) -> (i32, i32) {
    %c0_i32 = arith.constant 0 : i32
    %c0_i32_0 = arith.constant 0 : i32
    return %c0_i32, %arg0 : i32, i32
  }
}

module attributes {stable_mosaic.version = 14 : i64} {
  func.func @gates_dense_tc(%arg0: i32, %arg1: memref<8x2048xf32, #tpu.memory_space<vmem>>, %arg2: memref<1x2048xf32, #tpu.memory_space<vmem>>, %arg3: memref<2x8x2048xf32, #tpu.memory_space<vmem>>, %arg4: memref<64x16xf32, #tpu.memory_space<vmem>>, %arg5: memref<64x1xf32, #tpu.memory_space<vmem>>, %arg6: memref<1x32xf32, #tpu.memory_space<vmem>>, %arg7: memref<1x1xf32, #tpu.memory_space<vmem>>, %arg8: memref<1x2048xf32, #tpu.memory_space<vmem>>) attributes {dimension_semantics = [#tpu.dimension_semantics<arbitrary>], iteration_bounds = array<i64: 49>, scalar_prefetch = 0 : i64, scratch_operands = 0 : i64, tpu.core_type = #tpu.core_type<tc>, window_params = [{transform_indices = @transform_0, window_bounds = array<i64: 8, 2048>}, {transform_indices = @transform_1, window_bounds = array<i64: 1, 2048>}, {transform_indices = @transform_2, window_bounds = array<i64: 2, 8, 2048>}, {pipeline_mode = #tpu.pipeline_mode<synchronous>, transform_indices = @transform_3, window_bounds = array<i64: 64, 16>}, {pipeline_mode = #tpu.pipeline_mode<synchronous>, transform_indices = @transform_4, window_bounds = array<i64: 64, 1>}, {pipeline_mode = #tpu.pipeline_mode<synchronous>, transform_indices = @transform_5, window_bounds = array<i64: 1, 32>}, {pipeline_mode = #tpu.pipeline_mode<synchronous>, transform_indices = @transform_6, window_bounds = array<i64: 1, 1>}, {transform_indices = @transform_7, window_bounds = array<i64: 1, 2048>}]} {
    %get3A = arith.constant 0 : index
    %get3A_0 = arith.constant 0 : index
    %get3A_1 = arith.constant 0 : index
    %get3A_2 = vector.load %arg3[%get3A, %get3A_0, %get3A_1] : memref<2x8x2048xf32, #tpu.memory_space<vmem>>, vector<1x8x2048xf32>
    %get3A_3 = vector.shape_cast %get3A_2 : vector<1x8x2048xf32> to vector<8x2048xf32>
    %get3A_4 = arith.constant 1 : index
    %get3A_5 = arith.constant 0 : index
    %get3A_6 = arith.constant 0 : index
    %get3A_7 = vector.load %arg3[%get3A_4, %get3A_5, %get3A_6] : memref<2x8x2048xf32, #tpu.memory_space<vmem>>, vector<1x8x2048xf32>
    %get3A_8 = vector.shape_cast %get3A_7 : vector<1x8x2048xf32> to vector<8x2048xf32>
    %add3A = arith.addf %get3A_3, %get3A_8 : vector<8x2048xf32>
    %get3A_9 = arith.constant 0 : index
    %get3A_10 = arith.constant 0 : index
    %get3A_11 = vector.load %arg2[%get3A_9, %get3A_10] : memref<1x2048xf32, #tpu.memory_space<vmem>>, vector<1x2048xf32>
    %mul3A = vector.broadcast %get3A_11 : vector<1x2048xf32> to vector<8x2048xf32>
    %mul3A_12 = arith.mulf %mul3A, %add3A : vector<8x2048xf32>
    %get3A_13 = arith.constant 0 : index
    %get3A_14 = arith.constant 0 : index
    %get3A_15 = vector.load %arg1[%get3A_13, %get3A_14] : memref<8x2048xf32, #tpu.memory_space<vmem>>, vector<8x2048xf32>
    %concatenate3A = tpu.concatenate %get3A_15, %mul3A_12 in 0 : vector<8x2048xf32>, vector<8x2048xf32> -> vector<16x2048xf32>
    %get3A_16 = arith.constant 0 : index
    %get3A_17 = arith.constant 0 : index
    %get3A_18 = vector.load %arg4[%get3A_16, %get3A_17] : memref<64x16xf32, #tpu.memory_space<vmem>>, vector<64x16xf32>
    %dot_general3A = arith.constant dense<0.000000e+00> : vector<64x2048xf32>
    %dot_general3A_19 = tpu.matmul %get3A_18, %concatenate3A, %dot_general3A {dimension_numbers = #tpu.dot_dimension_numbers<[1], [0], [0], [1], [0, 0, 1, 1], [], []>, transpose_lhs_hint = false} : vector<64x16xf32>, vector<16x2048xf32>, vector<64x2048xf32> -> vector<64x2048xf32>
    %get3A_20 = arith.constant 0 : index
    %get3A_21 = arith.constant 0 : index
    %get3A_22 = vector.load %arg5[%get3A_20, %get3A_21] : memref<64x1xf32, #tpu.memory_space<vmem>>, vector<64x1xf32>
    %add3A_23 = vector.broadcast %get3A_22 : vector<64x1xf32> to vector<64x2048xf32>
    %add3A_24 = arith.addf %dot_general3A_19, %add3A_23 : vector<64x2048xf32>
    %slice3A = vector.extract_strided_slice %add3A_24 {offsets = [0, 0], sizes = [32, 2048], strides = [1, 1]} : vector<64x2048xf32> to vector<32x2048xf32>
    %logistic3A = arith.negf %slice3A : vector<32x2048xf32>
    %logistic3A_25 = math.exp %logistic3A : vector<32x2048xf32>
    %logistic3A_26 = arith.constant 1.000000e+00 : f32
    %logistic3A_27 = vector.broadcast %logistic3A_26 : f32 to vector<32x2048xf32>
    %logistic3A_28 = arith.addf %logistic3A_27, %logistic3A_25 : vector<32x2048xf32>
    %logistic3A_29 = arith.divf %logistic3A_27, %logistic3A_28 : vector<32x2048xf32>
    %slice3A_30 = vector.extract_strided_slice %add3A_24 {offsets = [32, 0], sizes = [32, 2048], strides = [1, 1]} : vector<64x2048xf32> to vector<32x2048xf32>
    %tanh3A = math.tanh %slice3A_30 : vector<32x2048xf32>
    %sub3A = arith.constant 1.000000e+00 : f32
    %sub3A_31 = vector.broadcast %sub3A : f32 to vector<32x2048xf32>
    %sub3A_32 = arith.subf %sub3A_31, %logistic3A_29 : vector<32x2048xf32>
    %mul3A_33 = arith.mulf %sub3A_32, %tanh3A : vector<32x2048xf32>
    %max3A = arith.constant 0.000000e+00 : f32
    %max3A_34 = vector.broadcast %max3A : f32 to vector<32x2048xf32>
    %max3A_35 = arith.maximumf %mul3A_33, %max3A_34 : vector<32x2048xf32>
    %get3A_36 = arith.constant 0 : index
    %get3A_37 = arith.constant 0 : index
    %get3A_38 = vector.load %arg6[%get3A_36, %get3A_37] : memref<1x32xf32, #tpu.memory_space<vmem>>, vector<1x32xf32>
    %dot_general3A_39 = arith.constant dense<0.000000e+00> : vector<1x2048xf32>
    %dot_general3A_40 = tpu.matmul %get3A_38, %max3A_35, %dot_general3A_39 {dimension_numbers = #tpu.dot_dimension_numbers<[1], [0], [0], [1], [0, 0, 1, 1], [], []>, transpose_lhs_hint = false} : vector<1x32xf32>, vector<32x2048xf32>, vector<1x2048xf32> -> vector<1x2048xf32>
    %get3A_41 = arith.constant 0 : index
    %get3A_42 = arith.constant 0 : index
    %get3A_43 = vector.load %arg7[%get3A_41, %get3A_42] : memref<1x1xf32, #tpu.memory_space<vmem>>, vector<1x1xf32>
    %add3A_44 = vector.broadcast %get3A_43 : vector<1x1xf32> to vector<1x2048xf32>
    %add3A_45 = arith.addf %dot_general3A_40, %add3A_44 : vector<1x2048xf32>
    %swap3A = arith.constant 0 : index
    %swap3A_46 = arith.constant 0 : index
    %swap3A_47 = vector.load %arg8[%swap3A, %swap3A_46] : memref<1x2048xf32, #tpu.memory_space<vmem>>, vector<1x2048xf32>
    tpu.vector_store %arg8[%swap3A, %swap3A_46], %add3A_45 {strides = array<i32>} : memref<1x2048xf32, #tpu.memory_space<vmem>>, vector<1x2048xf32>,
    return
  }
  func.func @transform_0(%arg0: i32) -> (i32, i32) {
    %c0_i32 = arith.constant 0 : i32
    %c0_i32_0 = arith.constant 0 : i32
    return %c0_i32, %arg0 : i32, i32
  }
  func.func @transform_1(%arg0: i32) -> (i32, i32) {
    %c0_i32 = arith.constant 0 : i32
    %c0_i32_0 = arith.constant 0 : i32
    return %c0_i32, %arg0 : i32, i32
  }
  func.func @transform_2(%arg0: i32) -> (i32, i32, i32) {
    %c0_i32 = arith.constant 0 : i32
    %c0_i32_0 = arith.constant 0 : i32
    %c0_i32_1 = arith.constant 0 : i32
    return %c0_i32, %c0_i32_0, %arg0 : i32, i32, i32
  }
  func.func @transform_3(%arg0: i32) -> (i32, i32) {
    %c0_i32 = arith.constant 0 : i32
    %c0_i32_0 = arith.constant 0 : i32
    %c0_i32_1 = arith.constant 0 : i32
    return %c0_i32, %c0_i32_0 : i32, i32
  }
  func.func @transform_4(%arg0: i32) -> (i32, i32) {
    %c0_i32 = arith.constant 0 : i32
    %c0_i32_0 = arith.constant 0 : i32
    %c0_i32_1 = arith.constant 0 : i32
    return %c0_i32, %c0_i32_0 : i32, i32
  }
  func.func @transform_5(%arg0: i32) -> (i32, i32) {
    %c0_i32 = arith.constant 0 : i32
    %c0_i32_0 = arith.constant 0 : i32
    %c0_i32_1 = arith.constant 0 : i32
    return %c0_i32, %c0_i32_0 : i32, i32
  }
  func.func @transform_6(%arg0: i32) -> (i32, i32) {
    %c0_i32 = arith.constant 0 : i32
    %c0_i32_0 = arith.constant 0 : i32
    %c0_i32_1 = arith.constant 0 : i32
    return %c0_i32, %c0_i32_0 : i32, i32
  }
  func.func @transform_7(%arg0: i32) -> (i32, i32) {
    %c0_i32 = arith.constant 0 : i32
    %c0_i32_0 = arith.constant 0 : i32
    return %c0_i32, %arg0 : i32, i32
  }
}

</mosaic_0001>

<sc_bundles>
// kernel: deg_scatter_sc.3.cloned.1.call-start
scs
__scs_entry_jumppad:
0x0: {  	(pc) =	sbr.rel $0x88, $3  }
0x1: {  	(tag) =	ssettag $0x0;
	lr =	simm.s32 $0x1  }
0x2: {  	[smem:$0x3F94] =	sst lr;
	_ =	strace $0xD0000000  }
0x3: {  	_ = 	snop  }
0x4: {  	_ = 	snop  }
0x5: {  	_ = 	snop  }
0x6: {  	_ = 	snop  }
0x7: {  	_ = 	snop  }
__scs_overlays_trampoline_lowered:
0x8: {  	[smem:$0x3FA3] =	sst s0  }
0x9: {  	[smem:$0x3FA4] =	sst s1  }
0xa: {  	[smem:$0x3FA5] =	sst s2  }
0xb: {  	[smem:$0x3FA6] =	sst s3  }
0xc: {  	[smem:$0x3FA7] =	sst s4  }
0xd: {  	[smem:$0x3FA8] =	sst s5  }
0xe: {  	[smem:$0x3FA9] =	sst s6  }
0xf: {  	[smem:$0x3FAA] =	sst s7  }
0x10: {  	[smem:$0x3FAB] =	sst s8  }
0x11: {  	[smem:$0x3FAC] =	sst s9;
	s0 =	simm.s32 @!p0 $0x0  }
0x12: {  	s1 =	sld [smem:$0x3F92];
	s0 =	simm.s32 @p0 $0x1  }
0x13: {  	[smem:$0x3FAD] =	sst s0;
	s0 =	simm.s32 @!p1 $0x0  }
0x14: {  	s2 =	sld [smem:$0x3F91];
	s0 =	simm.s32 @p1 $0x1  }
0x15: {  	[smem:$0x3FAE] =	sst s0;
	s0 =	simm.s32 @!p2 $0x0  }
0x16: {  	s3 =	sld [smem:$0x3FDB];
	s0 =	simm.s32 @p2 $0x1  }
0x17: {  	s4 =	simm.s32 $0x1BF5;
	[smem:$0x3FB0] =	sst s0  }
0x18: {  	s0 =	sld [smem:$0x3F93];
	_ =	swait.ge [sflag:s4], $0x0  }
0x19: {  	s7 =	sld [smem:$0x3F94]  }
0x1a: {  	s8 =	sadd.s32 $0xFFFFE003, lr  }
0x1b: {  	s9 =	sadd.s32 $0xFFFFFEF7, lr;
	s5 =	simm.s32 $0xFFFFFFFF;
	p2 =	slt.u32 s8, $0xFFFFF086  }
0x1c: {  	p1 =	slt.u32 s9, $0xF7A;
	s5 =	simm.s32 @!p2 $0x0  }
0x1d: {  	s5 =	simm.s32 @p1 $0x1;
	p0 =	seq.s32 s7, s2  }
0x1e: {  	s7 =	smul.u32 @!p0 $0xF7A, s2;
	p2 =	seq.s32 @!p0 s5, $0x0  }
0x1f: {  	s9 =	smul.u32 $0xF7A, s1;
	s8 =	simm.s32 @!p0 $0x1BF5;
	p2 =	por !p2, p0  }
0x20: {  	[sflag:s8] =	ssyncset.s32 @!p0 $0xFFFFF086;
	s6 =	sadd.s32 @!p0 s3, s7;
	s7 =	simm.s32 @!p0 $0x108  }
0x21: {  	s3 =	sadd.s32 s3, s9;
	s6 =	sadd.s32 @!p0 $0x88, s6;
	s7 =	simm.s32 @p2 $0x1082  }
0x22: {  	[simem:s7], [sflag:s8] =	dma.local @!p0 [hbm:s6], $0xF7A  }
0x23: {  	s9 =	sor.u32 $0xD0000000, s2;
	s6 =	simm.s32 $0x108;
	_ =	swait.ge @!p0 [sflag:s8], $0x0  }
0x24: {  	s3 =	sadd.s32 $0x88, s3;
	s6 =	simm.s32 @!p1 $0x1082;
	[sflag:s4] =	ssyncset.s32 $0xFFFFF086  }
0x25: {  	[simem:s6], [sflag:s4] =	dma.local [hbm:s3], $0xF7A  }
0x26: {  	[smem:$0x3F94] =	sst s1;
	(tag) =	ssettag s2;
	_ =	strace s9  }
0x27: {  	s1 =	sld [smem:$0x3FA4]  }
0x28: {  	s2 =	sld [smem:$0x3FA5]  }
0x29: {  	s4 =	sld [smem:$0x3FA7]  }
0x2a: {  	p0 =	seq.s32 s5, $0x0;
	s5 =	sld [smem:$0x3FA8]  }
0x2b: {  	s6 =	sld [smem:$0x3FA9]  }
0x2c: {  	s7 =	sld [smem:$0x3FAA]  }
0x2d: {  	s3 =	simm.s32 $0x108;
	s8 =	sld [smem:$0x3FAB]  }
0x2e: {  	s3 =	simm.s32 @!p0 $0x1082;
	s9 =	sld [smem:$0x3FAC]  }
0x2f: {  	lr =	sadd.s32 s0, s3;
	s0 =	sld [smem:$0x3FA3]  }
0x30: {  	s3 =	sld [smem:$0x3FA6]  }
0x31: {  	[smem:$0x3FAF] =	sst s10  }
0x32: {  	s10 =	sld [smem:$0x3FAD];
	_ =	sdelay $0x3  }
0x33: {  	p0 =	seq.s32 s10, $0x1;
	s10 =	sld [smem:$0x3FAF];
	_ =	sdelay $0x3  }
0x34: {  	[smem:$0x3FAF] =	sst s10  }
0x35: {  	s10 =	sld [smem:$0x3FAE];
	_ =	sdelay $0x3  }
0x36: {  	p1 =	seq.s32 s10, $0x1;
	s10 =	sld [smem:$0x3FAF];
	_ =	sdelay $0x3  }
0x37: {  	[smem:$0x3FAF] =	sst s10  }
0x38: {  	s10 =	sld [smem:$0x3FB0]  }
0x39: {  	_ = 	snop;
	(pc) =	sbr.ind lr, $3  }
0x3a: {  	_ = 	snop  }
0x3b: {  	_ = 	snop  }
0x3c: {  	p2 =	seq.s32 s10, $0x1;
	s10 =	sld [smem:$0x3FAF]  }
0x3d: {  	_ =	shalt  }
0x3e: {  	_ =	shalt  }
0x3f: {  	_ =	shalt  }
0x40: {  	_ =	shalt  }
0x41: {  	_ =	shalt  }
0x42: {  	_ =	shalt  }
0x43: {  	_ =	shalt  }
0x44: {  	_ =	shalt  }
0x45: {  	_ =	shalt  }
0x46: {  	_ =	shalt  }
0x47: {  	_ =	shalt  }
0x48: {  	_ =	shalt  }
0x49: {  	_ =	shalt  }
0x4a: {  	_ =	shalt  }
0x4b: {  	_ =	shalt  }
0x4c: {  	_ =	shalt  }
0x4d: {  	_ =	shalt  }
0x4e: {  	_ =	shalt  }
0x4f: {  	_ =	shalt  }
0x50: {  	_ =	shalt  }
0x51: {  	_ =	shalt  }
0x52: {  	_ =	shalt  }
0x53: {  	_ =	shalt  }
0x54: {  	_ =	shalt  }
0x55: {  	_ =	shalt  }
0x56: {  	_ =	shalt  }
0x57: {  	_ =	shalt  }
0x58: {  	_ =	shalt  }
0x59: {  	_ =	shalt  }
0x5a: {  	_ =	shalt  }
0x5b: {  	_ =	shalt  }
0x5c: {  	_ =	shalt  }
0x5d: {  	_ =	shalt  }
0x5e: {  	_ =	shalt  }
0x5f: {  	_ =	shalt  }
0x60: {  	_ =	shalt  }
0x61: {  	_ =	shalt  }
0x62: {  	_ =	shalt  }
0x63: {  	_ =	shalt  }
0x64: {  	_ =	shalt  }
0x65: {  	_ =	shalt  }
0x66: {  	_ =	shalt  }
0x67: {  	_ =	shalt  }
0x68: {  	_ =	shalt  }
0x69: {  	_ =	shalt  }
0x6a: {  	_ =	shalt  }
0x6b: {  	_ =	shalt  }
0x6c: {  	_ =	shalt  }
0x6d: {  	_ =	shalt  }
0x6e: {  	_ =	shalt  }
0x6f: {  	_ =	shalt  }
0x70: {  	_ =	shalt  }
0x71: {  	_ =	shalt  }
0x72: {  	_ =	shalt  }
0x73: {  	_ =	shalt  }
0x74: {  	_ =	shalt  }
0x75: {  	_ =	shalt  }
0x76: {  	_ =	shalt  }
0x77: {  	_ =	shalt  }
0x78: {  	_ =	shalt  }
0x79: {  	_ =	shalt  }
0x7a: {  	_ =	shalt  }
0x7b: {  	_ =	shalt  }
0x7c: {  	_ =	shalt  }
0x7d: {  	_ =	shalt  }
0x7e: {  	_ =	shalt  }
0x7f: {  	_ =	shalt  }
0x80: {  	_ =	shalt  }
0x81: {  	_ =	shalt  }
0x82: {  	_ =	shalt  }
0x83: {  	_ =	shalt  }
0x84: {  	_ =	shalt  }
0x85: {  	_ =	shalt  }
0x86: {  	_ =	shalt  }
0x87: {  	_ =	shalt  }
.Lfunc_end0:
.L_simem_size_0:
called_computation_lowered:
.L_overlay_start_0:
0x88: {  	s2 =	sld [smem:$0x3FD9]  }
0x89: {  	s3 =	sld [smem:$0x3FFE];
	_ =	sdelay $0x1  }
0x8a: {  	s1 =	srdreg.scid  }
0x8b: {  	s0 =	sand.u32 $0x1, s1  }
0x8c: {  	s16 =	sshll.u32 s0, $0xA;
	s2 =	sadd.s32 s3, s2  }
0x8d: {  	s2 =	sadd.s32 s2, s16  }
0x8e: {  	[smem:$0x3FBB] =	sst s2  }
0x8f: {  	_ = 	snop  }
0x90: {  	(tm) =	ssettm $0x1  }
0x91: {  	s17 =	sld [smem:$0x3FFB];
	_ =	sdelay $0x3  }
0x92: {  	_ =	strace s17  }
0x93: {  	s2 =	sld [smem:$0x3FFC];
	_ =	sdelay $0x3  }
0x94: {  	_ =	strace s2  }
0x95: {  	s2 =	sld [smem:$0x3FFD];
	_ =	sdelay $0x3  }
0x96: {  	_ =	strace s2  }
0x97: {  	_ =	strace $0x8FFFFFFF  }
0x98: {  	s18 =	sld [smem:$0x3FDB];
	_ =	sdelay $0x1  }
0x99: {  	s19 =	simm.s32 $_scs_section_size  }
0x9a: {  	s4 =	simm.s32 $_size__tile_overlayer_lowered;
	s5 =	simm.s32 $_tile_overlayer_lowered  }
0x9b: {  	s22 =	simm.s32 $0x1BFF;
	s21 =	sshll.u32 s5, $0x1;
	s2 =	sadd.s32 s19, s18  }
0x9c: {  	s6 =	simm.s32 $0x0;
	s20 =	sshll.u32 s4, $0x1;
	s4 =	sadd.s32 s21, s2  }
0x9d: {  	[timem:s6], [sflag:s22] =	dma.local [hbm:s4], s20  }
0x9e: {  	_ =	swait.ge [sflag:s22], s20  }
0x9f: {  	s3 =	ssub.s32 $0x0, s20;
	[sflag:s22] =	ssyncset.done $0x0  }
0xa0: {  	[sflag:s22] =	ssyncadd.s32 s3;
	_ =	sdelay $0x1  }
0xa1: {  	s23 =	simm.s32 $0x1B8B  }
0xa2: {  	_ =	swait.ge [sflag:s23], $0x1  }
0xa3: {  	[sflag:s23] =	ssyncset.done $0x0  }
0xa4: {  	s25 =	simm.s32 $0x1B8E;
	s24 =	sld [smem:$0x3FFE];
	[sflag:s23] =	ssyncadd.s32 $0xFFFFFFFF  }
0xa5: {  	s26 =	simm.s32 $execute0_lowered;
	[smem:$0x3FD2] =	sst s25  }
0xa6: {  	s4 =	sshll.u32 s26, $0x1;
	_ =	strace $0x80000046;
	[dreg:$0x1] =	wrdreg $0xFFFFFFFF  }
0xa7: {  	s28 =	simm.s32 $_size_execute0_lowered;
	s2 =	sadd.s32 s2, s4;
	[dreg:$0x0] =	wrdreg $0x0  }
0xa8: {  	s4 =	sshll.u32 s28, $0x1;
	[dreg:$0x2] =	wrdreg s2  }
0xa9: {  	[dreg:$0x3] =	wrdreg s4  }
0xaa: {  	[dreg:$0x4] =	wrdreg $0xC0  }
0xab: {  	_ =	task [dreg:s6], $0x5FFFF  }
0xac: {  	[dreg:$0x1] =	wrdreg $0xFFFFFFFF  }
0xad: {  	[dreg:$0x0] =	wrdreg $0x60  }
0xae: {  	[dreg:$0x2] =	wrdreg s24  }
0xaf: {  	[dreg:$0x3] =	wrdreg $0x20800  }
0xb0: {  	[dreg:$0x4] =	wrdreg $0x9  }
0xb1: {  	_ =	task.clear_ibuf [dreg:s6], $0x5FFFF;
	_ =	strace $0x90000046  }
0xb2: {  	s29 =	simm.s32 $0x9;
	_ =	strace $0x80000048  }
0xb3: {  	_ =	swait.ge [sflag:s29], $0x1  }
0xb4: {  	[sflag:s29] =	ssyncadd.s32 $0xFFFFFFFF  }
0xb5: {  	_ =	strace $0x90000048  }
0xb6: {  	_ =	sfence  }
0xb7: {  	s30 =	sld [smem:$0x0];
	_ =	sdelay $0x2  }
0xb8: {  	s31 =	sshll.u32 s1, $0xD;
	s1 =	sshrl.u32 s1, $0x2  }
0xb9: {  	s3 =	sand.u32 $0x4000, s31;
	s1 =	sadd.s32 s1, s30  }
0xba: {  	s0 =	sor.u32 s3, s0;
	s1 =	sshll.u32 s1, $0x11  }
0xbb: {  	s0 =	sor.u32 s1, s0  }
0xbc: {  	s0 =	sadd.s32 $0x8F2B, s0  }
0xbd: {  	[sflag:s0] =	ssyncadd.remote.s32 $0x1  }
0xbe: {  	_ =	sfence.sel $0xFFFF  }
0xbf: {  	[dreg:$0x0] =	wrdreg $0xFFFFFFFF;
	(pc) =	sbr.abs _section_cstart, $3  }
0xc0: {  	[dreg:$0x1] =	wrdreg $0xFFFFFFFF  }
0xc1: {  	_ =	task.clear_ibuf [dreg:s6], $0x2FFFF;
	_ =	strace $0x9FFFFFFF  }
0xc2: {  	(tm) =	ssettm $0x7FFFFFFF  }
0xc3: {  	_ =	shalt  }
tec
execute0_lowered:
.L_overlay_start_1:
0x0: {  	(tag) =	ssettag $0x1  }
0x1: {  	s0 =	rddreg [dreg:$0x0]  }
0x2: {  	s1 =	rddreg [dreg:$0x1];
	s2 =	srdreg.scid;
	s3 =	simm.s32 $0x0  }
0x3: {  	s24 =	stileid.u32;
	s10 =	simm.s32 $0x2;
	s11 =	simm.s32 $0x400  }
0x4: {  	s12 =	simm.s32 $0x80;
	s13 =	simm.s32 $0x480;
	s14 =	simm.s32 $0x100  }
0x5: {  	s15 =	simm.s32 $0x500;
	s16 =	simm.s32 $0x180;
	s17 =	simm.s32 $0x580  }
0x6: {  	s18 =	simm.s32 $0x200;
	s19 =	simm.s32 $0x600;
	s20 =	simm.s32 $0x280  }
0x7: {  	s21 =	simm.s32 $0x680;
	s22 =	simm.s32 $0x300;
	s6 =	smul.u32 $0x3100, s24  }
0x8: {  	s23 =	simm.s32 $0x700;
	s29 =	simm.s32 $0x10;
	s26 =	smul.u32 $0x6200, s24  }
0x9: {  	s30 =	simm.s32 $0x0;
	s4 =	sand.u32 $0x1, s2;
	s9 =	smul.u32 $0x1880, s24  }
0xa: {  	[smem:$0x7FF] =	sst s3;
	s24 =	simm.s32 $0x380;
	s5 =	smul.u32 $0x18800, s4  }
0xb: {  	_ =	strace $0x80000047;
	s25 =	sshll.u32 s4, $0x7;
	s4 =	ssub.s32 $0x2, s4  }
0xc: {  	s8 =	sshrl.u32 s4, $0x1;
	s28 =	sshrl.u32 s26, $0x2;
	s26 =	simm.s32 $0x1  }
0xd: {  	s7 =	sadd.s32 s5, s0;
	s5 =	sor.u32 s25, s6;
	s8 =	ssub.s32 s4, s8  }
0xe: {  	s4 =	sadd.s32 s28, s1;
	s25 =	simm.s32 $0x780;
	s5 =	sshrl.u32 s5, $0x3  }
0xf: {  	s31 =	sadd.s32 s9, s7;
	s6 =	smax.u32 s8, $0x1;
	s0 =	sadd.s32 s5, s0  }
0x10: {  	v0 =	vimm.f32 $0.0e+00;
	s7 =	sadd.s32 $0x2000, s31;
	s8 =	sadd.s32 $0x64000, s31;
	s5 =	sadd.s32 $0x95000, s0  }
.LBB2_1:
0x11: {  	s0 =	simm.s32 $0x40;
	s9 =	simm.s32 $0x0  }
.LBB2_2:
0x12: {  	p0 =	sne.s32 s0, $0x61C0;
	[tilespmem:s9+$0x800] =	vst v0;
	s9 =	smov.u32 s0;
	s0 =	sadd.s32 $0x40, s0  }
.Ltmp0:
0x13: {  	(pc) =	sbr.rel @p0 .LBB2_2-.Ltmp0, $2  }
0x14: {  	_ =	sdelay $0x2  }
0x15: {  	s9 =	sshra.s32 s9, $0x2  }
0x16: {  	[tilespmem:s9+$0x800] =	vst v0;
	s0 =	simm.s32 $0x800  }
0x17: {  	[spmem:s4] =	stream.linear.scatter [tilespmem:s0], [sflag:$0x2], $0x1880, $0x38;
	[tilespmem:$0x3900] =	vst v63  }
0x18: {  	_ =	swait.ge [sflag:s10], $0x1880  }
0x19: {  	[sflag:s10] =	ssyncset.done $0x0  }
0x1a: {  	[sflag:s10] =	ssyncadd.s32 $0xFFFFE780  }
0x1b: {  	s9 =	sadd.s32 $0x0, s8;
	[bflag:$0x0] =	sbarrier.arrive $0xFFFF  }
0x1c: {  	[tilespmem:s3], [sflag:$0x2] =	stream.linear.gather [hbm4b:s9+s3], $0x400, $0x38;
	[tilespmem:$0x3900] =	vst v63  }
0x1d: {  	_ =	swait.ge [sflag:s10], $0x400  }
0x1e: {  	[sflag:s10] =	ssyncset.done $0x0  }
0x1f: {  	s28 =	sadd.s32 $0x0, s7;
	[sflag:s10] =	ssyncadd.s32 $0xFFFFFC00  }
0x20: {  	[tilespmem:s11], [sflag:$0x2] =	stream.linear.gather [hbm4b:s28+s3], $0x400, $0x38;
	[tilespmem:$0x3900] =	vst v63  }
0x21: {  	_ =	swait.ge [sflag:s10], $0x400  }
0x22: {  	[sflag:s10] =	ssyncset.done $0x0  }
0x23: {  	[sflag:s10] =	ssyncadd.s32 $0xFFFFFC00  }
0x24: {  	[spmem:s1] =	stream.indirect.scatter.add.f32 [tilespmem:s11], [sflag:$0x1], $0x1, s3, s12, $0xb8;
	[tilespmem:$0x3900] =	vst v63  }
0x25: {  	_ = 	snop  }
0x26: {  	[spmem:s1] =	stream.indirect.scatter.add.f32 [tilespmem:s13], [sflag:$0x1], $0x1, s12, s12, $0xb8;
	[tilespmem:$0x3900] =	vst v63  }
0x27: {  	_ = 	snop  }
0x28: {  	[spmem:s1] =	stream.indirect.scatter.add.f32 [tilespmem:s15], [sflag:$0x1], $0x1, s14, s12, $0xb8;
	[tilespmem:$0x3900] =	vst v63  }
0x29: {  	_ = 	snop  }
0x2a: {  	[spmem:s1] =	stream.indirect.scatter.add.f32 [tilespmem:s17], [sflag:$0x1], $0x1, s16, s12, $0xb8;
	[tilespmem:$0x3900] =	vst v63  }
0x2b: {  	_ = 	snop  }
0x2c: {  	[spmem:s1] =	stream.indirect.scatter.add.f32 [tilespmem:s19], [sflag:$0x1], $0x1, s18, s12, $0xb8;
	[tilespmem:$0x3900] =	vst v63  }
0x2d: {  	_ = 	snop  }
0x2e: {  	[spmem:s1] =	stream.indirect.scatter.add.f32 [tilespmem:s21], [sflag:$0x1], $0x1, s20, s12, $0xb8;
	[tilespmem:$0x3900] =	vst v63  }
0x2f: {  	_ = 	snop  }
0x30: {  	[spmem:s1] =	stream.indirect.scatter.add.f32 [tilespmem:s23], [sflag:$0x1], $0x1, s22, s12, $0xb8;
	[tilespmem:$0x3900] =	vst v63  }
0x31: {  	_ = 	snop  }
0x32: {  	[spmem:s1] =	stream.indirect.scatter.add.f32 [tilespmem:s25], [sflag:$0x1], $0x1, s24, s12, $0xb8;
	[tilespmem:$0x3900] =	vst v63  }
0x33: {  	_ =	swait.ge [sflag:s26], $0x80  }
0x34: {  	[sflag:s26] =	ssyncset.done $0x0  }
0x35: {  	[sflag:s26] =	ssyncadd.s32 $0xFFFFFF80  }
0x36: {  	_ =	swait.ge [sflag:s26], $0x80  }
0x37: {  	[sflag:s26] =	ssyncset.done $0x0  }
0x38: {  	[sflag:s26] =	ssyncadd.s32 $0xFFFFFF80  }
0x39: {  	_ =	swait.ge [sflag:s26], $0x80  }
0x3a: {  	[sflag:s26] =	ssyncset.done $0x0  }
0x3b: {  	[sflag:s26] =	ssyncadd.s32 $0xFFFFFF80  }
0x3c: {  	_ =	swait.ge [sflag:s26], $0x80  }
0x3d: {  	[sflag:s26] =	ssyncset.done $0x0  }
0x3e: {  	[sflag:s26] =	ssyncadd.s32 $0xFFFFFF80  }
0x3f: {  	_ =	swait.ge [sflag:s26], $0x80  }
0x40: {  	[sflag:s26] =	ssyncset.done $0x0  }
0x41: {  	[sflag:s26] =	ssyncadd.s32 $0xFFFFFF80  }
0x42: {  	_ =	swait.ge [sflag:s26], $0x80  }
0x43: {  	[sflag:s26] =	ssyncset.done $0x0  }
0x44: {  	[sflag:s26] =	ssyncadd.s32 $0xFFFFFF80  }
0x45: {  	_ =	swait.ge [sflag:s26], $0x80  }
0x46: {  	[sflag:s26] =	ssyncset.done $0x0  }
0x47: {  	[sflag:s26] =	ssyncadd.s32 $0xFFFFFF80  }
0x48: {  	_ =	swait.ge [sflag:s26], $0x80  }
0x49: {  	s31 =	simm.s32 $0x80;
	s0 =	simm.s32 $0x100;
	[sflag:s26] =	ssyncset.done $0x0  }
.LBB2_4:
0x4a: {  	s2 =	sadd.s32 s31, s8  }
0x4b: {  	[sflag:s26] =	ssyncadd.s32 $0xFFFFFF80;
	s28 =	smov.u32 s0;
	s9 =	sadd.s32 $0x80, s0  }
0x4c: {  	[tilespmem:s3], [sflag:$0x2] =	stream.linear.gather [hbm4b:s2+s3], $0x400, $0x38;
	[tilespmem:$0x3900] =	vst v63  }
0x4d: {  	p0 =	sne.s32 s0, $0x1800;
	_ =	swait.ge [sflag:s10], $0x400  }
0x4e: {  	[sflag:s10] =	ssyncset.done $0x0  }
0x4f: {  	s0 =	sadd.s32 s31, s7;
	s31 =	smov.u32 s28;
	[sflag:s10] =	ssyncadd.s32 $0xFFFFFC00  }
0x50: {  	[tilespmem:s11], [sflag:$0x2] =	stream.linear.gather [hbm4b:s0+s3], $0x400, $0x38;
	[tilespmem:$0x3900] =	vst v63  }
0x51: {  	_ =	swait.ge [sflag:s10], $0x400  }
0x52: {  	[sflag:s10] =	ssyncset.done $0x0  }
0x53: {  	[sflag:s10] =	ssyncadd.s32 $0xFFFFFC00  }
0x54: {  	[spmem:s1] =	stream.indirect.scatter.add.f32 [tilespmem:s11], [sflag:$0x1], $0x1, s3, s12, $0xb8;
	[tilespmem:$0x3900] =	vst v63  }
0x55: {  	_ = 	snop  }
0x56: {  	[spmem:s1] =	stream.indirect.scatter.add.f32 [tilespmem:s13], [sflag:$0x1], $0x1, s12, s12, $0xb8;
	[tilespmem:$0x3900] =	vst v63  }
0x57: {  	_ = 	snop  }
0x58: {  	[spmem:s1] =	stream.indirect.scatter.add.f32 [tilespmem:s15], [sflag:$0x1], $0x1, s14, s12, $0xb8;
	[tilespmem:$0x3900] =	vst v63  }
0x59: {  	_ = 	snop  }
0x5a: {  	[spmem:s1] =	stream.indirect.scatter.add.f32 [tilespmem:s17], [sflag:$0x1], $0x1, s16, s12, $0xb8;
	[tilespmem:$0x3900] =	vst v63  }
0x5b: {  	_ = 	snop  }
0x5c: {  	[spmem:s1] =	stream.indirect.scatter.add.f32 [tilespmem:s19], [sflag:$0x1], $0x1, s18, s12, $0xb8;
	[tilespmem:$0x3900] =	vst v63  }
0x5d: {  	_ = 	snop  }
0x5e: {  	[spmem:s1] =	stream.indirect.scatter.add.f32 [tilespmem:s21], [sflag:$0x1], $0x1, s20, s12, $0xb8;
	[tilespmem:$0x3900] =	vst v63  }
0x5f: {  	_ = 	snop  }
0x60: {  	[spmem:s1] =	stream.indirect.scatter.add.f32 [tilespmem:s23], [sflag:$0x1], $0x1, s22, s12, $0xb8;
	[tilespmem:$0x3900] =	vst v63  }
0x61: {  	_ = 	snop  }
0x62: {  	[spmem:s1] =	stream.indirect.scatter.add.f32 [tilespmem:s25], [sflag:$0x1], $0x1, s24, s12, $0xb8;
	[tilespmem:$0x3900] =	vst v63  }
0x63: {  	_ =	swait.ge [sflag:s26], $0x80  }
0x64: {  	[sflag:s26] =	ssyncset.done $0x0  }
0x65: {  	[sflag:s26] =	ssyncadd.s32 $0xFFFFFF80  }
0x66: {  	_ =	swait.ge [sflag:s26], $0x80  }
0x67: {  	[sflag:s26] =	ssyncset.done $0x0  }
0x68: {  	[sflag:s26] =	ssyncadd.s32 $0xFFFFFF80  }
0x69: {  	_ =	swait.ge [sflag:s26], $0x80  }
0x6a: {  	[sflag:s26] =	ssyncset.done $0x0  }
0x6b: {  	[sflag:s26] =	ssyncadd.s32 $0xFFFFFF80  }
0x6c: {  	_ =	swait.ge [sflag:s26], $0x80  }
0x6d: {  	[sflag:s26] =	ssyncset.done $0x0  }
0x6e: {  	[sflag:s26] =	ssyncadd.s32 $0xFFFFFF80  }
0x6f: {  	_ =	swait.ge [sflag:s26], $0x80  }
0x70: {  	[sflag:s26] =	ssyncset.done $0x0  }
0x71: {  	[sflag:s26] =	ssyncadd.s32 $0xFFFFFF80  }
0x72: {  	_ =	swait.ge [sflag:s26], $0x80  }
0x73: {  	[sflag:s26] =	ssyncset.done $0x0  }
0x74: {  	[sflag:s26] =	ssyncadd.s32 $0xFFFFFF80  }
.Ltmp1:
0x75: {  	_ =	swait.ge [sflag:s26], $0x80;
	(pc) =	sbr.rel @p0 .LBB2_4-.Ltmp1, $4  }
0x76: {  	[sflag:s26] =	ssyncset.done $0x0  }
0x77: {  	[sflag:s26] =	ssyncadd.s32 $0xFFFFFF80  }
0x78: {  	_ =	swait.ge [sflag:s26], $0x80  }
0x79: {  	s0 =	smov.u32 s9;
	[sflag:s26] =	ssyncset.done $0x0  }
0x7a: {  	s0 =	sadd.s32 s31, s8;
	[sflag:s26] =	ssyncadd.s32 $0xFFFFFF80  }
0x7b: {  	[tilespmem:s3], [sflag:$0x2] =	stream.linear.gather [hbm4b:s0+s3], $0x400, $0x38;
	[tilespmem:$0x3900] =	vst v63  }
0x7c: {  	_ =	swait.ge [sflag:s10], $0x400  }
0x7d: {  	[sflag:s10] =	ssyncset.done $0x0  }
0x7e: {  	s28 =	sadd.s32 s31, s7;
	[sflag:s10] =	ssyncadd.s32 $0xFFFFFC00  }
0x7f: {  	[tilespmem:s11], [sflag:$0x2] =	stream.linear.gather [hbm4b:s28+s3], $0x400, $0x38;
	[tilespmem:$0x3900] =	vst v63  }
0x80: {  	_ =	swait.ge [sflag:s10], $0x400  }
0x81: {  	[sflag:s10] =	ssyncset.done $0x0  }
0x82: {  	[sflag:s10] =	ssyncadd.s32 $0xFFFFFC00  }
0x83: {  	[spmem:s1] =	stream.indirect.scatter.add.f32 [tilespmem:s11], [sflag:$0x1], $0x1, s3, s12, $0xb8;
	[tilespmem:$0x3900] =	vst v63  }
0x84: {  	_ = 	snop  }
0x85: {  	[spmem:s1] =	stream.indirect.scatter.add.f32 [tilespmem:s13], [sflag:$0x1], $0x1, s12, s12, $0xb8;
	[tilespmem:$0x3900] =	vst v63  }
0x86: {  	_ = 	snop  }
0x87: {  	[spmem:s1] =	stream.indirect.scatter.add.f32 [tilespmem:s15], [sflag:$0x1], $0x1, s14, s12, $0xb8;
	[tilespmem:$0x3900] =	vst v63  }
0x88: {  	_ = 	snop  }
0x89: {  	[spmem:s1] =	stream.indirect.scatter.add.f32 [tilespmem:s17], [sflag:$0x1], $0x1, s16, s12, $0xb8;
	[tilespmem:$0x3900] =	vst v63  }
0x8a: {  	_ = 	snop  }
0x8b: {  	[spmem:s1] =	stream.indirect.scatter.add.f32 [tilespmem:s19], [sflag:$0x1], $0x1, s18, s12, $0xb8;
	[tilespmem:$0x3900] =	vst v63  }
0x8c: {  	_ = 	snop  }
0x8d: {  	[spmem:s1] =	stream.indirect.scatter.add.f32 [tilespmem:s21], [sflag:$0x1], $0x1, s20, s12, $0xb8;
	[tilespmem:$0x3900] =	vst v63  }
0x8e: {  	_ = 	snop  }
0x8f: {  	[spmem:s1] =	stream.indirect.scatter.add.f32 [tilespmem:s23], [sflag:$0x1], $0x1, s22, s12, $0xb8;
	[tilespmem:$0x3900] =	vst v63  }
0x90: {  	_ = 	snop  }
0x91: {  	[spmem:s1] =	stream.indirect.scatter.add.f32 [tilespmem:s25], [sflag:$0x1], $0x1, s24, s12, $0xb8;
	[tilespmem:$0x3900] =	vst v63  }
0x92: {  	_ =	swait.ge [sflag:s26], $0x80  }
0x93: {  	[sflag:s26] =	ssyncset.done $0x0  }
0x94: {  	[sflag:s26] =	ssyncadd.s32 $0xFFFFFF80  }
0x95: {  	_ =	swait.ge [sflag:s26], $0x80  }
0x96: {  	[sflag:s26] =	ssyncset.done $0x0  }
0x97: {  	[sflag:s26] =	ssyncadd.s32 $0xFFFFFF80  }
0x98: {  	_ =	swait.ge [sflag:s26], $0x80  }
0x99: {  	[sflag:s26] =	ssyncset.done $0x0  }
0x9a: {  	[sflag:s26] =	ssyncadd.s32 $0xFFFFFF80  }
0x9b: {  	_ =	swait.ge [sflag:s26], $0x80  }
0x9c: {  	[sflag:s26] =	ssyncset.done $0x0  }
0x9d: {  	[sflag:s26] =	ssyncadd.s32 $0xFFFFFF80  }
0x9e: {  	_ =	swait.ge [sflag:s26], $0x80  }
0x9f: {  	[sflag:s26] =	ssyncset.done $0x0  }
0xa0: {  	[sflag:s26] =	ssyncadd.s32 $0xFFFFFF80  }
0xa1: {  	_ =	swait.ge [sflag:s26], $0x80  }
0xa2: {  	[sflag:s26] =	ssyncset.done $0x0  }
0xa3: {  	[sflag:s26] =	ssyncadd.s32 $0xFFFFFF80  }
0xa4: {  	_ =	swait.ge [sflag:s26], $0x80  }
0xa5: {  	[sflag:s26] =	ssyncset.done $0x0  }
0xa6: {  	[sflag:s26] =	ssyncadd.s32 $0xFFFFFF80  }
0xa7: {  	s31 =	stileid.u32;
	s2 =	sshrl.u32 s4, $0x3;
	_ =	swait.ge [sflag:s26], $0x80  }
0xa8: {  	s9 =	simm.s32 $0x20;
	s30 =	sadd.s32 $0x1, s30;
	[sflag:s26] =	ssyncset.done $0x0  }
0xa9: {  	s0 =	sshll.u32 s31, $0x6;
	p0 =	sne.s32 s30, s6;
	[sflag:s26] =	ssyncadd.s32 $0xFFFFFF80  }
.Ltmp2:
0xaa: {  	s0 =	sor.u32 $0x1C02, s0;
	[bflag:$0x0] =	sbarrier.arrive $0xFFFF;
	(pc) =	sbr.rel @p0 .LBB2_1-.Ltmp2, $4  }
0xab: {  	[hbm:s5@s9], [sflag:s0] =	dma.strided [spmem:s2@s29], $0x310, s26, $0x10   }
0xac: {  	_ =	swait.ge [sflag:s10], $0x310  }
0xad: {  	[sflag:s10] =	ssyncset.done $0x0  }
0xae: {  	[sflag:s10] =	ssyncadd.s32 $0xFFFFFCF0  }
0xaf: {  	_ =	sfence.sel $0x180000  }
0xb0: {  	[bflag:$0x0] =	sbarrier.arrive $0xFFFF  }
0xb1: {  	_ =	strace $0x90000047  }
0xb2: {  	s0 =	stileid.u32;
	[bflag:$0x2] =	sbarrier.arrive $0xFFFF  }
0xb3: {  	p0 =	sne.s32 s0, $0x0;
	s0 =	rddreg [dreg:$0x2]  }
0xb4: {  	s0 =	sadd.s32 @!p0 $0x100000, s0  }
0xb5: {  	[sflag:s0] =	ssyncadd.tile.s32 @!p0 $0x1;
	_ =	shalt  }
.Lfunc_end2:
_tile_overlayer_lowered:
.L_overlay_start_2:
0xb6: {  	(tag) =	ssettag $0x2  }
0xb7: {  	s0 =	rddreg [dreg:$0x0];
	s2 =	stileid.u32  }
0xb8: {  	s1 =	rddreg [dreg:$0x1];
	p0 =	sne.s32 s2, $0x0  }
0xb9: {  	s3 =	rddreg [dreg:$0x2];
	[bflag:$0x3] =	sbarrier.arrive $0xFFFF;
	s2 =	simm.s32 @!p0 $0x1C02  }
0xba: {  	[timem:s3], [sflag:s2] =	dma.local @!p0 [hbm:s0], s1  }
0xbb: {  	s0 =	simm.s32 @!p0 $0x2  }
0xbc: {  	_ =	swait.ge @!p0 [sflag:s0], s1  }
0xbd: {  	s1 =	ssub.s32 @!p0 $0x0, s1;
	[sflag:s0] =	ssyncset.done @!p0 $0x0  }
0xbe: {  	[sflag:s0] =	ssyncadd.s32 @!p0 s1  }
0xbf: {  	[bflag:$0x3] =	sbarrier.arrive $0xFFFF  }
0xc0: {  	_ =	shalt  }

// kernel: msg_scatter_sc.3.cloned.1.call-start
scs
__scs_entry_jumppad:
0x0: {  	(pc) =	sbr.rel $0x88, $3  }
0x1: {  	(tag) =	ssettag $0x0;
	lr =	simm.s32 $0x1  }
0x2: {  	[smem:$0x3F94] =	sst lr;
	_ =	strace $0xD0000000  }
0x3: {  	_ = 	snop  }
0x4: {  	_ = 	snop  }
0x5: {  	_ = 	snop  }
0x6: {  	_ = 	snop  }
0x7: {  	_ = 	snop  }
__scs_overlays_trampoline_lowered:
0x8: {  	[smem:$0x3FA3] =	sst s0  }
0x9: {  	[smem:$0x3FA4] =	sst s1  }
0xa: {  	[smem:$0x3FA5] =	sst s2  }
0xb: {  	[smem:$0x3FA6] =	sst s3  }
0xc: {  	[smem:$0x3FA7] =	sst s4  }
0xd: {  	[smem:$0x3FA8] =	sst s5  }
0xe: {  	[smem:$0x3FA9] =	sst s6  }
0xf: {  	[smem:$0x3FAA] =	sst s7  }
0x10: {  	[smem:$0x3FAB] =	sst s8  }
0x11: {  	[smem:$0x3FAC] =	sst s9;
	s0 =	simm.s32 @!p0 $0x0  }
0x12: {  	s1 =	sld [smem:$0x3F92];
	s0 =	simm.s32 @p0 $0x1  }
0x13: {  	[smem:$0x3FAD] =	sst s0;
	s0 =	simm.s32 @!p1 $0x0  }
0x14: {  	s2 =	sld [smem:$0x3F91];
	s0 =	simm.s32 @p1 $0x1  }
0x15: {  	[smem:$0x3FAE] =	sst s0;
	s0 =	simm.s32 @!p2 $0x0  }
0x16: {  	s3 =	sld [smem:$0x3FDB];
	s0 =	simm.s32 @p2 $0x1  }
0x17: {  	s4 =	simm.s32 $0x1BF5;
	[smem:$0x3FB0] =	sst s0  }
0x18: {  	s0 =	sld [smem:$0x3F93];
	_ =	swait.ge [sflag:s4], $0x0  }
0x19: {  	s7 =	sld [smem:$0x3F94]  }
0x1a: {  	s8 =	sadd.s32 $0xFFFFE003, lr  }
0x1b: {  	s9 =	sadd.s32 $0xFFFFFEF7, lr;
	s5 =	simm.s32 $0xFFFFFFFF;
	p2 =	slt.u32 s8, $0xFFFFF086  }
0x1c: {  	p1 =	slt.u32 s9, $0xF7A;
	s5 =	simm.s32 @!p2 $0x0  }
0x1d: {  	s5 =	simm.s32 @p1 $0x1;
	p0 =	seq.s32 s7, s2  }
0x1e: {  	s7 =	smul.u32 @!p0 $0xF7A, s2;
	p2 =	seq.s32 @!p0 s5, $0x0  }
0x1f: {  	s9 =	smul.u32 $0xF7A, s1;
	s8 =	simm.s32 @!p0 $0x1BF5;
	p2 =	por !p2, p0  }
0x20: {  	[sflag:s8] =	ssyncset.s32 @!p0 $0xFFFFF086;
	s6 =	sadd.s32 @!p0 s3, s7;
	s7 =	simm.s32 @!p0 $0x108  }
0x21: {  	s3 =	sadd.s32 s3, s9;
	s6 =	sadd.s32 @!p0 $0x88, s6;
	s7 =	simm.s32 @p2 $0x1082  }
0x22: {  	[simem:s7], [sflag:s8] =	dma.local @!p0 [hbm:s6], $0xF7A  }
0x23: {  	s9 =	sor.u32 $0xD0000000, s2;
	s6 =	simm.s32 $0x108;
	_ =	swait.ge @!p0 [sflag:s8], $0x0  }
0x24: {  	s3 =	sadd.s32 $0x88, s3;
	s6 =	simm.s32 @!p1 $0x1082;
	[sflag:s4] =	ssyncset.s32 $0xFFFFF086  }
0x25: {  	[simem:s6], [sflag:s4] =	dma.local [hbm:s3], $0xF7A  }
0x26: {  	[smem:$0x3F94] =	sst s1;
	(tag) =	ssettag s2;
	_ =	strace s9  }
0x27: {  	s1 =	sld [smem:$0x3FA4]  }
0x28: {  	s2 =	sld [smem:$0x3FA5]  }
0x29: {  	s4 =	sld [smem:$0x3FA7]  }
0x2a: {  	p0 =	seq.s32 s5, $0x0;
	s5 =	sld [smem:$0x3FA8]  }
0x2b: {  	s6 =	sld [smem:$0x3FA9]  }
0x2c: {  	s7 =	sld [smem:$0x3FAA]  }
0x2d: {  	s3 =	simm.s32 $0x108;
	s8 =	sld [smem:$0x3FAB]  }
0x2e: {  	s3 =	simm.s32 @!p0 $0x1082;
	s9 =	sld [smem:$0x3FAC]  }
0x2f: {  	lr =	sadd.s32 s0, s3;
	s0 =	sld [smem:$0x3FA3]  }
0x30: {  	s3 =	sld [smem:$0x3FA6]  }
0x31: {  	[smem:$0x3FAF] =	sst s10  }
0x32: {  	s10 =	sld [smem:$0x3FAD];
	_ =	sdelay $0x3  }
0x33: {  	p0 =	seq.s32 s10, $0x1;
	s10 =	sld [smem:$0x3FAF];
	_ =	sdelay $0x3  }
0x34: {  	[smem:$0x3FAF] =	sst s10  }
0x35: {  	s10 =	sld [smem:$0x3FAE];
	_ =	sdelay $0x3  }
0x36: {  	p1 =	seq.s32 s10, $0x1;
	s10 =	sld [smem:$0x3FAF];
	_ =	sdelay $0x3  }
0x37: {  	[smem:$0x3FAF] =	sst s10  }
0x38: {  	s10 =	sld [smem:$0x3FB0]  }
0x39: {  	_ = 	snop;
	(pc) =	sbr.ind lr, $3  }
0x3a: {  	_ = 	snop  }
0x3b: {  	_ = 	snop  }
0x3c: {  	p2 =	seq.s32 s10, $0x1;
	s10 =	sld [smem:$0x3FAF]  }
0x3d: {  	_ =	shalt  }
0x3e: {  	_ =	shalt  }
0x3f: {  	_ =	shalt  }
0x40: {  	_ =	shalt  }
0x41: {  	_ =	shalt  }
0x42: {  	_ =	shalt  }
0x43: {  	_ =	shalt  }
0x44: {  	_ =	shalt  }
0x45: {  	_ =	shalt  }
0x46: {  	_ =	shalt  }
0x47: {  	_ =	shalt  }
0x48: {  	_ =	shalt  }
0x49: {  	_ =	shalt  }
0x4a: {  	_ =	shalt  }
0x4b: {  	_ =	shalt  }
0x4c: {  	_ =	shalt  }
0x4d: {  	_ =	shalt  }
0x4e: {  	_ =	shalt  }
0x4f: {  	_ =	shalt  }
0x50: {  	_ =	shalt  }
0x51: {  	_ =	shalt  }
0x52: {  	_ =	shalt  }
0x53: {  	_ =	shalt  }
0x54: {  	_ =	shalt  }
0x55: {  	_ =	shalt  }
0x56: {  	_ =	shalt  }
0x57: {  	_ =	shalt  }
0x58: {  	_ =	shalt  }
0x59: {  	_ =	shalt  }
0x5a: {  	_ =	shalt  }
0x5b: {  	_ =	shalt  }
0x5c: {  	_ =	shalt  }
0x5d: {  	_ =	shalt  }
0x5e: {  	_ =	shalt  }
0x5f: {  	_ =	shalt  }
0x60: {  	_ =	shalt  }
0x61: {  	_ =	shalt  }
0x62: {  	_ =	shalt  }
0x63: {  	_ =	shalt  }
0x64: {  	_ =	shalt  }
0x65: {  	_ =	shalt  }
0x66: {  	_ =	shalt  }
0x67: {  	_ =	shalt  }
0x68: {  	_ =	shalt  }
0x69: {  	_ =	shalt  }
0x6a: {  	_ =	shalt  }
0x6b: {  	_ =	shalt  }
0x6c: {  	_ =	shalt  }
0x6d: {  	_ =	shalt  }
0x6e: {  	_ =	shalt  }
0x6f: {  	_ =	shalt  }
0x70: {  	_ =	shalt  }
0x71: {  	_ =	shalt  }
0x72: {  	_ =	shalt  }
0x73: {  	_ =	shalt  }
0x74: {  	_ =	shalt  }
0x75: {  	_ =	shalt  }
0x76: {  	_ =	shalt  }
0x77: {  	_ =	shalt  }
0x78: {  	_ =	shalt  }
0x79: {  	_ =	shalt  }
0x7a: {  	_ =	shalt  }
0x7b: {  	_ =	shalt  }
0x7c: {  	_ =	shalt  }
0x7d: {  	_ =	shalt  }
0x7e: {  	_ =	shalt  }
0x7f: {  	_ =	shalt  }
0x80: {  	_ =	shalt  }
0x81: {  	_ =	shalt  }
0x82: {  	_ =	shalt  }
0x83: {  	_ =	shalt  }
0x84: {  	_ =	shalt  }
0x85: {  	_ =	shalt  }
0x86: {  	_ =	shalt  }
0x87: {  	_ =	shalt  }
.Lfunc_end0:
.L_simem_size_0:
called_computation.1_lowered:
.L_overlay_start_0:
0x88: {  	s2 =	sld [smem:$0x3FD9]  }
0x89: {  	s3 =	sld [smem:$0x3FFE];
	_ =	sdelay $0x1  }
0x8a: {  	s1 =	srdreg.scid  }
0x8b: {  	s0 =	sand.u32 $0x1, s1  }
0x8c: {  	s11 =	sshll.u32 s0, $0xA;
	s2 =	sadd.s32 s3, s2  }
0x8d: {  	s2 =	sadd.s32 s2, s11  }
0x8e: {  	[smem:$0x3FBB] =	sst s2  }
0x8f: {  	_ = 	snop  }
0x90: {  	(tm) =	ssettm $0x1  }
0x91: {  	s12 =	sld [smem:$0x3FFB];
	_ =	sdelay $0x3  }
0x92: {  	_ =	strace s12  }
0x93: {  	s2 =	sld [smem:$0x3FFC];
	_ =	sdelay $0x3  }
0x94: {  	_ =	strace s2  }
0x95: {  	s2 =	sld [smem:$0x3FFD];
	_ =	sdelay $0x3  }
0x96: {  	_ =	strace s2  }
0x97: {  	_ =	strace $0x8FFFFFFF  }
0x98: {  	s13 =	sld [smem:$0x3FDB];
	_ =	sdelay $0x1  }
0x99: {  	s14 =	simm.s32 $_scs_section_size  }
0x9a: {  	s4 =	simm.s32 $_size__tile_task_arg_handler_lowered;
	s5 =	simm.s32 $_tile_task_arg_handler_lowered  }
0x9b: {  	s17 =	simm.s32 $0x1BFF;
	s16 =	sshll.u32 s5, $0x1;
	s3 =	sadd.s32 s14, s13  }
0x9c: {  	s6 =	simm.s32 $0x60;
	s15 =	sshll.u32 s4, $0x1;
	s4 =	sadd.s32 s16, s3  }
0x9d: {  	[timem:s6], [sflag:s17] =	dma.local [hbm:s4], s15  }
0x9e: {  	_ =	swait.ge [sflag:s17], s15  }
0x9f: {  	s18 =	simm.s32 $_tile_overlayer_lowered;
	s2 =	ssub.s32 $0x0, s15;
	[sflag:s17] =	ssyncset.done $0x0  }
0xa0: {  	s19 =	simm.s32 $_size__tile_overlayer_lowered;
	s4 =	sshll.u32 s18, $0x1;
	[sflag:s17] =	ssyncadd.s32 s2  }
0xa1: {  	s21 =	simm.s32 $0x0;
	s20 =	sshll.u32 s19, $0x1;
	s4 =	sadd.s32 s4, s3  }
0xa2: {  	[timem:s21], [sflag:s17] =	dma.local [hbm:s4], s20  }
0xa3: {  	_ =	swait.ge [sflag:s17], s20  }
0xa4: {  	s22 =	ssub.s32 $0x0, s20;
	[sflag:s17] =	ssyncset.done $0x0  }
0xa5: {  	[sflag:s17] =	ssyncadd.s32 s22;
	_ =	sdelay $0x1  }
0xa6: {  	s23 =	simm.s32 $0x1B8B  }
0xa7: {  	_ =	swait.ge [sflag:s23], $0x1  }
0xa8: {  	[sflag:s23] =	ssyncset.done $0x0  }
0xa9: {  	s25 =	simm.s32 $0x1B8E;
	s24 =	sld [smem:$0x3FFE];
	[sflag:s23] =	ssyncadd.s32 $0xFFFFFFFF  }
0xaa: {  	s26 =	simm.s32 $execute0_lowered;
	[smem:$0x3FD2] =	sst s25  }
0xab: {  	s5 =	sshll.u32 s26, $0x1;
	_ =	strace $0x80000049;
	[dreg:$0x1] =	wrdreg $0xFFFFFFFF  }
0xac: {  	s28 =	simm.s32 $_size_execute0_lowered;
	s3 =	sadd.s32 s3, s5;
	[dreg:$0x0] =	wrdreg $0x0  }
0xad: {  	s5 =	sshll.u32 s28, $0x1;
	[dreg:$0x2] =	wrdreg s3  }
0xae: {  	[dreg:$0x3] =	wrdreg s5  }
0xaf: {  	[dreg:$0x4] =	wrdreg $0xC0  }
0xb0: {  	_ =	task [dreg:s21], $0x5FFFF  }
0xb1: {  	[dreg:$0x1] =	wrdreg $0xFFFFFFFF  }
0xb2: {  	[dreg:$0x0] =	wrdreg $0x30  }
0xb3: {  	[dreg:$0x2] =	wrdreg $0x0  }
0xb4: {  	[dreg:$0x3] =	wrdreg $0x17F800  }
0xb5: {  	[dreg:$0x4] =	wrdreg $0xD4000  }
0xb6: {  	[dreg:$0x5] =	wrdreg $0x198000  }
0xb7: {  	[dreg:$0x6] =	wrdreg $0x9  }
0xb8: {  	_ =	task [dreg:s21], $0x7FFFF  }
0xb9: {  	[dreg:$0x1] =	wrdreg $0xFFFFFFFF  }
0xba: {  	[dreg:$0x0] =	wrdreg $0x60  }
0xbb: {  	[dreg:$0x2] =	wrdreg s24  }
0xbc: {  	[dreg:$0x3] =	wrdreg $0x28800  }
0xbd: {  	[dreg:$0x4] =	wrdreg $0xEC800  }
0xbe: {  	[dreg:$0x5] =	wrdreg $0x41000  }
0xbf: {  	[dreg:$0x6] =	wrdreg $0x105000  }
0xc0: {  	[dreg:$0x7] =	wrdreg $0x59800  }
0xc1: {  	[dreg:$0x8] =	wrdreg $0x11D800  }
0xc2: {  	[dreg:$0x9] =	wrdreg $0x72000  }
0xc3: {  	[dreg:$0xa] =	wrdreg $0x136000  }
0xc4: {  	[dreg:$0xb] =	wrdreg $0x8A800  }
0xc5: {  	[dreg:$0xc] =	wrdreg $0x14E800  }
0xc6: {  	[dreg:$0xd] =	wrdreg $0xA3000  }
0xc7: {  	[dreg:$0xe] =	wrdreg $0x167000  }
0xc8: {  	[dreg:$0xf] =	wrdreg $0xBB800  }
0xc9: {  	_ =	task.clear_ibuf [dreg:s21], $0x10FFFF;
	_ =	strace $0x90000049  }
0xca: {  	s29 =	simm.s32 $0x9;
	_ =	strace $0x8000004B  }
0xcb: {  	_ =	swait.ge [sflag:s29], $0x1  }
0xcc: {  	[sflag:s29] =	ssyncadd.s32 $0xFFFFFFFF  }
0xcd: {  	_ =	strace $0x9000004B  }
0xce: {  	_ =	sfence  }
0xcf: {  	s30 =	sld [smem:$0x0];
	_ =	sdelay $0x2  }
0xd0: {  	s31 =	sshll.u32 s1, $0xD;
	s1 =	sshrl.u32 s1, $0x2  }
0xd1: {  	s4 =	sand.u32 $0x4000, s31;
	s1 =	sadd.s32 s1, s30  }
0xd2: {  	s0 =	sor.u32 s4, s0;
	s1 =	sshll.u32 s1, $0x11  }
0xd3: {  	s0 =	sor.u32 s1, s0  }
0xd4: {  	s0 =	sadd.s32 $0x8F2B, s0  }
0xd5: {  	[sflag:s0] =	ssyncadd.remote.s32 $0x1  }
0xd6: {  	_ =	sfence.sel $0xFFFF  }
0xd7: {  	[dreg:$0x0] =	wrdreg $0xFFFFFFFF;
	(pc) =	sbr.abs _section_cstart, $3  }
0xd8: {  	[dreg:$0x1] =	wrdreg $0xFFFFFFFF  }
0xd9: {  	_ =	task.clear_ibuf [dreg:s21], $0x2FFFF;
	_ =	strace $0x9FFFFFFF  }
0xda: {  	(tm) =	ssettm $0x7FFFFFFF  }
0xdb: {  	_ =	shalt  }
tec
_tile_task_arg_handler_lowered:
.L_overlay_start_1:
0x0: {  	(tag) =	ssettag $0x1  }
0x1: {  	s0 =	rddreg [dreg:$0x0]  }
0x2: {  	s1 =	rddreg [dreg:$0x1]  }
0x3: {  	s2 =	rddreg [dreg:$0x2]  }
0x4: {  	s3 =	rddreg [dreg:$0x3]  }
0x5: {  	s4 =	rddreg [dreg:$0x4]  }
0x6: {  	s5 =	rddreg [dreg:$0x5]  }
0x7: {  	s6 =	rddreg [dreg:$0x6]  }
0x8: {  	s7 =	rddreg [dreg:$0x7]  }
0x9: {  	s8 =	rddreg [dreg:$0x8]  }
0xa: {  	s9 =	rddreg [dreg:$0x9]  }
0xb: {  	s10 =	rddreg [dreg:$0xa]  }
0xc: {  	s11 =	rddreg [dreg:$0xb]  }
0xd: {  	s12 =	rddreg [dreg:$0xc]  }
0xe: {  	s13 =	rddreg [dreg:$0xd]  }
0xf: {  	[smem:s0] =	sst s1  }
0x10: {  	[smem:s0+$0x1] =	sst s2  }
0x11: {  	[smem:s0+$0x2] =	sst s3  }
0x12: {  	[smem:s0+$0x3] =	sst s4  }
0x13: {  	[smem:s0+$0x4] =	sst s5  }
0x14: {  	[smem:s0+$0x5] =	sst s6  }
0x15: {  	[smem:s0+$0x6] =	sst s7  }
0x16: {  	[smem:s0+$0x7] =	sst s8  }
0x17: {  	[smem:s0+$0x8] =	sst s9  }
0x18: {  	[smem:s0+$0x9] =	sst s10  }
0x19: {  	[smem:s0+$0xA] =	sst s11  }
0x1a: {  	[smem:s0+$0xB] =	sst s12  }
0x1b: {  	[smem:s0+$0xC] =	sst s13;
	_ =	shalt  }
.Lfunc_end2:
execute0_lowered:
.L_overlay_start_2:
0x1c: {  	(tag) =	ssettag $0x2  }
0x1d: {  	s13 =	rddreg [dreg:$0x0]  }
0x1e: {  	s0 =	rddreg [dreg:$0x1]  }
0x1f: {  	s1 =	rddreg [dreg:$0x2]  }
0x20: {  	s2 =	rddreg [dreg:$0x3]  }
0x21: {  	s3 =	rddreg [dreg:$0x4]  }
0x22: {  	s4 =	rddreg [dreg:$0x5]  }
0x23: {  	s5 =	rddreg [dreg:$0x6]  }
0x24: {  	s6 =	rddreg [dreg:$0x7]  }
0x25: {  	s7 =	rddreg [dreg:$0x8]  }
0x26: {  	s8 =	rddreg [dreg:$0x9]  }
0x27: {  	s9 =	rddreg [dreg:$0xa]  }
0x28: {  	s10 =	rddreg [dreg:$0xb]  }
0x29: {  	s11 =	rddreg [dreg:$0xc]  }
0x2a: {  	s12 =	rddreg [dreg:$0xd];
	s30 =	simm.s32 $0x0  }
0x2b: {  	[smem:$0x7FF] =	sst s30  }
0x2c: {  	s22 =	stileid.u32;
	s15 =	sld [smem:$0x0]  }
0x2d: {  	s14 =	srdreg.scid;
	s19 =	sld [smem:$0x3]  }
0x2e: {  	s16 =	smul.u32 $0xC400, s22;
	s14 =	sand.u32 $0x1, s14;
	s17 =	sld [smem:$0x1]  }
0x2f: {  	s23 =	sadd.s32 $0x64000, s13;
	s18 =	sld [smem:$0x2];
	s25 =	smul.u32 $0xC4000, s14  }
0x30: {  	s26 =	sadd.s32 $0x33000, s13;
	s20 =	ssub.s32 $0x2, s14;
	[dreg:$0xf] =	wrdreg s19  }
0x31: {  	s19 =	sadd.s32 s16, s25;
	_ =	strace $0x8000004A;
	[dreg:$0x10] =	wrdreg s23  }
0x32: {  	s16 =	sshrl.u32 s16, $0x3;
	[dreg:$0x11] =	wrdreg s26;
	s19 =	sshrl.u32 s19, $0x3  }
0x33: {  	s16 =	sadd.s32 s16, s13;
	s19 =	sadd.s32 s19, s13;
	s13 =	sadd.s32 $0x2000, s13  }
0x34: {  	s14 =	sshll.u32 s14, $0x4;
	s23 =	sadd.s32 $0x95000, s16;
	[dreg:$0x12] =	wrdreg s13  }
0x35: {  	s21 =	sshrl.u32 s20, $0x1;
	s24 =	sadd.s32 $0x95010, s16;
	[dreg:$0x14] =	wrdreg s23  }
0x36: {  	s20 =	ssub.s32 s20, s21;
	s25 =	sadd.s32 $0x95020, s16;
	[dreg:$0x15] =	wrdreg s24  }
0x37: {  	s21 =	sshll.u32 s22, $0x6;
	s26 =	sadd.s32 $0x95030, s16;
	[dreg:$0x16] =	wrdreg s25  }
0x38: {  	s13 =	sor.u32 s22, s14;
	s14 =	sor.u32 $0x1C03, s21;
	[dreg:$0x17] =	wrdreg s26  }
0x39: {  	s23 =	sadd.s32 $0x95050, s16;
	[dreg:$0x13] =	wrdreg s14  }
0x3a: {  	s24 =	sadd.s32 $0x95060, s16;
	[dreg:$0x19] =	wrdreg s23  }
0x3b: {  	s14 =	smul.u32 $0x1880, s22;
	s22 =	sadd.s32 $0x95040, s16;
	[dreg:$0x1a] =	wrdreg s24  }
0x3c: {  	s16 =	sadd.s32 $0x95070, s16;
	s13 =	smul.u32 $0x31, s13;
	[dreg:$0x18] =	wrdreg s22  }
0x3d: {  	[dreg:$0x1b] =	wrdreg s16  }
0x3e: {  	s16 =	sadd.s32 s14, s0;
	s25 =	sadd.s32 s14, s1;
	[smem:$0x7EC] =	sst s13  }
0x3f: {  	s21 =	sadd.s32 s14, s2;
	s22 =	sadd.s32 s14, s3;
	[dreg:$0x1c] =	wrdreg s25  }
0x40: {  	s26 =	sadd.s32 s14, s5;
	s23 =	sadd.s32 s14, s6;
	[dreg:$0x1d] =	wrdreg s22  }
0x41: {  	s24 =	sadd.s32 s14, s7;
	s28 =	sadd.s32 s14, s15;
	[dreg:$0x1e] =	wrdreg s26  }
0x42: {  	s22 =	sadd.s32 s14, s4;
	[dreg:$0x1f] =	wrdreg s24;
	s24 =	sadd.s32 s14, s8  }
0x43: {  	s25 =	sadd.s32 s14, s9;
	s26 =	sadd.s32 s14, s11;
	[smem:$0x7EA] =	sst s28  }
0x44: {  	s28 =	sadd.s32 s14, s17;
	[smem:$0x7E8] =	sst s25;
	s25 =	sadd.s32 s14, s10  }
0x45: {  	[smem:$0x7E9] =	sst s26;
	s26 =	sadd.s32 s14, s12;
	s14 =	sadd.s32 s14, s18  }
0x46: {  	[smem:$0x7EB] =	sst s14;
	s14 =	sadd.s32 $0xAD800, s19  }
0x47: {  	[smem:$0x7ED] =	sst s14;
	s14 =	sadd.s32 $0xAD810, s19  }
0x48: {  	[smem:$0x7EE] =	sst s14;
	s14 =	sadd.s32 $0xAD820, s19  }
0x49: {  	[smem:$0x7EF] =	sst s14;
	s14 =	sadd.s32 $0xAD830, s19  }
0x4a: {  	[smem:$0x7F0] =	sst s14;
	s14 =	sadd.s32 $0xAD840, s19  }
0x4b: {  	[smem:$0x7F1] =	sst s14;
	s14 =	sadd.s32 $0xAD850, s19  }
0x4c: {  	[smem:$0x7F2] =	sst s14;
	s14 =	sadd.s32 $0xAD860, s19  }
0x4d: {  	s19 =	sadd.s32 $0xAD870, s19;
	[smem:$0x7F3] =	sst s14  }
0x4e: {  	[smem:$0x7F4] =	sst s19;
	s14 =	smax.u32 s20, $0x1  }
0x4f: {  	s19 =	sshrl.u32 s16, $0x3;
	[smem:$0x7F5] =	sst s14  }
0x50: {  	s20 =	sshrl.u32 s21, $0x3;
	[smem:$0x7F6] =	sst s19  }
0x51: {  	s21 =	sshrl.u32 s22, $0x3;
	[smem:$0x7F7] =	sst s20  }
0x52: {  	s22 =	sshrl.u32 s23, $0x3;
	[smem:$0x7F8] =	sst s21  }
0x53: {  	s23 =	sshrl.u32 s24, $0x3;
	[smem:$0x7F9] =	sst s22  }
0x54: {  	s31 =	simm.s32 $0x1;
	s24 =	sshrl.u32 s25, $0x3;
	[smem:$0x7FA] =	sst s23  }
0x55: {  	s29 =	simm.s32 $0xC80;
	s25 =	sshrl.u32 s26, $0x3;
	[smem:$0x7FB] =	sst s24  }
0x56: {  	s13 =	simm.s32 $0x80;
	s26 =	sshrl.u32 s28, $0x3;
	[smem:$0x7FC] =	sst s25  }
0x57: {  	s28 =	simm.s32 $0xC00;
	s16 =	simm.s32 $0xE00;
	[smem:$0x7FD] =	sst s26  }
0x58: {  	s24 =	simm.s32 $0xD00;
	s14 =	simm.s32 $0xD80;
	s22 =	simm.s32 $0xE80  }
0x59: {  	v0 =	vimm.f32 $0.0e+00;
	s25 =	simm.s32 $0xF00;
	s26 =	simm.s32 $0xF80;
	s19 =	simm.s32 $0x2  }
.LBB3_1:
0x5a: {  	[dreg:$0xe] =	wrdreg s30;
	s20 =	simm.s32 $0x40;
	s21 =	simm.s32 $0x0  }
.LBB3_2:
0x5b: {  	p0 =	sne.s32 s20, $0x61C0;
	[tilespmem:s21+$0x1000] =	vst v0;
	s21 =	smov.u32 s20;
	s20 =	sadd.s32 $0x40, s20  }
.Ltmp0:
0x5c: {  	(pc) =	sbr.rel @p0 .LBB3_2-.Ltmp0, $2  }
0x5d: {  	_ =	sdelay $0x2  }
0x5e: {  	s21 =	sshra.s32 s21, $0x2  }
0x5f: {  	s23 =	sld [smem:$0x7F6]  }
0x60: {  	s20 =	rddreg [dreg:$0x13]  }
0x61: {  	[tilespmem:s21+$0x1000] =	vst v0;
	s21 =	rddreg [dreg:$0x14];
	s30 =	simm.s32 $0x10  }
0x62: {  	[spmem:s23@s30], [sflag:s20] =	dma.strided [hbm:s21@s13], $0x310, s31, $0x10   }
0x63: {  	s20 =	simm.s32 $0x3  }
0x64: {  	_ =	swait.ge [sflag:s20], $0x310  }
0x65: {  	[sflag:s20] =	ssyncset.done $0x0  }
0x66: {  	s30 =	simm.s32 $0x1000;
	s23 =	rddreg [dreg:$0x1c];
	[sflag:s20] =	ssyncadd.s32 $0xFFFFFCF0  }
0x67: {  	[spmem:s23] =	stream.linear.scatter [tilespmem:s30], [sflag:$0x3], $0x1880, $0x38;
	[tilespmem:$0x1B080] =	vst v63  }
0x68: {  	_ =	swait.ge [sflag:s20], $0x1880  }
0x69: {  	s23 =	sld [smem:$0x7F7]  }
0x6a: {  	[sflag:s20] =	ssyncset.done $0x0;
	s21 =	rddreg [dreg:$0x15]  }
0x6b: {  	s30 =	rddreg [dreg:$0x13];
	[sflag:s20] =	ssyncadd.s32 $0xFFFFE780;
	s20 =	simm.s32 $0x10  }
0x6c: {  	[spmem:s23@s20], [sflag:s30] =	dma.strided [hbm:s21@s13], $0x310, s31, $0x10   }
0x6d: {  	s20 =	simm.s32 $0x3  }
0x6e: {  	_ =	swait.ge [sflag:s20], $0x310  }
0x6f: {  	[sflag:s20] =	ssyncset.done $0x0  }
0x70: {  	s30 =	simm.s32 $0x1000;
	s23 =	rddreg [dreg:$0x1d];
	[sflag:s20] =	ssyncadd.s32 $0xFFFFFCF0  }
0x71: {  	[spmem:s23] =	stream.linear.scatter [tilespmem:s30], [sflag:$0x3], $0x1880, $0x38;
	[tilespmem:$0x1B080] =	vst v63  }
0x72: {  	_ =	swait.ge [sflag:s20], $0x1880  }
0x73: {  	s23 =	sld [smem:$0x7F8]  }
0x74: {  	[sflag:s20] =	ssyncset.done $0x0;
	s21 =	rddreg [dreg:$0x16]  }
0x75: {  	s30 =	rddreg [dreg:$0x13];
	[sflag:s20] =	ssyncadd.s32 $0xFFFFE780;
	s20 =	simm.s32 $0x10  }
0x76: {  	[spmem:s23@s20], [sflag:s30] =	dma.strided [hbm:s21@s13], $0x310, s31, $0x10   }
0x77: {  	s20 =	simm.s32 $0x3  }
0x78: {  	_ =	swait.ge [sflag:s20], $0x310  }
0x79: {  	[sflag:s20] =	ssyncset.done $0x0  }
0x7a: {  	s30 =	simm.s32 $0x1000;
	s23 =	rddreg [dreg:$0x1e];
	[sflag:s20] =	ssyncadd.s32 $0xFFFFFCF0  }
0x7b: {  	[spmem:s23] =	stream.linear.scatter [tilespmem:s30], [sflag:$0x3], $0x1880, $0x38;
	[tilespmem:$0x1B080] =	vst v63  }
0x7c: {  	_ =	swait.ge [sflag:s20], $0x1880  }
0x7d: {  	s23 =	sld [smem:$0x7F9]  }
0x7e: {  	[sflag:s20] =	ssyncset.done $0x0;
	s21 =	rddreg [dreg:$0x17]  }
0x7f: {  	s30 =	rddreg [dreg:$0x13];
	[sflag:s20] =	ssyncadd.s32 $0xFFFFE780;
	s20 =	simm.s32 $0x10  }
0x80: {  	[spmem:s23@s20], [sflag:s30] =	dma.strided [hbm:s21@s13], $0x310, s31, $0x10   }
0x81: {  	s20 =	simm.s32 $0x3  }
0x82: {  	_ =	swait.ge [sflag:s20], $0x310  }
0x83: {  	[sflag:s20] =	ssyncset.done $0x0  }
0x84: {  	s30 =	simm.s32 $0x1000;
	s23 =	rddreg [dreg:$0x1f];
	[sflag:s20] =	ssyncadd.s32 $0xFFFFFCF0  }
0x85: {  	[spmem:s23] =	stream.linear.scatter [tilespmem:s30], [sflag:$0x3], $0x1880, $0x38;
	[tilespmem:$0x1B080] =	vst v63  }
0x86: {  	_ =	swait.ge [sflag:s20], $0x1880  }
0x87: {  	s23 =	sld [smem:$0x7FA]  }
0x88: {  	[sflag:s20] =	ssyncset.done $0x0;
	s21 =	rddreg [dreg:$0x18]  }
0x89: {  	s30 =	simm.s32 $0x10;
	[sflag:s20] =	ssyncadd.s32 $0xFFFFE780;
	s20 =	rddreg [dreg:$0x13]  }
0x8a: {  	[spmem:s23@s30], [sflag:s20] =	dma.strided [hbm:s21@s13], $0x310, s31, $0x10   }
0x8b: {  	s20 =	simm.s32 $0x3  }
0x8c: {  	_ =	swait.ge [sflag:s20], $0x310  }
0x8d: {  	s23 =	sld [smem:$0x7E8]  }
0x8e: {  	[sflag:s20] =	ssyncset.done $0x0  }
0x8f: {  	s30 =	simm.s32 $0x1000;
	[sflag:s20] =	ssyncadd.s32 $0xFFFFFCF0  }
0x90: {  	[spmem:s23] =	stream.linear.scatter [tilespmem:s30], [sflag:$0x3], $0x1880, $0x38;
	[tilespmem:$0x1B080] =	vst v63  }
0x91: {  	_ =	swait.ge [sflag:s20], $0x1880  }
0x92: {  	s23 =	sld [smem:$0x7FB]  }
0x93: {  	[sflag:s20] =	ssyncset.done $0x0;
	s21 =	rddreg [dreg:$0x19]  }
0x94: {  	s30 =	rddreg [dreg:$0x13];
	[sflag:s20] =	ssyncadd.s32 $0xFFFFE780;
	s20 =	simm.s32 $0x10  }
0x95: {  	[spmem:s23@s20], [sflag:s30] =	dma.strided [hbm:s21@s13], $0x310, s31, $0x10   }
0x96: {  	s20 =	simm.s32 $0x3  }
0x97: {  	_ =	swait.ge [sflag:s20], $0x310  }
0x98: {  	s23 =	sld [smem:$0x7E9]  }
0x99: {  	[sflag:s20] =	ssyncset.done $0x0  }
0x9a: {  	s30 =	simm.s32 $0x1000;
	[sflag:s20] =	ssyncadd.s32 $0xFFFFFCF0  }
0x9b: {  	[spmem:s23] =	stream.linear.scatter [tilespmem:s30], [sflag:$0x3], $0x1880, $0x38;
	[tilespmem:$0x1B080] =	vst v63  }
0x9c: {  	_ =	swait.ge [sflag:s20], $0x1880  }
0x9d: {  	s23 =	sld [smem:$0x7FC]  }
0x9e: {  	[sflag:s20] =	ssyncset.done $0x0;
	s21 =	rddreg [dreg:$0x1a]  }
0x9f: {  	s30 =	rddreg [dreg:$0x13];
	[sflag:s20] =	ssyncadd.s32 $0xFFFFE780;
	s20 =	simm.s32 $0x10  }
0xa0: {  	[spmem:s23@s20], [sflag:s30] =	dma.strided [hbm:s21@s13], $0x310, s31, $0x10   }
0xa1: {  	s20 =	simm.s32 $0x3  }
0xa2: {  	_ =	swait.ge [sflag:s20], $0x310  }
0xa3: {  	s23 =	sld [smem:$0x7EA]  }
0xa4: {  	[sflag:s20] =	ssyncset.done $0x0  }
0xa5: {  	s30 =	simm.s32 $0x1000;
	[sflag:s20] =	ssyncadd.s32 $0xFFFFFCF0  }
0xa6: {  	[spmem:s23] =	stream.linear.scatter [tilespmem:s30], [sflag:$0x3], $0x1880, $0x38;
	[tilespmem:$0x1B080] =	vst v63  }
0xa7: {  	_ =	swait.ge [sflag:s20], $0x1880  }
0xa8: {  	s23 =	sld [smem:$0x7FD]  }
0xa9: {  	[sflag:s20] =	ssyncset.done $0x0;
	s21 =	rddreg [dreg:$0x1b]  }
0xaa: {  	s30 =	simm.s32 $0x10;
	[sflag:s20] =	ssyncadd.s32 $0xFFFFE780;
	s20 =	rddreg [dreg:$0x13]  }
0xab: {  	[spmem:s23@s30], [sflag:s20] =	dma.strided [hbm:s21@s13], $0x310, s31, $0x10   }
0xac: {  	s21 =	simm.s32 $0x3  }
0xad: {  	_ =	swait.ge [sflag:s21], $0x310  }
0xae: {  	s23 =	sld [smem:$0x7EB]  }
0xaf: {  	[sflag:s21] =	ssyncset.done $0x0  }
0xb0: {  	s30 =	simm.s32 $0x1000;
	[sflag:s21] =	ssyncadd.s32 $0xFFFFFCF0  }
0xb1: {  	[spmem:s23] =	stream.linear.scatter [tilespmem:s30], [sflag:$0x3], $0x1880, $0x38;
	[tilespmem:$0x1B080] =	vst v63  }
0xb2: {  	_ =	swait.ge [sflag:s21], $0x1880  }
0xb3: {  	[sflag:s21] =	ssyncset.done $0x0  }
0xb4: {  	[sflag:s21] =	ssyncadd.s32 $0xFFFFE780  }
0xb5: {  	s21 =	simm.s32 $0x0;
	[bflag:$0x0] =	sbarrier.arrive $0xFFFF  }
.LBB3_4:
0xb6: {  	s20 =	sld [smem:$0x7EC];
	_ =	sdelay $0x2  }
0xb7: {  	[smem:$0x7E6] =	sst s21;
	s20 =	sadd.s32 s20, s21  }
0xb8: {  	s23 =	rddreg [dreg:$0x10];
	s30 =	simm.s32 $0x3;
	s20 =	sshll.u32 s20, $0x7  }
0xb9: {  	s21 =	simm.s32 $0x0;
	[smem:$0x7E7] =	sst s20;
	s23 =	sadd.s32 s23, s20  }
0xba: {  	[tilespmem:s21], [sflag:$0x3] =	stream.linear.gather [hbm4b:s23+s21], $0x400, $0x38;
	[tilespmem:$0x1B080] =	vst v63  }
0xbb: {  	_ =	swait.ge [sflag:s30], $0x400  }
0xbc: {  	[sflag:s30] =	ssyncset.done $0x0  }
0xbd: {  	s21 =	rddreg [dreg:$0x11];
	[sflag:s30] =	ssyncadd.s32 $0xFFFFFC00  }
0xbe: {  	s23 =	sadd.s32 s21, s20;
	s21 =	simm.s32 $0x400;
	s20 =	simm.s32 $0x0  }
0xbf: {  	[tilespmem:s21], [sflag:$0x3] =	stream.linear.gather [hbm4b:s23+s20], $0x400, $0x38;
	[tilespmem:$0x1B080] =	vst v63  }
0xc0: {  	_ =	swait.ge [sflag:s30], $0x400  }
0xc1: {  	s21 =	sld [smem:$0x7E7];
	_ =	sdelay $0x1  }
0xc2: {  	s23 =	simm.s32 $0x0;
	[sflag:s30] =	ssyncset.done $0x0;
	s20 =	rddreg [dreg:$0x12]  }
0xc3: {  	[sflag:s30] =	ssyncadd.s32 $0xFFFFFC00;
	s20 =	sadd.s32 s20, s21;
	s21 =	simm.s32 $0x800  }
0xc4: {  	[tilespmem:s21], [sflag:$0x3] =	stream.linear.gather [hbm4b:s20+s23], $0x400, $0x38;
	[tilespmem:$0x1B080] =	vst v63  }
0xc5: {  	_ =	swait.ge [sflag:s30], $0x400  }
0xc6: {  	[sflag:s30] =	ssyncset.done $0x0  }
0xc7: {  	[sflag:s30] =	ssyncadd.s32 $0xFFFFFC00;
	s30 =	simm.s32 $0x0  }
0xc8: {  	[tilespmem:s28], [sflag:$0x1] =	stream.indirect.gather [spmem:s0], $0x1, s30, s13, $0xb8;
	[tilespmem:$0x1B080] =	vst v63  }
0xc9: {  	_ = 	snop  }
0xca: {  	[tilespmem:s29], [sflag:$0x1] =	stream.indirect.gather [spmem:s2], $0x1, s30, s13, $0xb8;
	[tilespmem:$0x1B080] =	vst v63  }
0xcb: {  	_ = 	snop  }
0xcc: {  	[tilespmem:s24], [sflag:$0x1] =	stream.indirect.gather [spmem:s4], $0x1, s30, s13, $0xb8;
	[tilespmem:$0x1B080] =	vst v63  }
0xcd: {  	_ = 	snop  }
0xce: {  	[tilespmem:s14], [sflag:$0x1] =	stream.indirect.gather [spmem:s6], $0x1, s30, s13, $0xb8;
	[tilespmem:$0x1B080] =	vst v63  }
0xcf: {  	_ = 	snop  }
0xd0: {  	[tilespmem:s16], [sflag:$0x1] =	stream.indirect.gather [spmem:s8], $0x1, s30, s13, $0xb8;
	[tilespmem:$0x1B080] =	vst v63  }
0xd1: {  	_ = 	snop  }
0xd2: {  	[tilespmem:s22], [sflag:$0x1] =	stream.indirect.gather [spmem:s10], $0x1, s30, s13, $0xb8;
	[tilespmem:$0x1B080] =	vst v63  }
0xd3: {  	_ = 	snop  }
0xd4: {  	[tilespmem:s25], [sflag:$0x1] =	stream.indirect.gather [spmem:s12], $0x1, s30, s13, $0xb8;
	[tilespmem:$0x1B080] =	vst v63  }
0xd5: {  	_ = 	snop  }
0xd6: {  	[tilespmem:s26], [sflag:$0x1] =	stream.indirect.gather [spmem:s17], $0x1, s30, s13, $0xb8;
	[tilespmem:$0x1B080] =	vst v63  }
0xd7: {  	_ =	swait.ge [sflag:s31], $0x80  }
0xd8: {  	[sflag:s31] =	ssyncset.done $0x0  }
0xd9: {  	[sflag:s31] =	ssyncadd.s32 $0xFFFFFF80  }
0xda: {  	_ =	swait.ge [sflag:s31], $0x80  }
0xdb: {  	[sflag:s31] =	ssyncset.done $0x0  }
0xdc: {  	[sflag:s31] =	ssyncadd.s32 $0xFFFFFF80  }
0xdd: {  	_ =	swait.ge [sflag:s31], $0x80  }
0xde: {  	[sflag:s31] =	ssyncset.done $0x0  }
0xdf: {  	[sflag:s31] =	ssyncadd.s32 $0xFFFFFF80  }
0xe0: {  	_ =	swait.ge [sflag:s31], $0x80  }
0xe1: {  	[sflag:s31] =	ssyncset.done $0x0  }
0xe2: {  	[sflag:s31] =	ssyncadd.s32 $0xFFFFFF80  }
0xe3: {  	_ =	swait.ge [sflag:s31], $0x80  }
0xe4: {  	[sflag:s31] =	ssyncset.done $0x0  }
0xe5: {  	[sflag:s31] =	ssyncadd.s32 $0xFFFFFF80  }
0xe6: {  	_ =	swait.ge [sflag:s31], $0x80  }
0xe7: {  	[sflag:s31] =	ssyncset.done $0x0  }
0xe8: {  	[sflag:s31] =	ssyncadd.s32 $0xFFFFFF80  }
0xe9: {  	_ =	swait.ge [sflag:s31], $0x80  }
0xea: {  	[sflag:s31] =	ssyncset.done $0x0  }
0xeb: {  	[sflag:s31] =	ssyncadd.s32 $0xFFFFFF80  }
0xec: {  	_ =	swait.ge [sflag:s31], $0x80  }
0xed: {  	[sflag:s31] =	ssyncset.done $0x0  }
0xee: {  	[sflag:s31] =	ssyncadd.s32 $0xFFFFFF80  }
0xef: {  	v1 =	vld [tilespmem:$0xF00]  }
0xf0: {  	v2 =	vld [tilespmem:s30+$0x800]  }
0xf1: {  	v3 =	vld [tilespmem:$0xC80]  }
0xf2: {  	v4 =	vld [tilespmem:$0xE00]  }
0xf3: {  	v5 =	vld [tilespmem:$0xE80]  }
0xf4: {  	v6 =	vld [tilespmem:$0xF80]  }
0xf5: {  	v7 =	vld [tilespmem:$0xD80];
	v1 =	vmul.f32 v1, v2  }
0xf6: {  	v8 =	vld [tilespmem:$0xD00];
	v3 =	vmul.f32 v3, v2  }
0xf7: {  	v9 =	vld [tilespmem:$0xC00];
	v4 =	vmul.f32 v4, v2;
	[tilespmem:$0xF00] =	vst v1  }
0xf8: {  	v1 =	vmul.f32 v5, v2;
	[tilespmem:$0xC80] =	vst v3  }
0xf9: {  	v3 =	vmul.f32 v6, v2;
	[tilespmem:$0xE00] =	vst v4  }
0xfa: {  	v4 =	vmul.f32 v7, v2;
	[tilespmem:$0xE80] =	vst v1  }
0xfb: {  	v1 =	vmul.f32 v8, v2;
	[tilespmem:$0xF80] =	vst v3  }
0xfc: {  	v2 =	vmul.f32 v9, v2;
	[tilespmem:$0xD80] =	vst v4  }
0xfd: {  	[tilespmem:$0xD00] =	vst v1  }
0xfe: {  	[tilespmem:$0xC00] =	vst v2;
	v1 =	vld [tilespmem:$0xC10]  }
0xff: {  	v2 =	vld [tilespmem:s30+$0x810]  }
0x100: {  	v3 =	vld [tilespmem:$0xD10]  }
0x101: {  	v4 =	vld [tilespmem:$0xE10]  }
0x102: {  	v5 =	vld [tilespmem:$0xF10]  }
0x103: {  	v6 =	vld [tilespmem:$0xD90]  }
0x104: {  	v7 =	vld [tilespmem:$0xF90];
	v1 =	vmul.f32 v1, v2  }
0x105: {  	v8 =	vld [tilespmem:$0xC90];
	v3 =	vmul.f32 v3, v2  }
0x106: {  	v9 =	vld [tilespmem:$0xE90];
	[tilespmem:$0xC10] =	vst v1;
	v1 =	vmul.f32 v4, v2  }
0x107: {  	v4 =	vmul.f32 v5, v2;
	[tilespmem:$0xD10] =	vst v3  }
0x108: {  	v3 =	vmul.f32 v6, v2;
	[tilespmem:$0xE10] =	vst v1  }
0x109: {  	v1 =	vmul.f32 v7, v2;
	[tilespmem:$0xF10] =	vst v4  }
0x10a: {  	v4 =	vmul.f32 v8, v2;
	[tilespmem:$0xD90] =	vst v3  }
0x10b: {  	v2 =	vmul.f32 v9, v2;
	[tilespmem:$0xF90] =	vst v1  }
0x10c: {  	[tilespmem:$0xC90] =	vst v4  }
0x10d: {  	[tilespmem:$0xE90] =	vst v2;
	v1 =	vld [tilespmem:$0xC20]  }
0x10e: {  	v2 =	vld [tilespmem:s30+$0x820]  }
0x10f: {  	v3 =	vld [tilespmem:$0xD20]  }
0x110: {  	v4 =	vld [tilespmem:$0xDA0]  }
0x111: {  	v5 =	vld [tilespmem:$0xCA0]  }
0x112: {  	v6 =	vld [tilespmem:$0xFA0]  }
0x113: {  	v7 =	vld [tilespmem:$0xE20];
	v1 =	vmul.f32 v1, v2  }
0x114: {  	v8 =	vld [tilespmem:$0xEA0];
	v3 =	vmul.f32 v3, v2  }
0x115: {  	v9 =	vld [tilespmem:$0xF20];
	v4 =	vmul.f32 v4, v2;
	[tilespmem:$0xC20] =	vst v1  }
0x116: {  	v1 =	vmul.f32 v5, v2;
	[tilespmem:$0xD20] =	vst v3  }
0x117: {  	v3 =	vmul.f32 v6, v2;
	[tilespmem:$0xDA0] =	vst v4  }
0x118: {  	v4 =	vmul.f32 v7, v2;
	[tilespmem:$0xCA0] =	vst v1  }
0x119: {  	v1 =	vmul.f32 v8, v2;
	[tilespmem:$0xFA0] =	vst v3  }
0x11a: {  	v2 =	vmul.f32 v9, v2;
	[tilespmem:$0xE20] =	vst v4  }
0x11b: {  	[tilespmem:$0xEA0] =	vst v1  }
0x11c: {  	[tilespmem:$0xF20] =	vst v2;
	v1 =	vld [tilespmem:$0xC30]  }
0x11d: {  	v2 =	vld [tilespmem:s30+$0x830]  }
0x11e: {  	v3 =	vld [tilespmem:$0xD30]  }
0x11f: {  	v4 =	vld [tilespmem:$0xF30]  }
0x120: {  	v5 =	vld [tilespmem:$0xE30]  }
0x121: {  	v6 =	vld [tilespmem:$0xFB0]  }
0x122: {  	v7 =	vld [tilespmem:$0xDB0];
	v1 =	vmul.f32 v1, v2  }
0x123: {  	v8 =	vld [tilespmem:$0xEB0];
	v3 =	vmul.f32 v3, v2  }
0x124: {  	v9 =	vld [tilespmem:$0xCB0];
	v4 =	vmul.f32 v4, v2;
	[tilespmem:$0xC30] =	vst v1  }
0x125: {  	v1 =	vmul.f32 v5, v2;
	[tilespmem:$0xD30] =	vst v3  }
0x126: {  	v3 =	vmul.f32 v6, v2;
	[tilespmem:$0xF30] =	vst v4  }
0x127: {  	v4 =	vmul.f32 v7, v2;
	[tilespmem:$0xE30] =	vst v1  }
0x128: {  	v1 =	vmul.f32 v8, v2;
	[tilespmem:$0xFB0] =	vst v3  }
0x129: {  	v2 =	vmul.f32 v9, v2;
	[tilespmem:$0xDB0] =	vst v4  }
0x12a: {  	[tilespmem:$0xEB0] =	vst v1  }
0x12b: {  	[tilespmem:$0xCB0] =	vst v2;
	v1 =	vld [tilespmem:$0xC40]  }
0x12c: {  	v2 =	vld [tilespmem:s30+$0x840]  }
0x12d: {  	v3 =	vld [tilespmem:$0xDC0]  }
0x12e: {  	v4 =	vld [tilespmem:$0xCC0]  }
0x12f: {  	v5 =	vld [tilespmem:$0xE40]  }
0x130: {  	v6 =	vld [tilespmem:$0xD40]  }
0x131: {  	v7 =	vld [tilespmem:$0xEC0];
	v1 =	vmul.f32 v1, v2  }
0x132: {  	v8 =	vld [tilespmem:$0xF40];
	v3 =	vmul.f32 v3, v2  }
0x133: {  	v9 =	vld [tilespmem:$0xFC0];
	v4 =	vmul.f32 v4, v2;
	[tilespmem:$0xC40] =	vst v1  }
0x134: {  	v1 =	vmul.f32 v5, v2;
	[tilespmem:$0xDC0] =	vst v3  }
0x135: {  	v3 =	vmul.f32 v6, v2;
	[tilespmem:$0xCC0] =	vst v4  }
0x136: {  	v4 =	vmul.f32 v7, v2;
	[tilespmem:$0xE40] =	vst v1  }
0x137: {  	v1 =	vmul.f32 v8, v2;
	[tilespmem:$0xD40] =	vst v3  }
0x138: {  	v2 =	vmul.f32 v9, v2;
	[tilespmem:$0xEC0] =	vst v4  }
0x139: {  	v5 =	vld [tilespmem:$0xDD0];
	[tilespmem:$0xF40] =	vst v1  }
0x13a: {  	[tilespmem:$0xFC0] =	vst v2;
	v1 =	vld [tilespmem:$0xC50]  }
0x13b: {  	v2 =	vld [tilespmem:s30+$0x850]  }
0x13c: {  	v3 =	vld [tilespmem:$0xD50]  }
0x13d: {  	v4 =	vld [tilespmem:$0xF50]  }
0x13e: {  	v6 =	vld [tilespmem:$0xFD0]  }
0x13f: {  	v7 =	vld [tilespmem:$0xED0]  }
0x140: {  	v8 =	vld [tilespmem:$0xCD0];
	v1 =	vmul.f32 v1, v2  }
0x141: {  	v9 =	vld [tilespmem:$0xE50];
	v3 =	vmul.f32 v3, v2  }
0x142: {  	v4 =	vmul.f32 v4, v2;
	[tilespmem:$0xC50] =	vst v1  }
0x143: {  	v1 =	vmul.f32 v5, v2;
	[tilespmem:$0xD50] =	vst v3  }
0x144: {  	v3 =	vmul.f32 v6, v2;
	[tilespmem:$0xF50] =	vst v4  }
0x145: {  	v4 =	vmul.f32 v7, v2;
	v7 =	vld [tilespmem:$0xF60];
	[tilespmem:$0xDD0] =	vst v1  }
0x146: {  	v5 =	vmul.f32 v8, v2;
	v2 =	vmul.f32 v9, v2;
	v9 =	vld [tilespmem:$0xC60];
	[tilespmem:$0xFD0] =	vst v3  }
0x147: {  	v8 =	vld [tilespmem:$0xD60];
	[tilespmem:$0xED0] =	vst v4  }
0x148: {  	v6 =	vld [tilespmem:$0xCE0];
	[tilespmem:$0xCD0] =	vst v5  }
0x149: {  	[tilespmem:$0xE50] =	vst v2;
	v2 =	vld [tilespmem:$0xFE0]  }
0x14a: {  	v3 =	vld [tilespmem:s30+$0x860]  }
0x14b: {  	v4 =	vld [tilespmem:$0xDE0]  }
0x14c: {  	v5 =	vld [tilespmem:$0xE60]  }
0x14d: {  	v1 =	vld [tilespmem:$0xEE0];
	_ =	sdelay $0x1  }
0x14e: {  	s20 =	simm.s32 $0x200;
	v9 =	vmul.f32 v9, v3;
	v7 =	vmul.f32 v7, v3  }
.LBB3_5:
0x14f: {  	p0 =	sne.s32 s20, $0xE00;
	v8 =	vmul.f32 v8, v3;
	v4 =	vmul.f32 v4, v3;
	s23 =	smov.u32 s20;
	s20 =	sadd.s32 $0x200, s20  }
0x150: {  	v2 =	vmul.f32 v2, v3;
	[tilespmem:$0xC60] =	vst v9;
	v5 =	vmul.f32 v5, v3  }
0x151: {  	v1 =	vmul.f32 v1, v3;
	v6 =	vmul.f32 v6, v3;
	[tilespmem:$0xD60] =	vst v8  }
0x152: {  	[tilespmem:$0xF60] =	vst v7  }
0x153: {  	[tilespmem:$0xDE0] =	vst v4;
	v3 =	vld [tilespmem:$0xFF0]  }
0x154: {  	[tilespmem:$0xCE0] =	vst v6;
	v4 =	vld [tilespmem:$0xF70]  }
0x155: {  	[tilespmem:$0xFE0] =	vst v2;
	v2 =	vld [tilespmem:$0xDF0]  }
0x156: {  	[tilespmem:$0xEE0] =	vst v1;
	v1 =	vld [tilespmem:$0xCF0]  }
0x157: {  	[tilespmem:$0xE60] =	vst v5;
	v5 =	vld [tilespmem:$0xC70]  }
0x158: {  	v6 =	vld [tilespmem:s30+$0x870]  }
0x159: {  	v7 =	vld [tilespmem:$0xD70]  }
0x15a: {  	v8 =	vld [tilespmem:$0xE70]  }
0x15b: {  	v9 =	vld [tilespmem:$0xEF0];
	_ =	sdelay $0x1  }
0x15c: {  	v5 =	vmul.f32 v5, v6;
	v1 =	vmul.f32 v1, v6  }
0x15d: {  	v2 =	vmul.f32 v2, v6;
	v7 =	vmul.f32 v7, v6  }
0x15e: {  	v4 =	vmul.f32 v4, v6;
	[tilespmem:$0xC70] =	vst v5;
	v5 =	vmul.f32 v8, v6  }
0x15f: {  	v3 =	vmul.f32 v3, v6;
	[tilespmem:$0xD70] =	vst v7;
	v7 =	vmul.f32 v9, v6  }
0x160: {  	[tilespmem:$0xDF0] =	vst v2  }
0x161: {  	[tilespmem:$0xEF0] =	vst v7  }
0x162: {  	[tilespmem:$0xFF0] =	vst v3  }
0x163: {  	[tilespmem:$0xCF0] =	vst v1  }
0x164: {  	s30 =	sadd.s32 $0x400, s30;
	[tilespmem:$0xE70] =	vst v5  }
0x165: {  	[tilespmem:$0xF70] =	vst v4  }
0x166: {  	[spmem:s1] =	stream.indirect.scatter.add.f32 [tilespmem:s28], [sflag:$0x2], $0x1, s30, s13, $0xb8;
	[tilespmem:$0x1B080] =	vst v63  }
0x167: {  	_ = 	snop  }
0x168: {  	[spmem:s3] =	stream.indirect.scatter.add.f32 [tilespmem:s29], [sflag:$0x2], $0x1, s30, s13, $0xb8;
	[tilespmem:$0x1B080] =	vst v63  }
0x169: {  	_ = 	snop  }
0x16a: {  	[spmem:s5] =	stream.indirect.scatter.add.f32 [tilespmem:s24], [sflag:$0x2], $0x1, s30, s13, $0xb8;
	[tilespmem:$0x1B080] =	vst v63  }
0x16b: {  	_ = 	snop  }
0x16c: {  	[spmem:s7] =	stream.indirect.scatter.add.f32 [tilespmem:s14], [sflag:$0x2], $0x1, s30, s13, $0xb8;
	[tilespmem:$0x1B080] =	vst v63  }
0x16d: {  	_ = 	snop  }
0x16e: {  	[spmem:s9] =	stream.indirect.scatter.add.f32 [tilespmem:s16], [sflag:$0x2], $0x1, s30, s13, $0xb8;
	[tilespmem:$0x1B080] =	vst v63  }
0x16f: {  	_ = 	snop  }
0x170: {  	[spmem:s11] =	stream.indirect.scatter.add.f32 [tilespmem:s22], [sflag:$0x2], $0x1, s30, s13, $0xb8;
	[tilespmem:$0x1B080] =	vst v63  }
0x171: {  	_ = 	snop  }
0x172: {  	[spmem:s15] =	stream.indirect.scatter.add.f32 [tilespmem:s25], [sflag:$0x2], $0x1, s30, s13, $0xb8;
	[tilespmem:$0x1B080] =	vst v63  }
0x173: {  	_ = 	snop  }
0x174: {  	[spmem:s18] =	stream.indirect.scatter.add.f32 [tilespmem:s26], [sflag:$0x2], $0x1, s30, s13, $0xb8;
	[tilespmem:$0x1B080] =	vst v63  }
0x175: {  	_ =	swait.ge [sflag:s19], $0x80  }
0x176: {  	[sflag:s19] =	ssyncset.done $0x0  }
0x177: {  	[sflag:s19] =	ssyncadd.s32 $0xFFFFFF80  }
0x178: {  	_ =	swait.ge [sflag:s19], $0x80  }
0x179: {  	[sflag:s19] =	ssyncset.done $0x0  }
0x17a: {  	[sflag:s19] =	ssyncadd.s32 $0xFFFFFF80  }
0x17b: {  	_ =	swait.ge [sflag:s19], $0x80  }
0x17c: {  	[sflag:s19] =	ssyncset.done $0x0  }
0x17d: {  	[sflag:s19] =	ssyncadd.s32 $0xFFFFFF80  }
0x17e: {  	_ =	swait.ge [sflag:s19], $0x80  }
0x17f: {  	[sflag:s19] =	ssyncset.done $0x0  }
0x180: {  	[sflag:s19] =	ssyncadd.s32 $0xFFFFFF80  }
0x181: {  	_ =	swait.ge [sflag:s19], $0x80  }
0x182: {  	[sflag:s19] =	ssyncset.done $0x0  }
0x183: {  	[sflag:s19] =	ssyncadd.s32 $0xFFFFFF80  }
0x184: {  	_ =	swait.ge [sflag:s19], $0x80  }
0x185: {  	[sflag:s19] =	ssyncset.done $0x0  }
0x186: {  	[sflag:s19] =	ssyncadd.s32 $0xFFFFFF80  }
0x187: {  	_ =	swait.ge [sflag:s19], $0x80  }
0x188: {  	[sflag:s19] =	ssyncset.done $0x0  }
0x189: {  	[sflag:s19] =	ssyncadd.s32 $0xFFFFFF80  }
0x18a: {  	_ =	swait.ge [sflag:s19], $0x80  }
0x18b: {  	s30 =	sshra.s32 s23, $0x2;
	[sflag:s19] =	ssyncset.done $0x0  }
0x18c: {  	[sflag:s19] =	ssyncadd.s32 $0xFFFFFF80  }
0x18d: {  	[tilespmem:s28], [sflag:$0x1] =	stream.indirect.gather [spmem:s0], $0x1, s30, s13, $0xb8;
	[tilespmem:$0x1B080] =	vst v63  }
0x18e: {  	_ = 	snop  }
0x18f: {  	[tilespmem:s29], [sflag:$0x1] =	stream.indirect.gather [spmem:s2], $0x1, s30, s13, $0xb8;
	[tilespmem:$0x1B080] =	vst v63  }
0x190: {  	_ = 	snop  }
0x191: {  	[tilespmem:s24], [sflag:$0x1] =	stream.indirect.gather [spmem:s4], $0x1, s30, s13, $0xb8;
	[tilespmem:$0x1B080] =	vst v63  }
0x192: {  	_ = 	snop  }
0x193: {  	[tilespmem:s14], [sflag:$0x1] =	stream.indirect.gather [spmem:s6], $0x1, s30, s13, $0xb8;
	[tilespmem:$0x1B080] =	vst v63  }
0x194: {  	_ = 	snop  }
0x195: {  	[tilespmem:s16], [sflag:$0x1] =	stream.indirect.gather [spmem:s8], $0x1, s30, s13, $0xb8;
	[tilespmem:$0x1B080] =	vst v63  }
0x196: {  	_ = 	snop  }
0x197: {  	[tilespmem:s22], [sflag:$0x1] =	stream.indirect.gather [spmem:s10], $0x1, s30, s13, $0xb8;
	[tilespmem:$0x1B080] =	vst v63  }
0x198: {  	_ = 	snop  }
0x199: {  	[tilespmem:s25], [sflag:$0x1] =	stream.indirect.gather [spmem:s12], $0x1, s30, s13, $0xb8;
	[tilespmem:$0x1B080] =	vst v63  }
0x19a: {  	_ = 	snop  }
0x19b: {  	[tilespmem:s26], [sflag:$0x1] =	stream.indirect.gather [spmem:s17], $0x1, s30, s13, $0xb8;
	[tilespmem:$0x1B080] =	vst v63  }
0x19c: {  	_ =	swait.ge [sflag:s31], $0x80  }
0x19d: {  	[sflag:s31] =	ssyncset.done $0x0  }
0x19e: {  	[sflag:s31] =	ssyncadd.s32 $0xFFFFFF80  }
0x19f: {  	_ =	swait.ge [sflag:s31], $0x80  }
0x1a0: {  	[sflag:s31] =	ssyncset.done $0x0  }
0x1a1: {  	[sflag:s31] =	ssyncadd.s32 $0xFFFFFF80  }
0x1a2: {  	_ =	swait.ge [sflag:s31], $0x80  }
0x1a3: {  	[sflag:s31] =	ssyncset.done $0x0  }
0x1a4: {  	[sflag:s31] =	ssyncadd.s32 $0xFFFFFF80  }
0x1a5: {  	_ =	swait.ge [sflag:s31], $0x80  }
0x1a6: {  	[sflag:s31] =	ssyncset.done $0x0  }
0x1a7: {  	[sflag:s31] =	ssyncadd.s32 $0xFFFFFF80  }
0x1a8: {  	_ =	swait.ge [sflag:s31], $0x80  }
0x1a9: {  	[sflag:s31] =	ssyncset.done $0x0  }
0x1aa: {  	[sflag:s31] =	ssyncadd.s32 $0xFFFFFF80  }
0x1ab: {  	_ =	swait.ge [sflag:s31], $0x80  }
0x1ac: {  	[sflag:s31] =	ssyncset.done $0x0  }
0x1ad: {  	[sflag:s31] =	ssyncadd.s32 $0xFFFFFF80  }
0x1ae: {  	_ =	swait.ge [sflag:s31], $0x80  }
0x1af: {  	[sflag:s31] =	ssyncset.done $0x0  }
0x1b0: {  	[sflag:s31] =	ssyncadd.s32 $0xFFFFFF80  }
0x1b1: {  	_ =	swait.ge [sflag:s31], $0x80  }
0x1b2: {  	[sflag:s31] =	ssyncset.done $0x0  }
0x1b3: {  	[sflag:s31] =	ssyncadd.s32 $0xFFFFFF80  }
0x1b4: {  	v1 =	vld [tilespmem:$0xE00]  }
0x1b5: {  	v2 =	vld [tilespmem:$0xE80]  }
0x1b6: {  	v3 =	vld [tilespmem:$0xD80]  }
0x1b7: {  	v4 =	vld [tilespmem:$0xF00]  }
0x1b8: {  	v5 =	vld [tilespmem:$0xD00]  }
0x1b9: {  	v6 =	vld [tilespmem:s30+$0x800]  }
0x1ba: {  	v7 =	vld [tilespmem:$0xC80]  }
0x1bb: {  	v8 =	vld [tilespmem:$0xC00]  }
0x1bc: {  	v9 =	vld [tilespmem:$0xF80];
	_ =	sdelay $0x1  }
0x1bd: {  	v1 =	vmul.f32 v1, v6;
	v4 =	vmul.f32 v4, v6  }
0x1be: {  	v2 =	vmul.f32 v2, v6;
	v7 =	vmul.f32 v7, v6  }
0x1bf: {  	v3 =	vmul.f32 v3, v6;
	v8 =	vmul.f32 v8, v6;
	[tilespmem:$0xF00] =	vst v4  }
0x1c0: {  	v4 =	vmul.f32 v5, v6;
	[tilespmem:$0xC80] =	vst v7;
	v5 =	vmul.f32 v9, v6  }
0x1c1: {  	[tilespmem:$0xE00] =	vst v1  }
0x1c2: {  	[tilespmem:$0xE80] =	vst v2;
	v1 =	vld [tilespmem:$0xF90]  }
0x1c3: {  	[tilespmem:$0xF80] =	vst v5;
	v2 =	vld [tilespmem:$0xE90]  }
0x1c4: {  	[tilespmem:$0xD80] =	vst v3;
	v3 =	vld [tilespmem:$0xD90]  }
0x1c5: {  	[tilespmem:$0xD00] =	vst v4;
	v4 =	vld [tilespmem:$0xF10]  }
0x1c6: {  	[tilespmem:$0xC00] =	vst v8;
	v5 =	vld [tilespmem:$0xC10]  }
0x1c7: {  	v6 =	vld [tilespmem:s30+$0x810]  }
0x1c8: {  	v7 =	vld [tilespmem:$0xD10]  }
0x1c9: {  	v8 =	vld [tilespmem:$0xE10]  }
0x1ca: {  	v9 =	vld [tilespmem:$0xC90];
	_ =	sdelay $0x1  }
0x1cb: {  	v5 =	vmul.f32 v5, v6;
	v4 =	vmul.f32 v4, v6  }
0x1cc: {  	v3 =	vmul.f32 v3, v6;
	v7 =	vmul.f32 v7, v6  }
0x1cd: {  	v2 =	vmul.f32 v2, v6;
	[tilespmem:$0xC10] =	vst v5;
	v5 =	vmul.f32 v8, v6  }
0x1ce: {  	v1 =	vmul.f32 v1, v6;
	v8 =	vmul.f32 v9, v6;
	[tilespmem:$0xD10] =	vst v7  }
0x1cf: {  	[tilespmem:$0xE10] =	vst v5  }
0x1d0: {  	[tilespmem:$0xF10] =	vst v4;
	v4 =	vld [tilespmem:$0xFA0]  }
0x1d1: {  	[tilespmem:$0xD90] =	vst v3;
	v3 =	vld [tilespmem:$0xEA0]  }
0x1d2: {  	[tilespmem:$0xF90] =	vst v1;
	v1 =	vld [tilespmem:$0xDA0]  }
0x1d3: {  	[tilespmem:$0xC90] =	vst v8;
	v5 =	vld [tilespmem:$0xCA0]  }
0x1d4: {  	[tilespmem:$0xE90] =	vst v2;
	v2 =	vld [tilespmem:$0xC20]  }
0x1d5: {  	v6 =	vld [tilespmem:s30+$0x820]  }
0x1d6: {  	v7 =	vld [tilespmem:$0xD20]  }
0x1d7: {  	v8 =	vld [tilespmem:$0xE20]  }
0x1d8: {  	v9 =	vld [tilespmem:$0xF20];
	_ =	sdelay $0x1  }
0x1d9: {  	v2 =	vmul.f32 v2, v6;
	v5 =	vmul.f32 v5, v6  }
0x1da: {  	v1 =	vmul.f32 v1, v6;
	v7 =	vmul.f32 v7, v6  }
0x1db: {  	v3 =	vmul.f32 v3, v6;
	[tilespmem:$0xC20] =	vst v2;
	v2 =	vmul.f32 v8, v6  }
0x1dc: {  	v4 =	vmul.f32 v4, v6;
	[tilespmem:$0xD20] =	vst v7;
	v7 =	vmul.f32 v9, v6  }
0x1dd: {  	[tilespmem:$0xDA0] =	vst v1  }
0x1de: {  	[tilespmem:$0xCA0] =	vst v5;
	v1 =	vld [tilespmem:$0xFB0]  }
0x1df: {  	[tilespmem:$0xFA0] =	vst v4;
	v4 =	vld [tilespmem:$0xE30]  }
0x1e0: {  	[tilespmem:$0xE20] =	vst v2;
	v2 =	vld [tilespmem:$0xDB0]  }
0x1e1: {  	[tilespmem:$0xEA0] =	vst v3;
	v3 =	vld [tilespmem:$0xF30]  }
0x1e2: {  	[tilespmem:$0xF20] =	vst v7;
	v5 =	vld [tilespmem:$0xC30]  }
0x1e3: {  	v6 =	vld [tilespmem:s30+$0x830]  }
0x1e4: {  	v7 =	vld [tilespmem:$0xD30]  }
0x1e5: {  	v8 =	vld [tilespmem:$0xCB0]  }
0x1e6: {  	v9 =	vld [tilespmem:$0xEB0];
	_ =	sdelay $0x1  }
0x1e7: {  	v5 =	vmul.f32 v5, v6;
	v3 =	vmul.f32 v3, v6  }
0x1e8: {  	v2 =	vmul.f32 v2, v6;
	v7 =	vmul.f32 v7, v6  }
0x1e9: {  	v4 =	vmul.f32 v4, v6;
	[tilespmem:$0xC30] =	vst v5;
	v5 =	vmul.f32 v8, v6  }
0x1ea: {  	v1 =	vmul.f32 v1, v6;
	[tilespmem:$0xD30] =	vst v7;
	v7 =	vmul.f32 v9, v6  }
0x1eb: {  	[tilespmem:$0xF30] =	vst v3  }
0x1ec: {  	[tilespmem:$0xE30] =	vst v4;
	v3 =	vld [tilespmem:$0xF40]  }
0x1ed: {  	[tilespmem:$0xFB0] =	vst v1;
	v1 =	vld [tilespmem:$0xFC0]  }
0x1ee: {  	[tilespmem:$0xDB0] =	vst v2;
	v2 =	vld [tilespmem:$0xDC0]  }
0x1ef: {  	[tilespmem:$0xEB0] =	vst v7;
	v4 =	vld [tilespmem:$0xCC0]  }
0x1f0: {  	[tilespmem:$0xCB0] =	vst v5;
	v5 =	vld [tilespmem:$0xC40]  }
0x1f1: {  	v6 =	vld [tilespmem:s30+$0x840]  }
0x1f2: {  	v7 =	vld [tilespmem:$0xD40]  }
0x1f3: {  	v8 =	vld [tilespmem:$0xE40]  }
0x1f4: {  	v9 =	vld [tilespmem:$0xEC0];
	_ =	sdelay $0x1  }
0x1f5: {  	v5 =	vmul.f32 v5, v6;
	v4 =	vmul.f32 v4, v6  }
0x1f6: {  	v2 =	vmul.f32 v2, v6;
	v7 =	vmul.f32 v7, v6  }
0x1f7: {  	v1 =	vmul.f32 v1, v6;
	[tilespmem:$0xC40] =	vst v5;
	v5 =	vmul.f32 v8, v6  }
0x1f8: {  	v3 =	vmul.f32 v3, v6;
	[tilespmem:$0xDC0] =	vst v2;
	v2 =	vmul.f32 v9, v6  }
0x1f9: {  	[tilespmem:$0xCC0] =	vst v4  }
0x1fa: {  	[tilespmem:$0xE40] =	vst v5;
	v4 =	vld [tilespmem:$0xFD0]  }
0x1fb: {  	[tilespmem:$0xD40] =	vst v7;
	v5 =	vld [tilespmem:$0xED0]  }
0x1fc: {  	[tilespmem:$0xEC0] =	vst v2;
	v2 =	vld [tilespmem:$0xDD0]  }
0x1fd: {  	[tilespmem:$0xF40] =	vst v3;
	v3 =	vld [tilespmem:$0xF50]  }
0x1fe: {  	[tilespmem:$0xFC0] =	vst v1;
	v1 =	vld [tilespmem:$0xC50]  }
0x1ff: {  	v6 =	vld [tilespmem:s30+$0x850]  }
0x200: {  	v7 =	vld [tilespmem:$0xD50]  }
0x201: {  	v8 =	vld [tilespmem:$0xE50]  }
0x202: {  	v9 =	vld [tilespmem:$0xCD0];
	_ =	sdelay $0x1  }
0x203: {  	v1 =	vmul.f32 v1, v6;
	v3 =	vmul.f32 v3, v6  }
0x204: {  	v2 =	vmul.f32 v2, v6;
	v7 =	vmul.f32 v7, v6  }
0x205: {  	v5 =	vmul.f32 v5, v6;
	[tilespmem:$0xC50] =	vst v1;
	v8 =	vmul.f32 v8, v6  }
0x206: {  	v4 =	vmul.f32 v4, v6;
	v9 =	vmul.f32 v9, v6;
	[tilespmem:$0xD50] =	vst v7  }
0x207: {  	[tilespmem:$0xF50] =	vst v3  }
0x208: {  	[tilespmem:$0xDD0] =	vst v2;
	v1 =	vld [tilespmem:$0xEE0]  }
0x209: {  	[tilespmem:$0xFD0] =	vst v4;
	v2 =	vld [tilespmem:$0xFE0]  }
0x20a: {  	[tilespmem:$0xED0] =	vst v5;
	v4 =	vld [tilespmem:$0xDE0]  }
0x20b: {  	[tilespmem:$0xCD0] =	vst v9;
	v7 =	vld [tilespmem:$0xF60]  }
0x20c: {  	[tilespmem:$0xE50] =	vst v8;
	v9 =	vld [tilespmem:$0xC60]  }
0x20d: {  	v3 =	vld [tilespmem:s30+$0x860]  }
.Ltmp1:
0x20e: {  	v8 =	vld [tilespmem:$0xD60];
	(pc) =	sbr.rel @p0 .LBB3_5-.Ltmp1, $3  }
0x20f: {  	v5 =	vld [tilespmem:$0xE60]  }
0x210: {  	v6 =	vld [tilespmem:$0xCE0];
	_ =	sdelay $0x1  }
0x211: {  	v9 =	vmul.f32 v9, v3;
	v7 =	vmul.f32 v7, v3  }
0x212: {  	_ = 	snop  }
0x213: {  	v8 =	vmul.f32 v8, v3;
	[tilespmem:$0xC60] =	vst v9  }
0x214: {  	v4 =	vmul.f32 v4, v3;
	[tilespmem:$0xF60] =	vst v7  }
0x215: {  	v2 =	vmul.f32 v2, v3;
	[tilespmem:$0xD60] =	vst v8  }
0x216: {  	v1 =	vmul.f32 v1, v3;
	[tilespmem:$0xDE0] =	vst v4  }
0x217: {  	v6 =	vmul.f32 v6, v3;
	[tilespmem:$0xFE0] =	vst v2  }
0x218: {  	v3 =	vmul.f32 v5, v3;
	[tilespmem:$0xEE0] =	vst v1  }
0x219: {  	[tilespmem:$0xCE0] =	vst v6  }
0x21a: {  	v1 =	vld [tilespmem:$0xC70];
	[tilespmem:$0xE60] =	vst v3  }
0x21b: {  	v2 =	vld [tilespmem:s30+$0x870]  }
0x21c: {  	v3 =	vld [tilespmem:$0xD70]  }
0x21d: {  	v57 =	vld [tilespmem:$0xDF0]  }
0x21e: {  	v60 =	vld [tilespmem:$0xCF0]  }
0x21f: {  	v58 =	vld [tilespmem:$0xEF0]  }
0x220: {  	v59 =	vld [tilespmem:$0xFF0];
	v1 =	vmul.f32 v1, v2  }
0x221: {  	v61 =	vld [tilespmem:$0xE70];
	v3 =	vmul.f32 v3, v2  }
0x222: {  	v62 =	vld [tilespmem:$0xF70];
	v4 =	vmul.f32 v57, v2;
	[tilespmem:$0xC70] =	vst v1  }
0x223: {  	v63 =	vmul.f32 v60, v2;
	[tilespmem:$0xD70] =	vst v3  }
0x224: {  	v1 =	vmul.f32 v58, v2;
	[tilespmem:$0xDF0] =	vst v4  }
0x225: {  	v3 =	vmul.f32 v59, v2;
	[tilespmem:$0xCF0] =	vst v63  }
0x226: {  	[tilespmem:$0xEF0] =	vst v1;
	v1 =	vmul.f32 v61, v2  }
0x227: {  	[tilespmem:$0xFF0] =	vst v3;
	v2 =	vmul.f32 v62, v2  }
0x228: {  	[tilespmem:$0xE70] =	vst v1  }
0x229: {  	s20 =	sadd.s32 $0x400, s30;
	[tilespmem:$0xF70] =	vst v2  }
0x22a: {  	[spmem:s1] =	stream.indirect.scatter.add.f32 [tilespmem:s28], [sflag:$0x2], $0x1, s20, s13, $0xb8;
	[tilespmem:$0x1B080] =	vst v63  }
0x22b: {  	_ = 	snop  }
0x22c: {  	[spmem:s3] =	stream.indirect.scatter.add.f32 [tilespmem:s29], [sflag:$0x2], $0x1, s20, s13, $0xb8;
	[tilespmem:$0x1B080] =	vst v63  }
0x22d: {  	_ = 	snop  }
0x22e: {  	[spmem:s5] =	stream.indirect.scatter.add.f32 [tilespmem:s24], [sflag:$0x2], $0x1, s20, s13, $0xb8;
	[tilespmem:$0x1B080] =	vst v63  }
0x22f: {  	_ = 	snop  }
0x230: {  	[spmem:s7] =	stream.indirect.scatter.add.f32 [tilespmem:s14], [sflag:$0x2], $0x1, s20, s13, $0xb8;
	[tilespmem:$0x1B080] =	vst v63  }
0x231: {  	_ = 	snop  }
0x232: {  	[spmem:s9] =	stream.indirect.scatter.add.f32 [tilespmem:s16], [sflag:$0x2], $0x1, s20, s13, $0xb8;
	[tilespmem:$0x1B080] =	vst v63  }
0x233: {  	_ = 	snop  }
0x234: {  	[spmem:s11] =	stream.indirect.scatter.add.f32 [tilespmem:s22], [sflag:$0x2], $0x1, s20, s13, $0xb8;
	[tilespmem:$0x1B080] =	vst v63  }
0x235: {  	_ = 	snop  }
0x236: {  	[spmem:s15] =	stream.indirect.scatter.add.f32 [tilespmem:s25], [sflag:$0x2], $0x1, s20, s13, $0xb8;
	[tilespmem:$0x1B080] =	vst v63  }
0x237: {  	_ = 	snop  }
0x238: {  	[spmem:s18] =	stream.indirect.scatter.add.f32 [tilespmem:s26], [sflag:$0x2], $0x1, s20, s13, $0xb8;
	[tilespmem:$0x1B080] =	vst v63  }
0x239: {  	_ =	swait.ge [sflag:s19], $0x80  }
0x23a: {  	[sflag:s19] =	ssyncset.done $0x0  }
0x23b: {  	[sflag:s19] =	ssyncadd.s32 $0xFFFFFF80  }
0x23c: {  	_ =	swait.ge [sflag:s19], $0x80  }
0x23d: {  	[sflag:s19] =	ssyncset.done $0x0  }
0x23e: {  	[sflag:s19] =	ssyncadd.s32 $0xFFFFFF80  }
0x23f: {  	_ =	swait.ge [sflag:s19], $0x80  }
0x240: {  	[sflag:s19] =	ssyncset.done $0x0  }
0x241: {  	[sflag:s19] =	ssyncadd.s32 $0xFFFFFF80  }
0x242: {  	_ =	swait.ge [sflag:s19], $0x80  }
0x243: {  	[sflag:s19] =	ssyncset.done $0x0  }
0x244: {  	[sflag:s19] =	ssyncadd.s32 $0xFFFFFF80  }
0x245: {  	_ =	swait.ge [sflag:s19], $0x80  }
0x246: {  	[sflag:s19] =	ssyncset.done $0x0  }
0x247: {  	[sflag:s19] =	ssyncadd.s32 $0xFFFFFF80  }
0x248: {  	_ =	swait.ge [sflag:s19], $0x80  }
0x249: {  	[sflag:s19] =	ssyncset.done $0x0  }
0x24a: {  	[sflag:s19] =	ssyncadd.s32 $0xFFFFFF80  }
0x24b: {  	_ =	swait.ge [sflag:s19], $0x80  }
0x24c: {  	[sflag:s19] =	ssyncset.done $0x0  }
0x24d: {  	[sflag:s19] =	ssyncadd.s32 $0xFFFFFF80  }
0x24e: {  	_ =	swait.ge [sflag:s19], $0x80  }
0x24f: {  	s21 =	sld [smem:$0x7E6];
	_ =	sdelay $0x2  }
0x250: {  	s21 =	sadd.s32 $0x1, s21  }
0x251: {  	p0 =	sne.s32 s21, $0x31  }
.Ltmp2:
0x252: {  	_ = 	snop;
	(pc) =	sbr.rel @p0 .LBB3_4-.Ltmp2, $3  }
0x253: {  	_ =	sdelay $0x1  }
0x254: {  	[sflag:s19] =	ssyncset.done $0x0  }
0x255: {  	[sflag:s19] =	ssyncadd.s32 $0xFFFFFF80  }
0x256: {  	[bflag:$0x0] =	sbarrier.arrive $0xFFFF  }
0x257: {  	s23 =	sld [smem:$0x7ED]  }
0x258: {  	s20 =	rddreg [dreg:$0x1c]  }
0x259: {  	s21 =	simm.s32 $0x10;
	s30 =	rddreg [dreg:$0x13];
	s20 =	sshrl.u32 s20, $0x3  }
0x25a: {  	[hbm:s23@s13], [sflag:s30] =	dma.strided [spmem:s20@s21], $0x310, s31, $0x10   }
0x25b: {  	s21 =	simm.s32 $0x3  }
0x25c: {  	_ =	swait.ge [sflag:s21], $0x310  }
0x25d: {  	s23 =	rddreg [dreg:$0x1d]  }
0x25e: {  	s20 =	sshrl.u32 s23, $0x3;
	s23 =	sld [smem:$0x7EE]  }
0x25f: {  	[sflag:s21] =	ssyncset.done $0x0  }
0x260: {  	s30 =	simm.s32 $0x10;
	[sflag:s21] =	ssyncadd.s32 $0xFFFFFCF0;
	s21 =	rddreg [dreg:$0x13]  }
0x261: {  	[hbm:s23@s13], [sflag:s21] =	dma.strided [spmem:s20@s30], $0x310, s31, $0x10   }
0x262: {  	s21 =	simm.s32 $0x3  }
0x263: {  	_ =	swait.ge [sflag:s21], $0x310  }
0x264: {  	s23 =	rddreg [dreg:$0x1e]  }
0x265: {  	s20 =	sshrl.u32 s23, $0x3;
	s23 =	sld [smem:$0x7EF]  }
0x266: {  	[sflag:s21] =	ssyncset.done $0x0  }
0x267: {  	s30 =	simm.s32 $0x10;
	[sflag:s21] =	ssyncadd.s32 $0xFFFFFCF0;
	s21 =	rddreg [dreg:$0x13]  }
0x268: {  	[hbm:s23@s13], [sflag:s21] =	dma.strided [spmem:s20@s30], $0x310, s31, $0x10   }
0x269: {  	s21 =	simm.s32 $0x3  }
0x26a: {  	_ =	swait.ge [sflag:s21], $0x310  }
0x26b: {  	s23 =	rddreg [dreg:$0x1f]  }
0x26c: {  	s20 =	sshrl.u32 s23, $0x3;
	s23 =	sld [smem:$0x7F0]  }
0x26d: {  	[sflag:s21] =	ssyncset.done $0x0  }
0x26e: {  	s30 =	simm.s32 $0x10;
	[sflag:s21] =	ssyncadd.s32 $0xFFFFFCF0;
	s21 =	rddreg [dreg:$0x13]  }
0x26f: {  	[hbm:s23@s13], [sflag:s21] =	dma.strided [spmem:s20@s30], $0x310, s31, $0x10   }
0x270: {  	s21 =	simm.s32 $0x3  }
0x271: {  	_ =	swait.ge [sflag:s21], $0x310  }
0x272: {  	s23 =	sld [smem:$0x7E8];
	_ =	sdelay $0x2  }
0x273: {  	s20 =	sshrl.u32 s23, $0x3;
	s23 =	sld [smem:$0x7F1]  }
0x274: {  	[sflag:s21] =	ssyncset.done $0x0  }
0x275: {  	s30 =	simm.s32 $0x10;
	[sflag:s21] =	ssyncadd.s32 $0xFFFFFCF0;
	s21 =	rddreg [dreg:$0x13]  }
0x276: {  	[hbm:s23@s13], [sflag:s21] =	dma.strided [spmem:s20@s30], $0x310, s31, $0x10   }
0x277: {  	s21 =	simm.s32 $0x3  }
0x278: {  	_ =	swait.ge [sflag:s21], $0x310  }
0x279: {  	s23 =	sld [smem:$0x7E9];
	_ =	sdelay $0x2  }
0x27a: {  	s20 =	sshrl.u32 s23, $0x3;
	s23 =	sld [smem:$0x7F2]  }
0x27b: {  	[sflag:s21] =	ssyncset.done $0x0  }
0x27c: {  	s30 =	simm.s32 $0x10;
	[sflag:s21] =	ssyncadd.s32 $0xFFFFFCF0;
	s21 =	rddreg [dreg:$0x13]  }
0x27d: {  	[hbm:s23@s13], [sflag:s21] =	dma.strided [spmem:s20@s30], $0x310, s31, $0x10   }
0x27e: {  	s21 =	simm.s32 $0x3  }
0x27f: {  	_ =	swait.ge [sflag:s21], $0x310  }
0x280: {  	s23 =	sld [smem:$0x7EA];
	_ =	sdelay $0x2  }
0x281: {  	s20 =	sshrl.u32 s23, $0x3;
	s23 =	sld [smem:$0x7F3]  }
0x282: {  	[sflag:s21] =	ssyncset.done $0x0  }
0x283: {  	s30 =	simm.s32 $0x10;
	[sflag:s21] =	ssyncadd.s32 $0xFFFFFCF0;
	s21 =	rddreg [dreg:$0x13]  }
0x284: {  	[hbm:s23@s13], [sflag:s21] =	dma.strided [spmem:s20@s30], $0x310, s31, $0x10   }
0x285: {  	s21 =	simm.s32 $0x3  }
0x286: {  	_ =	swait.ge [sflag:s21], $0x310  }
0x287: {  	s23 =	sld [smem:$0x7EB];
	_ =	sdelay $0x2  }
0x288: {  	s20 =	sshrl.u32 s23, $0x3;
	s23 =	sld [smem:$0x7F4]  }
0x289: {  	[sflag:s21] =	ssyncset.done $0x0  }
0x28a: {  	s30 =	simm.s32 $0x10;
	[sflag:s21] =	ssyncadd.s32 $0xFFFFFCF0;
	s21 =	rddreg [dreg:$0x13]  }
0x28b: {  	[hbm:s23@s13], [sflag:s21] =	dma.strided [spmem:s20@s30], $0x310, s31, $0x10   }
0x28c: {  	s21 =	simm.s32 $0x3  }
0x28d: {  	_ =	swait.ge [sflag:s21], $0x310  }
0x28e: {  	s23 =	sld [smem:$0x7F5]  }
0x28f: {  	s30 =	rddreg [dreg:$0xe]  }
0x290: {  	s30 =	sadd.s32 $0x1, s30  }
0x291: {  	p0 =	sne.s32 s30, s23  }
.Ltmp3:
0x292: {  	_ = 	snop;
	(pc) =	sbr.rel @p0 .LBB3_1-.Ltmp3, $3  }
0x293: {  	_ =	sdelay $0x1  }
0x294: {  	[sflag:s21] =	ssyncset.done $0x0;
	s21 =	simm.s32 $0x3  }
0x295: {  	[sflag:s21] =	ssyncadd.s32 $0xFFFFFCF0  }
0x296: {  	_ =	sfence.sel $0x180000  }
0x297: {  	[bflag:$0x0] =	sbarrier.arrive $0xFFFF  }
0x298: {  	_ =	strace $0x9000004A  }
0x299: {  	s0 =	stileid.u32;
	[bflag:$0x2] =	sbarrier.arrive $0xFFFF  }
0x29a: {  	p0 =	sne.s32 s0, $0x0;
	s0 =	rddreg [dreg:$0xf]  }
0x29b: {  	s0 =	sadd.s32 @!p0 $0x100000, s0  }
0x29c: {  	[sflag:s0] =	ssyncadd.tile.s32 @!p0 $0x1;
	_ =	shalt  }
.Lfunc_end3:
_tile_overlayer_lowered:
.L_overlay_start_3:
0x29d: {  	(tag) =	ssettag $0x3  }
0x29e: {  	s0 =	rddreg [dreg:$0x0];
	s2 =	stileid.u32  }
0x29f: {  	s1 =	rddreg [dreg:$0x1];
	p0 =	sne.s32 s2, $0x0  }
0x2a0: {  	s3 =	rddreg [dreg:$0x2];
	[bflag:$0x3] =	sbarrier.arrive $0xFFFF;
	s2 =	simm.s32 @!p0 $0x1C03  }
0x2a1: {  	[timem:s3], [sflag:s2] =	dma.local @!p0 [hbm:s0], s1  }
0x2a2: {  	s0 =	simm.s32 @!p0 $0x3  }
0x2a3: {  	_ =	swait.ge @!p0 [sflag:s0], s1  }
0x2a4: {  	s1 =	ssub.s32 @!p0 $0x0, s1;
	[sflag:s0] =	ssyncset.done @!p0 $0x0  }
0x2a5: {  	[sflag:s0] =	ssyncadd.s32 @!p0 s1  }
0x2a6: {  	[bflag:$0x3] =	sbarrier.arrive $0xFFFF  }
0x2a7: {  	_ =	shalt  }

</sc_bundles>
